<compile_context>
chip_gen: v7x
topology: tpu7x:2x2x1
jax: 0.10.2.dev20260603
libtpu: 0.0.44.dev20260713+nightly
codegen_flags: <defaults>
</compile_context>

<pallas_src>
import functools

import jax
import jax.numpy as jnp
from jax import lax
from jax.experimental import pallas as pl
from jax.experimental.pallas import tpu as pltpu
from jax.experimental.pallas import tpu_sc as plsc

_BETA = 0.25
_BT = 2560
_NW = 32
_CH = 128


def _dist_argmin_body(z_ref, c_ref, one_ref, idx_ref, loss_ref):
    i = pl.program_id(0)
    zb3 = z_ref[...]
    zb = zb3.reshape(zb3.shape[0] * zb3.shape[1], zb3.shape[2])
    cb = c_ref[...]
    prod_t = lax.dot_general(cb * -2.0, zb, (((1,), (1,)), ((), ())),
                             preferred_element_type=jnp.float32)
    zbf = zb.astype(jnp.bfloat16)
    z_sq = lax.dot_general(one_ref[...], zbf * zbf,
                           (((1,), (1,)), ((), ())),
                           preferred_element_type=jnp.float32)
    c_sq = jnp.sum(cb * cb, axis=1, keepdims=True)
    dist_t = (z_sq + prod_t) + c_sq
    m = jnp.min(dist_t, axis=0, keepdims=True)
    k = dist_t.shape[0]
    ks = lax.broadcasted_iota(jnp.int32, dist_t.shape, 0)
    idxb = jnp.min(jnp.where(dist_t == m, ks, k), axis=0)
    nch = idx_ref.shape[1] - 4
    idx_ref[0, :nch, :] = idxb.reshape(nch, 128)
    idx_ref[0, nch:, :] = jnp.zeros((4, 128), jnp.int32)

    @pl.when(i == 0)
    def _():
        loss_ref[0, 0] = 0.0

    loss_ref[0, 0] += jnp.sum(m)


def _dist_argmin(z, codebook):
    b, n, d = z.shape
    br = _BT // n
    bt = br * n
    k = codebook.shape[0]
    nb = b // br
    idx3, loss = pl.pallas_call(
        _dist_argmin_body,
        grid=(nb,),
        in_specs=[
            pl.BlockSpec((br, n, d), lambda i: (i, 0, 0)),
            pl.BlockSpec((k, d), lambda i: (0, 0)),
            pl.BlockSpec((k, d), lambda i: (0, 0)),
        ],
        out_specs=[
            pl.BlockSpec((1, bt // 128 + 4, 128), lambda i: (i, 0, 0)),
            pl.BlockSpec((1, 1), lambda i: (0, 0), memory_space=pltpu.SMEM),
        ],
        out_shape=[
            jax.ShapeDtypeStruct((nb, bt // 128 + 4, 128), jnp.int32),
            jax.ShapeDtypeStruct((1, 1), jnp.float32),
        ],
    )(z, codebook, jnp.ones((k, d), jnp.bfloat16))
    return idx3, loss[0, 0]


def _sc_gather(codebook, idx3):
    nch = idx3.shape[1] - 4
    t = _NW * nch * _CH
    k, d = codebook.shape
    tok_per_w = t // _NW

    @functools.partial(
        pl.kernel,
        mesh=plsc.VectorSubcoreMesh(core_axis_name="c", subcore_axis_name="s"),
        out_type=jax.ShapeDtypeStruct((t, d), jnp.float32),
        scratch_types=[
            pltpu.VMEM((nch + 4, _CH), jnp.int32),
            pltpu.VMEM((_CH, d), jnp.float32),
            pltpu.VMEM((_CH, d), jnp.float32),
            pltpu.VMEM((_CH, d), jnp.float32),
            pltpu.SemaphoreType.DMA,
            pltpu.SemaphoreType.DMA,
            pltpu.SemaphoreType.DMA,
            pltpu.SemaphoreType.DMA,
            pltpu.SemaphoreType.DMA,
            pltpu.SemaphoreType.DMA,
        ],
    )
    def gather_kernel(cb_hbm, idx_hbm, out_hbm, idx_v,
                      buf0, buf1, buf2, g0, g1, g2, s0, s1, s2):
        cid = lax.axis_index("c")
        sid = lax.axis_index("s")
        wid = sid * 2 + cid
        base = pl.multiple_of(wid * tok_per_w, _CH)

        pltpu.sync_copy(idx_hbm.at[wid], idx_v)
        bufs = (buf0, buf1, buf2)
        gsems = (g0, g1, g2)
        ssems = (s0, s1, s2)
        gth = [None, None, None]
        st = [None, None, None]
        for j in range(min(3, nch)):
            gth[j] = pltpu.async_copy(cb_hbm.at[idx_v.at[j]], bufs[j], gsems[j])
        for j in range(nch):
            p = j % 3
            gth[p].wait()
            st[p] = pltpu.async_copy(
                bufs[p], out_hbm.at[pl.ds(base + j * _CH, _CH)], ssems[p])
            if j + 3 < nch:
                st[p].wait()
                gth[p] = pltpu.async_copy(
                    cb_hbm.at[idx_v.at[j + 3]], bufs[p], gsems[p])
        for j in range(max(0, nch - 3), nch):
            st[j % 3].wait()

    return gather_kernel(codebook, idx3)


def kernel(z, codebook):
    b, n, d = z.shape
    t = b * n
    idx24, loss_sum = _dist_argmin(z, codebook)
    z_q = _sc_gather(codebook, idx24)
    idx_flat = idx24[:, :idx24.shape[1] - 4, :].reshape(t)
    vq_loss = (_BETA / (t * d)) * loss_sum
    return (z_q.reshape(b, n, d), vq_loss, idx_flat.reshape(b, n))

# --- scband reference (transcript-rebuilt; emitter-appended) ---
"""Pipeline reference for scband-part-token-gnnmodel-15839839387999 (READ-ONLY COPY).

The authoritative reference and input builder live on the scoring server;
editing this copy changes nothing except your own understanding.
"""

import jax, jax.numpy as jnp
import numpy as np

CODEBOOK_SIZE = 512
CODE_DIM = 256
BETA = 0.25

def setup_inputs(seed: int = 0) -> dict:
    key = jax.random.key(seed)
    k1, k2 = jax.random.split(key)
    z = jax.random.normal(k1, (16384, 5, 256), dtype=jnp.float32)
    codebook = jax.random.normal(k2, (CODEBOOK_SIZE, CODE_DIM), dtype=jnp.float32) * 0.02
    return {"z": z, "codebook": codebook}

def reference(z, codebook):
    # Faithful VQCodebookEMA forward (l2 distance, no cosine normalize):
    # flatten tokens, compute pairwise squared-l2 distances to codebook,
    # argmin nearest-code lookup (gather), straight-through estimator,
    # EMA variant => vq_loss is beta * commitment term only.
    B, N, D = z.shape
    flat = z.reshape(-1, D)
    z_sq = jnp.sum(flat * flat, axis=1, keepdims=True)            # [T, 1]
    c_sq = jnp.sum(codebook * codebook, axis=1)[None, :]           # [1, K]
    dist = z_sq - 2.0 * (flat @ codebook.T) + c_sq                 # [T, K]
    idx = jnp.argmin(dist, axis=1)                                 # [T] int
    z_q = jnp.take(codebook, idx, axis=0).reshape(B, N, D)         # gather
    commit_loss = jnp.mean((jax.lax.stop_gradient(z_q) - z) ** 2)
    vq_loss = BETA * commit_loss
    z_q_st = z + jax.lax.stop_gradient(z_q - z)                    # straight-through
    return (z_q_st, vq_loss, idx.reshape(B, N))

if False:  # reference __main__ guard neutralized (emitter)
    out = reference(**setup_inputs())
    print(out[0].shape, out[1], out[2].shape)

if __name__ == "__main__":
    import jax
    _d = setup_inputs()
    print(jax.jit(kernel)(*tuple(_d.values())))

</pallas_src>

<mosaic_0001>
#map = affine_map<(d0, d1) -> (0, 0)>
#map1 = affine_map<(d0, d1) -> (0, 0, 0)>
module attributes {stable_mosaic.version = 14 : i64} {
  func.func @gather_kernel(%arg0: i32, %arg1: i32, %arg2: memref<512x256xf32, #tpu.memory_space<hbm>>, %arg3: memref<32x24x128xi32, #tpu.memory_space<hbm>>, %arg4: memref<81920x256xf32, #tpu.memory_space<hbm>>, %arg5: memref<24x128xi32, #tpu.memory_space<vmem>>, %arg6: memref<128x256xf32, #tpu.memory_space<vmem>>, %arg7: memref<128x256xf32, #tpu.memory_space<vmem>>, %arg8: memref<128x256xf32, #tpu.memory_space<vmem>>, %arg9: memref<!tpu.dma_semaphore, #tpu.memory_space<semaphore_mem>>, %arg10: memref<!tpu.dma_semaphore, #tpu.memory_space<semaphore_mem>>, %arg11: memref<!tpu.dma_semaphore, #tpu.memory_space<semaphore_mem>>, %arg12: memref<!tpu.dma_semaphore, #tpu.memory_space<semaphore_mem>>, %arg13: memref<!tpu.dma_semaphore, #tpu.memory_space<semaphore_mem>>, %arg14: memref<!tpu.dma_semaphore, #tpu.memory_space<semaphore_mem>>) attributes {dimension_semantics = [#tpu.dimension_semantics<core_parallel>, #tpu.dimension_semantics<subcore_parallel>], iteration_bounds = array<i64: 2, 16>, scalar_prefetch = 0 : i64, scratch_operands = 10 : i64, tpu.core_type = #tpu.core_type<sc_vector_subcore>, window_params = [{transform_indices = #map}, {transform_indices = #map1}, {transform_indices = #map}]} {
    %mul3A = arith.constant 2 : i32
    %mul3A_0 = arith.muli %arg1, %mul3A : i32
    %add3A = arith.addi %mul3A_0, %arg0 : i32
    %mul3A_1 = arith.constant 2560 : i32
    %mul3A_2 = arith.muli %add3A, %mul3A_1 : i32
    %multiple_of3A = tpu.assume_multiple %mul3A_2, 128 : i32
    "tpu.region"() ({
      %run_scoped3A = tpu.sem_alloc : memref<!tpu.dma_semaphore, #tpu.memory_space<semaphore_mem>>
      %dma_start3A_481 = arith.constant 0 : i32
      %dma_start3A_482 = arith.constant 0 : i32
      %dma_start3A_483 = tpu.memref_slice %arg3[%add3A, %dma_start3A_481, %dma_start3A_482] : memref<32x24x128xi32, #tpu.memory_space<hbm>> -> memref<1x24x128xi32, #tpu.memory_space<hbm>>
      %dma_start3A_484 = tpu.memref_squeeze %dma_start3A_483 : memref<1x24x128xi32, #tpu.memory_space<hbm>> -> memref<24x128xi32, #tpu.memory_space<hbm>>
      %dma_start3A_485 = arith.constant 0 : i32
      %dma_start3A_486 = arith.constant 0 : i32
      %dma_start3A_487 = tpu.memref_slice %arg3[%add3A, %dma_start3A_485, %dma_start3A_486] : memref<32x24x128xi32, #tpu.memory_space<hbm>> -> memref<1x24x128xi32, #tpu.memory_space<hbm>>
      %dma_start3A_488 = tpu.memref_squeeze %dma_start3A_487 : memref<1x24x128xi32, #tpu.memory_space<hbm>> -> memref<24x128xi32, #tpu.memory_space<hbm>>
      tpu.enqueue_dma source(%dma_start3A_488 : memref<24x128xi32, #tpu.memory_space<hbm>>) target(%arg5 : memref<24x128xi32, #tpu.memory_space<vmem>>) target_semaphore(%run_scoped3A : memref<!tpu.dma_semaphore, #tpu.memory_space<semaphore_mem>>)
      %dma_wait3A_489 = arith.constant 0 : i32
      %dma_wait3A_490 = arith.constant 0 : i32
      %dma_wait3A_491 = tpu.memref_slice %arg3[%add3A, %dma_wait3A_489, %dma_wait3A_490] : memref<32x24x128xi32, #tpu.memory_space<hbm>> -> memref<1x24x128xi32, #tpu.memory_space<hbm>>
      %dma_wait3A_492 = tpu.memref_squeeze %dma_wait3A_491 : memref<1x24x128xi32, #tpu.memory_space<hbm>> -> memref<24x128xi32, #tpu.memory_space<hbm>>
      %dma_wait3A_493 = arith.constant 0 : i32
      %dma_wait3A_494 = arith.constant 0 : i32
      %dma_wait3A_495 = tpu.memref_slice %arg3[%add3A, %dma_wait3A_493, %dma_wait3A_494] : memref<32x24x128xi32, #tpu.memory_space<hbm>> -> memref<1x24x128xi32, #tpu.memory_space<hbm>>
      %dma_wait3A_496 = tpu.memref_squeeze %dma_wait3A_495 : memref<1x24x128xi32, #tpu.memory_space<hbm>> -> memref<24x128xi32, #tpu.memory_space<hbm>>
      tpu.wait_dma2 semaphore(%run_scoped3A : memref<!tpu.dma_semaphore, #tpu.memory_space<semaphore_mem>>) src(%dma_wait3A_496 : memref<24x128xi32, #tpu.memory_space<hbm>>) dst(%arg5 : memref<24x128xi32, #tpu.memory_space<vmem>>)
      tpu.yield
    }) : () -> ()
    %dma_start3A = arith.constant 0 : i32
    %dma_start3A_3 = arith.constant 0 : i32
    %dma_start3A_4 = tpu.memref_slice %arg5[%dma_start3A, %dma_start3A_3] : memref<24x128xi32, #tpu.memory_space<vmem>> -> memref<1x128xi32, #tpu.memory_space<vmem>>
    %dma_start3A_5 = tpu.memref_squeeze %dma_start3A_4 : memref<1x128xi32, #tpu.memory_space<vmem>> -> memref<128xi32, #tpu.memory_space<vmem>>
    %dma_start3A_6 = arith.constant 0 : i32
    %dma_start3A_7 = arith.constant 0 : i32
    %dma_start3A_8 = tpu.memref_slice %arg2[%dma_start3A_6, %dma_start3A_7] : memref<512x256xf32, #tpu.memory_space<hbm>> -> memref<512x256xf32, #tpu.memory_space<hbm>>
    tpu.enqueue_indirect_dma source(%dma_start3A_8 : memref<512x256xf32, #tpu.memory_space<hbm>>) target(%arg6 : memref<128x256xf32, #tpu.memory_space<vmem>>) offsets(%dma_start3A_5 : memref<128xi32, #tpu.memory_space<vmem>>) semaphore(%arg9 : memref<!tpu.dma_semaphore, #tpu.memory_space<semaphore_mem>>)
    %dma_start3A_9 = arith.constant 1 : i32
    %dma_start3A_10 = arith.constant 0 : i32
    %dma_start3A_11 = tpu.memref_slice %arg5[%dma_start3A_9, %dma_start3A_10] : memref<24x128xi32, #tpu.memory_space<vmem>> -> memref<1x128xi32, #tpu.memory_space<vmem>>
    %dma_start3A_12 = tpu.memref_squeeze %dma_start3A_11 : memref<1x128xi32, #tpu.memory_space<vmem>> -> memref<128xi32, #tpu.memory_space<vmem>>
    %dma_start3A_13 = arith.constant 0 : i32
    %dma_start3A_14 = arith.constant 0 : i32
    %dma_start3A_15 = tpu.memref_slice %arg2[%dma_start3A_13, %dma_start3A_14] : memref<512x256xf32, #tpu.memory_space<hbm>> -> memref<512x256xf32, #tpu.memory_space<hbm>>
    tpu.enqueue_indirect_dma source(%dma_start3A_15 : memref<512x256xf32, #tpu.memory_space<hbm>>) target(%arg7 : memref<128x256xf32, #tpu.memory_space<vmem>>) offsets(%dma_start3A_12 : memref<128xi32, #tpu.memory_space<vmem>>) semaphore(%arg10 : memref<!tpu.dma_semaphore, #tpu.memory_space<semaphore_mem>>)
    %dma_start3A_16 = arith.constant 2 : i32
    %dma_start3A_17 = arith.constant 0 : i32
    %dma_start3A_18 = tpu.memref_slice %arg5[%dma_start3A_16, %dma_start3A_17] : memref<24x128xi32, #tpu.memory_space<vmem>> -> memref<1x128xi32, #tpu.memory_space<vmem>>
    %dma_start3A_19 = tpu.memref_squeeze %dma_start3A_18 : memref<1x128xi32, #tpu.memory_space<vmem>> -> memref<128xi32, #tpu.memory_space<vmem>>
    %dma_start3A_20 = arith.constant 0 : i32
    %dma_start3A_21 = arith.constant 0 : i32
    %dma_start3A_22 = tpu.memref_slice %arg2[%dma_start3A_20, %dma_start3A_21] : memref<512x256xf32, #tpu.memory_space<hbm>> -> memref<512x256xf32, #tpu.memory_space<hbm>>
    tpu.enqueue_indirect_dma source(%dma_start3A_22 : memref<512x256xf32, #tpu.memory_space<hbm>>) target(%arg8 : memref<128x256xf32, #tpu.memory_space<vmem>>) offsets(%dma_start3A_19 : memref<128xi32, #tpu.memory_space<vmem>>) semaphore(%arg11 : memref<!tpu.dma_semaphore, #tpu.memory_space<semaphore_mem>>)
    %dma_wait3A = arith.constant 0 : i32
    %dma_wait3A_23 = arith.constant 0 : i32
    %dma_wait3A_24 = tpu.memref_slice %arg5[%dma_wait3A, %dma_wait3A_23] : memref<24x128xi32, #tpu.memory_space<vmem>> -> memref<1x128xi32, #tpu.memory_space<vmem>>
    %dma_wait3A_25 = tpu.memref_squeeze %dma_wait3A_24 : memref<1x128xi32, #tpu.memory_space<vmem>> -> memref<128xi32, #tpu.memory_space<vmem>>
    %dma_wait3A_26 = arith.constant 0 : i32
    %dma_wait3A_27 = arith.constant 0 : i32
    %dma_wait3A_28 = tpu.memref_slice %arg2[%dma_wait3A_26, %dma_wait3A_27] : memref<512x256xf32, #tpu.memory_space<hbm>> -> memref<512x256xf32, #tpu.memory_space<hbm>>
    tpu.wait_indirect_dma semaphore(%arg9 : memref<!tpu.dma_semaphore, #tpu.memory_space<semaphore_mem>>) src(%dma_wait3A_28 : memref<512x256xf32, #tpu.memory_space<hbm>>) dst(%arg6 : memref<128x256xf32, #tpu.memory_space<vmem>>)
    %add3A_29 = arith.constant 0 : i32
    %add3A_30 = arith.addi %multiple_of3A, %add3A_29 : i32
    %dma_start3A_31 = arith.constant 0 : i32
    %dma_start3A_32 = tpu.memref_slice %arg4[%add3A_30, %dma_start3A_31] : memref<81920x256xf32, #tpu.memory_space<hbm>> -> memref<128x256xf32, #tpu.memory_space<hbm>>
    %dma_start3A_33 = arith.constant 0 : i32
    %dma_start3A_34 = tpu.memref_slice %arg4[%add3A_30, %dma_start3A_33] : memref<81920x256xf32, #tpu.memory_space<hbm>> -> memref<128x256xf32, #tpu.memory_space<hbm>>
    tpu.enqueue_dma source(%arg6 : memref<128x256xf32, #tpu.memory_space<vmem>>) target(%dma_start3A_34 : memref<128x256xf32, #tpu.memory_space<hbm>>) target_semaphore(%arg12 : memref<!tpu.dma_semaphore, #tpu.memory_space<semaphore_mem>>)
    %dma_wait3A_35 = arith.constant 0 : i32
    %dma_wait3A_36 = tpu.memref_slice %arg4[%add3A_30, %dma_wait3A_35] : memref<81920x256xf32, #tpu.memory_space<hbm>> -> memref<128x256xf32, #tpu.memory_space<hbm>>
    %dma_wait3A_37 = arith.constant 0 : i32
    %dma_wait3A_38 = tpu.memref_slice %arg4[%add3A_30, %dma_wait3A_37] : memref<81920x256xf32, #tpu.memory_space<hbm>> -> memref<128x256xf32, #tpu.memory_space<hbm>>
    tpu.wait_dma2 semaphore(%arg12 : memref<!tpu.dma_semaphore, #tpu.memory_space<semaphore_mem>>) src(%arg6 : memref<128x256xf32, #tpu.memory_space<vmem>>) dst(%dma_wait3A_38 : memref<128x256xf32, #tpu.memory_space<hbm>>)
    %dma_start3A_39 = arith.constant 3 : i32
    %dma_start3A_40 = arith.constant 0 : i32
    %dma_start3A_41 = tpu.memref_slice %arg5[%dma_start3A_39, %dma_start3A_40] : memref<24x128xi32, #tpu.memory_space<vmem>> -> memref<1x128xi32, #tpu.memory_space<vmem>>
    %dma_start3A_42 = tpu.memref_squeeze %dma_start3A_41 : memref<1x128xi32, #tpu.memory_space<vmem>> -> memref<128xi32, #tpu.memory_space<vmem>>
    %dma_start3A_43 = arith.constant 0 : i32
    %dma_start3A_44 = arith.constant 0 : i32
    %dma_start3A_45 = tpu.memref_slice %arg2[%dma_start3A_43, %dma_start3A_44] : memref<512x256xf32, #tpu.memory_space<hbm>> -> memref<512x256xf32, #tpu.memory_space<hbm>>
    tpu.enqueue_indirect_dma source(%dma_start3A_45 : memref<512x256xf32, #tpu.memory_space<hbm>>) target(%arg6 : memref<128x256xf32, #tpu.memory_space<vmem>>) offsets(%dma_start3A_42 : memref<128xi32, #tpu.memory_space<vmem>>) semaphore(%arg9 : memref<!tpu.dma_semaphore, #tpu.memory_space<semaphore_mem>>)
    %dma_wait3A_46 = arith.constant 1 : i32
    %dma_wait3A_47 = arith.constant 0 : i32
    %dma_wait3A_48 = tpu.memref_slice %arg5[%dma_wait3A_46, %dma_wait3A_47] : memref<24x128xi32, #tpu.memory_space<vmem>> -> memref<1x128xi32, #tpu.memory_space<vmem>>
    %dma_wait3A_49 = tpu.memref_squeeze %dma_wait3A_48 : memref<1x128xi32, #tpu.memory_space<vmem>> -> memref<128xi32, #tpu.memory_space<vmem>>
    %dma_wait3A_50 = arith.constant 0 : i32
    %dma_wait3A_51 = arith.constant 0 : i32
    %dma_wait3A_52 = tpu.memref_slice %arg2[%dma_wait3A_50, %dma_wait3A_51] : memref<512x256xf32, #tpu.memory_space<hbm>> -> memref<512x256xf32, #tpu.memory_space<hbm>>
    tpu.wait_indirect_dma semaphore(%arg10 : memref<!tpu.dma_semaphore, #tpu.memory_space<semaphore_mem>>) src(%dma_wait3A_52 : memref<512x256xf32, #tpu.memory_space<hbm>>) dst(%arg7 : memref<128x256xf32, #tpu.memory_space<vmem>>)
    %add3A_53 = arith.constant 128 : i32
    %add3A_54 = arith.addi %multiple_of3A, %add3A_53 : i32
    %dma_start3A_55 = arith.constant 0 : i32
    %dma_start3A_56 = tpu.memref_slice %arg4[%add3A_54, %dma_start3A_55] : memref<81920x256xf32, #tpu.memory_space<hbm>> -> memref<128x256xf32, #tpu.memory_space<hbm>>
    %dma_start3A_57 = arith.constant 0 : i32
    %dma_start3A_58 = tpu.memref_slice %arg4[%add3A_54, %dma_start3A_57] : memref<81920x256xf32, #tpu.memory_space<hbm>> -> memref<128x256xf32, #tpu.memory_space<hbm>>
    tpu.enqueue_dma source(%arg7 : memref<128x256xf32, #tpu.memory_space<vmem>>) target(%dma_start3A_58 : memref<128x256xf32, #tpu.memory_space<hbm>>) target_semaphore(%arg13 : memref<!tpu.dma_semaphore, #tpu.memory_space<semaphore_mem>>)
    %dma_wait3A_59 = arith.constant 0 : i32
    %dma_wait3A_60 = tpu.memref_slice %arg4[%add3A_54, %dma_wait3A_59] : memref<81920x256xf32, #tpu.memory_space<hbm>> -> memref<128x256xf32, #tpu.memory_space<hbm>>
    %dma_wait3A_61 = arith.constant 0 : i32
    %dma_wait3A_62 = tpu.memref_slice %arg4[%add3A_54, %dma_wait3A_61] : memref<81920x256xf32, #tpu.memory_space<hbm>> -> memref<128x256xf32, #tpu.memory_space<hbm>>
    tpu.wait_dma2 semaphore(%arg13 : memref<!tpu.dma_semaphore, #tpu.memory_space<semaphore_mem>>) src(%arg7 : memref<128x256xf32, #tpu.memory_space<vmem>>) dst(%dma_wait3A_62 : memref<128x256xf32, #tpu.memory_space<hbm>>)
    %dma_start3A_63 = arith.constant 4 : i32
    %dma_start3A_64 = arith.constant 0 : i32
    %dma_start3A_65 = tpu.memref_slice %arg5[%dma_start3A_63, %dma_start3A_64] : memref<24x128xi32, #tpu.memory_space<vmem>> -> memref<1x128xi32, #tpu.memory_space<vmem>>
    %dma_start3A_66 = tpu.memref_squeeze %dma_start3A_65 : memref<1x128xi32, #tpu.memory_space<vmem>> -> memref<128xi32, #tpu.memory_space<vmem>>
    %dma_start3A_67 = arith.constant 0 : i32
    %dma_start3A_68 = arith.constant 0 : i32
    %dma_start3A_69 = tpu.memref_slice %arg2[%dma_start3A_67, %dma_start3A_68] : memref<512x256xf32, #tpu.memory_space<hbm>> -> memref<512x256xf32, #tpu.memory_space<hbm>>
    tpu.enqueue_indirect_dma source(%dma_start3A_69 : memref<512x256xf32, #tpu.memory_space<hbm>>) target(%arg7 : memref<128x256xf32, #tpu.memory_space<vmem>>) offsets(%dma_start3A_66 : memref<128xi32, #tpu.memory_space<vmem>>) semaphore(%arg10 : memref<!tpu.dma_semaphore, #tpu.memory_space<semaphore_mem>>)
    %dma_wait3A_70 = arith.constant 2 : i32
    %dma_wait3A_71 = arith.constant 0 : i32
    %dma_wait3A_72 = tpu.memref_slice %arg5[%dma_wait3A_70, %dma_wait3A_71] : memref<24x128xi32, #tpu.memory_space<vmem>> -> memref<1x128xi32, #tpu.memory_space<vmem>>
    %dma_wait3A_73 = tpu.memref_squeeze %dma_wait3A_72 : memref<1x128xi32, #tpu.memory_space<vmem>> -> memref<128xi32, #tpu.memory_space<vmem>>
    %dma_wait3A_74 = arith.constant 0 : i32
    %dma_wait3A_75 = arith.constant 0 : i32
    %dma_wait3A_76 = tpu.memref_slice %arg2[%dma_wait3A_74, %dma_wait3A_75] : memref<512x256xf32, #tpu.memory_space<hbm>> -> memref<512x256xf32, #tpu.memory_space<hbm>>
    tpu.wait_indirect_dma semaphore(%arg11 : memref<!tpu.dma_semaphore, #tpu.memory_space<semaphore_mem>>) src(%dma_wait3A_76 : memref<512x256xf32, #tpu.memory_space<hbm>>) dst(%arg8 : memref<128x256xf32, #tpu.memory_space<vmem>>)
    %add3A_77 = arith.constant 256 : i32
    %add3A_78 = arith.addi %multiple_of3A, %add3A_77 : i32
    %dma_start3A_79 = arith.constant 0 : i32
    %dma_start3A_80 = tpu.memref_slice %arg4[%add3A_78, %dma_start3A_79] : memref<81920x256xf32, #tpu.memory_space<hbm>> -> memref<128x256xf32, #tpu.memory_space<hbm>>
    %dma_start3A_81 = arith.constant 0 : i32
    %dma_start3A_82 = tpu.memref_slice %arg4[%add3A_78, %dma_start3A_81] : memref<81920x256xf32, #tpu.memory_space<hbm>> -> memref<128x256xf32, #tpu.memory_space<hbm>>
    tpu.enqueue_dma source(%arg8 : memref<128x256xf32, #tpu.memory_space<vmem>>) target(%dma_start3A_82 : memref<128x256xf32, #tpu.memory_space<hbm>>) target_semaphore(%arg14 : memref<!tpu.dma_semaphore, #tpu.memory_space<semaphore_mem>>)
    %dma_wait3A_83 = arith.constant 0 : i32
    %dma_wait3A_84 = tpu.memref_slice %arg4[%add3A_78, %dma_wait3A_83] : memref<81920x256xf32, #tpu.memory_space<hbm>> -> memref<128x256xf32, #tpu.memory_space<hbm>>
    %dma_wait3A_85 = arith.constant 0 : i32
    %dma_wait3A_86 = tpu.memref_slice %arg4[%add3A_78, %dma_wait3A_85] : memref<81920x256xf32, #tpu.memory_space<hbm>> -> memref<128x256xf32, #tpu.memory_space<hbm>>
    tpu.wait_dma2 semaphore(%arg14 : memref<!tpu.dma_semaphore, #tpu.memory_space<semaphore_mem>>) src(%arg8 : memref<128x256xf32, #tpu.memory_space<vmem>>) dst(%dma_wait3A_86 : memref<128x256xf32, #tpu.memory_space<hbm>>)
    %dma_start3A_87 = arith.constant 5 : i32
    %dma_start3A_88 = arith.constant 0 : i32
    %dma_start3A_89 = tpu.memref_slice %arg5[%dma_start3A_87, %dma_start3A_88] : memref<24x128xi32, #tpu.memory_space<vmem>> -> memref<1x128xi32, #tpu.memory_space<vmem>>
    %dma_start3A_90 = tpu.memref_squeeze %dma_start3A_89 : memref<1x128xi32, #tpu.memory_space<vmem>> -> memref<128xi32, #tpu.memory_space<vmem>>
    %dma_start3A_91 = arith.constant 0 : i32
    %dma_start3A_92 = arith.constant 0 : i32
    %dma_start3A_93 = tpu.memref_slice %arg2[%dma_start3A_91, %dma_start3A_92] : memref<512x256xf32, #tpu.memory_space<hbm>> -> memref<512x256xf32, #tpu.memory_space<hbm>>
    tpu.enqueue_indirect_dma source(%dma_start3A_93 : memref<512x256xf32, #tpu.memory_space<hbm>>) target(%arg8 : memref<128x256xf32, #tpu.memory_space<vmem>>) offsets(%dma_start3A_90 : memref<128xi32, #tpu.memory_space<vmem>>) semaphore(%arg11 : memref<!tpu.dma_semaphore, #tpu.memory_space<semaphore_mem>>)
    %dma_wait3A_94 = arith.constant 3 : i32
    %dma_wait3A_95 = arith.constant 0 : i32
    %dma_wait3A_96 = tpu.memref_slice %arg5[%dma_wait3A_94, %dma_wait3A_95] : memref<24x128xi32, #tpu.memory_space<vmem>> -> memref<1x128xi32, #tpu.memory_space<vmem>>
    %dma_wait3A_97 = tpu.memref_squeeze %dma_wait3A_96 : memref<1x128xi32, #tpu.memory_space<vmem>> -> memref<128xi32, #tpu.memory_space<vmem>>
    %dma_wait3A_98 = arith.constant 0 : i32
    %dma_wait3A_99 = arith.constant 0 : i32
    %dma_wait3A_100 = tpu.memref_slice %arg2[%dma_wait3A_98, %dma_wait3A_99] : memref<512x256xf32, #tpu.memory_space<hbm>> -> memref<512x256xf32, #tpu.memory_space<hbm>>
    tpu.wait_indirect_dma semaphore(%arg9 : memref<!tpu.dma_semaphore, #tpu.memory_space<semaphore_mem>>) src(%dma_wait3A_100 : memref<512x256xf32, #tpu.memory_space<hbm>>) dst(%arg6 : memref<128x256xf32, #tpu.memory_space<vmem>>)
    %add3A_101 = arith.constant 384 : i32
    %add3A_102 = arith.addi %multiple_of3A, %add3A_101 : i32
    %dma_start3A_103 = arith.constant 0 : i32
    %dma_start3A_104 = tpu.memref_slice %arg4[%add3A_102, %dma_start3A_103] : memref<81920x256xf32, #tpu.memory_space<hbm>> -> memref<128x256xf32, #tpu.memory_space<hbm>>
    %dma_start3A_105 = arith.constant 0 : i32
    %dma_start3A_106 = tpu.memref_slice %arg4[%add3A_102, %dma_start3A_105] : memref<81920x256xf32, #tpu.memory_space<hbm>> -> memref<128x256xf32, #tpu.memory_space<hbm>>
    tpu.enqueue_dma source(%arg6 : memref<128x256xf32, #tpu.memory_space<vmem>>) target(%dma_start3A_106 : memref<128x256xf32, #tpu.memory_space<hbm>>) target_semaphore(%arg12 : memref<!tpu.dma_semaphore, #tpu.memory_space<semaphore_mem>>)
    %dma_wait3A_107 = arith.constant 0 : i32
    %dma_wait3A_108 = tpu.memref_slice %arg4[%add3A_102, %dma_wait3A_107] : memref<81920x256xf32, #tpu.memory_space<hbm>> -> memref<128x256xf32, #tpu.memory_space<hbm>>
    %dma_wait3A_109 = arith.constant 0 : i32
    %dma_wait3A_110 = tpu.memref_slice %arg4[%add3A_102, %dma_wait3A_109] : memref<81920x256xf32, #tpu.memory_space<hbm>> -> memref<128x256xf32, #tpu.memory_space<hbm>>
    tpu.wait_dma2 semaphore(%arg12 : memref<!tpu.dma_semaphore, #tpu.memory_space<semaphore_mem>>) src(%arg6 : memref<128x256xf32, #tpu.memory_space<vmem>>) dst(%dma_wait3A_110 : memref<128x256xf32, #tpu.memory_space<hbm>>)
    %dma_start3A_111 = arith.constant 6 : i32
    %dma_start3A_112 = arith.constant 0 : i32
    %dma_start3A_113 = tpu.memref_slice %arg5[%dma_start3A_111, %dma_start3A_112] : memref<24x128xi32, #tpu.memory_space<vmem>> -> memref<1x128xi32, #tpu.memory_space<vmem>>
    %dma_start3A_114 = tpu.memref_squeeze %dma_start3A_113 : memref<1x128xi32, #tpu.memory_space<vmem>> -> memref<128xi32, #tpu.memory_space<vmem>>
    %dma_start3A_115 = arith.constant 0 : i32
    %dma_start3A_116 = arith.constant 0 : i32
    %dma_start3A_117 = tpu.memref_slice %arg2[%dma_start3A_115, %dma_start3A_116] : memref<512x256xf32, #tpu.memory_space<hbm>> -> memref<512x256xf32, #tpu.memory_space<hbm>>
    tpu.enqueue_indirect_dma source(%dma_start3A_117 : memref<512x256xf32, #tpu.memory_space<hbm>>) target(%arg6 : memref<128x256xf32, #tpu.memory_space<vmem>>) offsets(%dma_start3A_114 : memref<128xi32, #tpu.memory_space<vmem>>) semaphore(%arg9 : memref<!tpu.dma_semaphore, #tpu.memory_space<semaphore_mem>>)
    %dma_wait3A_118 = arith.constant 4 : i32
    %dma_wait3A_119 = arith.constant 0 : i32
    %dma_wait3A_120 = tpu.memref_slice %arg5[%dma_wait3A_118, %dma_wait3A_119] : memref<24x128xi32, #tpu.memory_space<vmem>> -> memref<1x128xi32, #tpu.memory_space<vmem>>
    %dma_wait3A_121 = tpu.memref_squeeze %dma_wait3A_120 : memref<1x128xi32, #tpu.memory_space<vmem>> -> memref<128xi32, #tpu.memory_space<vmem>>
    %dma_wait3A_122 = arith.constant 0 : i32
    %dma_wait3A_123 = arith.constant 0 : i32
    %dma_wait3A_124 = tpu.memref_slice %arg2[%dma_wait3A_122, %dma_wait3A_123] : memref<512x256xf32, #tpu.memory_space<hbm>> -> memref<512x256xf32, #tpu.memory_space<hbm>>
    tpu.wait_indirect_dma semaphore(%arg10 : memref<!tpu.dma_semaphore, #tpu.memory_space<semaphore_mem>>) src(%dma_wait3A_124 : memref<512x256xf32, #tpu.memory_space<hbm>>) dst(%arg7 : memref<128x256xf32, #tpu.memory_space<vmem>>)
    %add3A_125 = arith.constant 512 : i32
    %add3A_126 = arith.addi %multiple_of3A, %add3A_125 : i32
    %dma_start3A_127 = arith.constant 0 : i32
    %dma_start3A_128 = tpu.memref_slice %arg4[%add3A_126, %dma_start3A_127] : memref<81920x256xf32, #tpu.memory_space<hbm>> -> memref<128x256xf32, #tpu.memory_space<hbm>>
    %dma_start3A_129 = arith.constant 0 : i32
    %dma_start3A_130 = tpu.memref_slice %arg4[%add3A_126, %dma_start3A_129] : memref<81920x256xf32, #tpu.memory_space<hbm>> -> memref<128x256xf32, #tpu.memory_space<hbm>>
    tpu.enqueue_dma source(%arg7 : memref<128x256xf32, #tpu.memory_space<vmem>>) target(%dma_start3A_130 : memref<128x256xf32, #tpu.memory_space<hbm>>) target_semaphore(%arg13 : memref<!tpu.dma_semaphore, #tpu.memory_space<semaphore_mem>>)
    %dma_wait3A_131 = arith.constant 0 : i32
    %dma_wait3A_132 = tpu.memref_slice %arg4[%add3A_126, %dma_wait3A_131] : memref<81920x256xf32, #tpu.memory_space<hbm>> -> memref<128x256xf32, #tpu.memory_space<hbm>>
    %dma_wait3A_133 = arith.constant 0 : i32
    %dma_wait3A_134 = tpu.memref_slice %arg4[%add3A_126, %dma_wait3A_133] : memref<81920x256xf32, #tpu.memory_space<hbm>> -> memref<128x256xf32, #tpu.memory_space<hbm>>
    tpu.wait_dma2 semaphore(%arg13 : memref<!tpu.dma_semaphore, #tpu.memory_space<semaphore_mem>>) src(%arg7 : memref<128x256xf32, #tpu.memory_space<vmem>>) dst(%dma_wait3A_134 : memref<128x256xf32, #tpu.memory_space<hbm>>)
    %dma_start3A_135 = arith.constant 7 : i32
    %dma_start3A_136 = arith.constant 0 : i32
    %dma_start3A_137 = tpu.memref_slice %arg5[%dma_start3A_135, %dma_start3A_136] : memref<24x128xi32, #tpu.memory_space<vmem>> -> memref<1x128xi32, #tpu.memory_space<vmem>>
    %dma_start3A_138 = tpu.memref_squeeze %dma_start3A_137 : memref<1x128xi32, #tpu.memory_space<vmem>> -> memref<128xi32, #tpu.memory_space<vmem>>
    %dma_start3A_139 = arith.constant 0 : i32
    %dma_start3A_140 = arith.constant 0 : i32
    %dma_start3A_141 = tpu.memref_slice %arg2[%dma_start3A_139, %dma_start3A_140] : memref<512x256xf32, #tpu.memory_space<hbm>> -> memref<512x256xf32, #tpu.memory_space<hbm>>
    tpu.enqueue_indirect_dma source(%dma_start3A_141 : memref<512x256xf32, #tpu.memory_space<hbm>>) target(%arg7 : memref<128x256xf32, #tpu.memory_space<vmem>>) offsets(%dma_start3A_138 : memref<128xi32, #tpu.memory_space<vmem>>) semaphore(%arg10 : memref<!tpu.dma_semaphore, #tpu.memory_space<semaphore_mem>>)
    %dma_wait3A_142 = arith.constant 5 : i32
    %dma_wait3A_143 = arith.constant 0 : i32
    %dma_wait3A_144 = tpu.memref_slice %arg5[%dma_wait3A_142, %dma_wait3A_143] : memref<24x128xi32, #tpu.memory_space<vmem>> -> memref<1x128xi32, #tpu.memory_space<vmem>>
    %dma_wait3A_145 = tpu.memref_squeeze %dma_wait3A_144 : memref<1x128xi32, #tpu.memory_space<vmem>> -> memref<128xi32, #tpu.memory_space<vmem>>
    %dma_wait3A_146 = arith.constant 0 : i32
    %dma_wait3A_147 = arith.constant 0 : i32
    %dma_wait3A_148 = tpu.memref_slice %arg2[%dma_wait3A_146, %dma_wait3A_147] : memref<512x256xf32, #tpu.memory_space<hbm>> -> memref<512x256xf32, #tpu.memory_space<hbm>>
    tpu.wait_indirect_dma semaphore(%arg11 : memref<!tpu.dma_semaphore, #tpu.memory_space<semaphore_mem>>) src(%dma_wait3A_148 : memref<512x256xf32, #tpu.memory_space<hbm>>) dst(%arg8 : memref<128x256xf32, #tpu.memory_space<vmem>>)
    %add3A_149 = arith.constant 640 : i32
    %add3A_150 = arith.addi %multiple_of3A, %add3A_149 : i32
    %dma_start3A_151 = arith.constant 0 : i32
    %dma_start3A_152 = tpu.memref_slice %arg4[%add3A_150, %dma_start3A_151] : memref<81920x256xf32, #tpu.memory_space<hbm>> -> memref<128x256xf32, #tpu.memory_space<hbm>>
    %dma_start3A_153 = arith.constant 0 : i32
    %dma_start3A_154 = tpu.memref_slice %arg4[%add3A_150, %dma_start3A_153] : memref<81920x256xf32, #tpu.memory_space<hbm>> -> memref<128x256xf32, #tpu.memory_space<hbm>>
    tpu.enqueue_dma source(%arg8 : memref<128x256xf32, #tpu.memory_space<vmem>>) target(%dma_start3A_154 : memref<128x256xf32, #tpu.memory_space<hbm>>) target_semaphore(%arg14 : memref<!tpu.dma_semaphore, #tpu.memory_space<semaphore_mem>>)
    %dma_wait3A_155 = arith.constant 0 : i32
    %dma_wait3A_156 = tpu.memref_slice %arg4[%add3A_150, %dma_wait3A_155] : memref<81920x256xf32, #tpu.memory_space<hbm>> -> memref<128x256xf32, #tpu.memory_space<hbm>>
    %dma_wait3A_157 = arith.constant 0 : i32
    %dma_wait3A_158 = tpu.memref_slice %arg4[%add3A_150, %dma_wait3A_157] : memref<81920x256xf32, #tpu.memory_space<hbm>> -> memref<128x256xf32, #tpu.memory_space<hbm>>
    tpu.wait_dma2 semaphore(%arg14 : memref<!tpu.dma_semaphore, #tpu.memory_space<semaphore_mem>>) src(%arg8 : memref<128x256xf32, #tpu.memory_space<vmem>>) dst(%dma_wait3A_158 : memref<128x256xf32, #tpu.memory_space<hbm>>)
    %dma_start3A_159 = arith.constant 8 : i32
    %dma_start3A_160 = arith.constant 0 : i32
    %dma_start3A_161 = tpu.memref_slice %arg5[%dma_start3A_159, %dma_start3A_160] : memref<24x128xi32, #tpu.memory_space<vmem>> -> memref<1x128xi32, #tpu.memory_space<vmem>>
    %dma_start3A_162 = tpu.memref_squeeze %dma_start3A_161 : memref<1x128xi32, #tpu.memory_space<vmem>> -> memref<128xi32, #tpu.memory_space<vmem>>
    %dma_start3A_163 = arith.constant 0 : i32
    %dma_start3A_164 = arith.constant 0 : i32
    %dma_start3A_165 = tpu.memref_slice %arg2[%dma_start3A_163, %dma_start3A_164] : memref<512x256xf32, #tpu.memory_space<hbm>> -> memref<512x256xf32, #tpu.memory_space<hbm>>
    tpu.enqueue_indirect_dma source(%dma_start3A_165 : memref<512x256xf32, #tpu.memory_space<hbm>>) target(%arg8 : memref<128x256xf32, #tpu.memory_space<vmem>>) offsets(%dma_start3A_162 : memref<128xi32, #tpu.memory_space<vmem>>) semaphore(%arg11 : memref<!tpu.dma_semaphore, #tpu.memory_space<semaphore_mem>>)
    %dma_wait3A_166 = arith.constant 6 : i32
    %dma_wait3A_167 = arith.constant 0 : i32
    %dma_wait3A_168 = tpu.memref_slice %arg5[%dma_wait3A_166, %dma_wait3A_167] : memref<24x128xi32, #tpu.memory_space<vmem>> -> memref<1x128xi32, #tpu.memory_space<vmem>>
    %dma_wait3A_169 = tpu.memref_squeeze %dma_wait3A_168 : memref<1x128xi32, #tpu.memory_space<vmem>> -> memref<128xi32, #tpu.memory_space<vmem>>
    %dma_wait3A_170 = arith.constant 0 : i32
    %dma_wait3A_171 = arith.constant 0 : i32
    %dma_wait3A_172 = tpu.memref_slice %arg2[%dma_wait3A_170, %dma_wait3A_171] : memref<512x256xf32, #tpu.memory_space<hbm>> -> memref<512x256xf32, #tpu.memory_space<hbm>>
    tpu.wait_indirect_dma semaphore(%arg9 : memref<!tpu.dma_semaphore, #tpu.memory_space<semaphore_mem>>) src(%dma_wait3A_172 : memref<512x256xf32, #tpu.memory_space<hbm>>) dst(%arg6 : memref<128x256xf32, #tpu.memory_space<vmem>>)
    %add3A_173 = arith.constant 768 : i32
    %add3A_174 = arith.addi %multiple_of3A, %add3A_173 : i32
    %dma_start3A_175 = arith.constant 0 : i32
    %dma_start3A_176 = tpu.memref_slice %arg4[%add3A_174, %dma_start3A_175] : memref<81920x256xf32, #tpu.memory_space<hbm>> -> memref<128x256xf32, #tpu.memory_space<hbm>>
    %dma_start3A_177 = arith.constant 0 : i32
    %dma_start3A_178 = tpu.memref_slice %arg4[%add3A_174, %dma_start3A_177] : memref<81920x256xf32, #tpu.memory_space<hbm>> -> memref<128x256xf32, #tpu.memory_space<hbm>>
    tpu.enqueue_dma source(%arg6 : memref<128x256xf32, #tpu.memory_space<vmem>>) target(%dma_start3A_178 : memref<128x256xf32, #tpu.memory_space<hbm>>) target_semaphore(%arg12 : memref<!tpu.dma_semaphore, #tpu.memory_space<semaphore_mem>>)
    %dma_wait3A_179 = arith.constant 0 : i32
    %dma_wait3A_180 = tpu.memref_slice %arg4[%add3A_174, %dma_wait3A_179] : memref<81920x256xf32, #tpu.memory_space<hbm>> -> memref<128x256xf32, #tpu.memory_space<hbm>>
    %dma_wait3A_181 = arith.constant 0 : i32
    %dma_wait3A_182 = tpu.memref_slice %arg4[%add3A_174, %dma_wait3A_181] : memref<81920x256xf32, #tpu.memory_space<hbm>> -> memref<128x256xf32, #tpu.memory_space<hbm>>
    tpu.wait_dma2 semaphore(%arg12 : memref<!tpu.dma_semaphore, #tpu.memory_space<semaphore_mem>>) src(%arg6 : memref<128x256xf32, #tpu.memory_space<vmem>>) dst(%dma_wait3A_182 : memref<128x256xf32, #tpu.memory_space<hbm>>)
    %dma_start3A_183 = arith.constant 9 : i32
    %dma_start3A_184 = arith.constant 0 : i32
    %dma_start3A_185 = tpu.memref_slice %arg5[%dma_start3A_183, %dma_start3A_184] : memref<24x128xi32, #tpu.memory_space<vmem>> -> memref<1x128xi32, #tpu.memory_space<vmem>>
    %dma_start3A_186 = tpu.memref_squeeze %dma_start3A_185 : memref<1x128xi32, #tpu.memory_space<vmem>> -> memref<128xi32, #tpu.memory_space<vmem>>
    %dma_start3A_187 = arith.constant 0 : i32
    %dma_start3A_188 = arith.constant 0 : i32
    %dma_start3A_189 = tpu.memref_slice %arg2[%dma_start3A_187, %dma_start3A_188] : memref<512x256xf32, #tpu.memory_space<hbm>> -> memref<512x256xf32, #tpu.memory_space<hbm>>
    tpu.enqueue_indirect_dma source(%dma_start3A_189 : memref<512x256xf32, #tpu.memory_space<hbm>>) target(%arg6 : memref<128x256xf32, #tpu.memory_space<vmem>>) offsets(%dma_start3A_186 : memref<128xi32, #tpu.memory_space<vmem>>) semaphore(%arg9 : memref<!tpu.dma_semaphore, #tpu.memory_space<semaphore_mem>>)
    %dma_wait3A_190 = arith.constant 7 : i32
    %dma_wait3A_191 = arith.constant 0 : i32
    %dma_wait3A_192 = tpu.memref_slice %arg5[%dma_wait3A_190, %dma_wait3A_191] : memref<24x128xi32, #tpu.memory_space<vmem>> -> memref<1x128xi32, #tpu.memory_space<vmem>>
    %dma_wait3A_193 = tpu.memref_squeeze %dma_wait3A_192 : memref<1x128xi32, #tpu.memory_space<vmem>> -> memref<128xi32, #tpu.memory_space<vmem>>
    %dma_wait3A_194 = arith.constant 0 : i32
    %dma_wait3A_195 = arith.constant 0 : i32
    %dma_wait3A_196 = tpu.memref_slice %arg2[%dma_wait3A_194, %dma_wait3A_195] : memref<512x256xf32, #tpu.memory_space<hbm>> -> memref<512x256xf32, #tpu.memory_space<hbm>>
    tpu.wait_indirect_dma semaphore(%arg10 : memref<!tpu.dma_semaphore, #tpu.memory_space<semaphore_mem>>) src(%dma_wait3A_196 : memref<512x256xf32, #tpu.memory_space<hbm>>) dst(%arg7 : memref<128x256xf32, #tpu.memory_space<vmem>>)
    %add3A_197 = arith.constant 896 : i32
    %add3A_198 = arith.addi %multiple_of3A, %add3A_197 : i32
    %dma_start3A_199 = arith.constant 0 : i32
    %dma_start3A_200 = tpu.memref_slice %arg4[%add3A_198, %dma_start3A_199] : memref<81920x256xf32, #tpu.memory_space<hbm>> -> memref<128x256xf32, #tpu.memory_space<hbm>>
    %dma_start3A_201 = arith.constant 0 : i32
    %dma_start3A_202 = tpu.memref_slice %arg4[%add3A_198, %dma_start3A_201] : memref<81920x256xf32, #tpu.memory_space<hbm>> -> memref<128x256xf32, #tpu.memory_space<hbm>>
    tpu.enqueue_dma source(%arg7 : memref<128x256xf32, #tpu.memory_space<vmem>>) target(%dma_start3A_202 : memref<128x256xf32, #tpu.memory_space<hbm>>) target_semaphore(%arg13 : memref<!tpu.dma_semaphore, #tpu.memory_space<semaphore_mem>>)
    %dma_wait3A_203 = arith.constant 0 : i32
    %dma_wait3A_204 = tpu.memref_slice %arg4[%add3A_198, %dma_wait3A_203] : memref<81920x256xf32, #tpu.memory_space<hbm>> -> memref<128x256xf32, #tpu.memory_space<hbm>>
    %dma_wait3A_205 = arith.constant 0 : i32
    %dma_wait3A_206 = tpu.memref_slice %arg4[%add3A_198, %dma_wait3A_205] : memref<81920x256xf32, #tpu.memory_space<hbm>> -> memref<128x256xf32, #tpu.memory_space<hbm>>
    tpu.wait_dma2 semaphore(%arg13 : memref<!tpu.dma_semaphore, #tpu.memory_space<semaphore_mem>>) src(%arg7 : memref<128x256xf32, #tpu.memory_space<vmem>>) dst(%dma_wait3A_206 : memref<128x256xf32, #tpu.memory_space<hbm>>)
    %dma_start3A_207 = arith.constant 10 : i32
    %dma_start3A_208 = arith.constant 0 : i32
    %dma_start3A_209 = tpu.memref_slice %arg5[%dma_start3A_207, %dma_start3A_208] : memref<24x128xi32, #tpu.memory_space<vmem>> -> memref<1x128xi32, #tpu.memory_space<vmem>>
    %dma_start3A_210 = tpu.memref_squeeze %dma_start3A_209 : memref<1x128xi32, #tpu.memory_space<vmem>> -> memref<128xi32, #tpu.memory_space<vmem>>
    %dma_start3A_211 = arith.constant 0 : i32
    %dma_start3A_212 = arith.constant 0 : i32
    %dma_start3A_213 = tpu.memref_slice %arg2[%dma_start3A_211, %dma_start3A_212] : memref<512x256xf32, #tpu.memory_space<hbm>> -> memref<512x256xf32, #tpu.memory_space<hbm>>
    tpu.enqueue_indirect_dma source(%dma_start3A_213 : memref<512x256xf32, #tpu.memory_space<hbm>>) target(%arg7 : memref<128x256xf32, #tpu.memory_space<vmem>>) offsets(%dma_start3A_210 : memref<128xi32, #tpu.memory_space<vmem>>) semaphore(%arg10 : memref<!tpu.dma_semaphore, #tpu.memory_space<semaphore_mem>>)
    %dma_wait3A_214 = arith.constant 8 : i32
    %dma_wait3A_215 = arith.constant 0 : i32
    %dma_wait3A_216 = tpu.memref_slice %arg5[%dma_wait3A_214, %dma_wait3A_215] : memref<24x128xi32, #tpu.memory_space<vmem>> -> memref<1x128xi32, #tpu.memory_space<vmem>>
    %dma_wait3A_217 = tpu.memref_squeeze %dma_wait3A_216 : memref<1x128xi32, #tpu.memory_space<vmem>> -> memref<128xi32, #tpu.memory_space<vmem>>
    %dma_wait3A_218 = arith.constant 0 : i32
    %dma_wait3A_219 = arith.constant 0 : i32
    %dma_wait3A_220 = tpu.memref_slice %arg2[%dma_wait3A_218, %dma_wait3A_219] : memref<512x256xf32, #tpu.memory_space<hbm>> -> memref<512x256xf32, #tpu.memory_space<hbm>>
    tpu.wait_indirect_dma semaphore(%arg11 : memref<!tpu.dma_semaphore, #tpu.memory_space<semaphore_mem>>) src(%dma_wait3A_220 : memref<512x256xf32, #tpu.memory_space<hbm>>) dst(%arg8 : memref<128x256xf32, #tpu.memory_space<vmem>>)
    %add3A_221 = arith.constant 1024 : i32
    %add3A_222 = arith.addi %multiple_of3A, %add3A_221 : i32
    %dma_start3A_223 = arith.constant 0 : i32
    %dma_start3A_224 = tpu.memref_slice %arg4[%add3A_222, %dma_start3A_223] : memref<81920x256xf32, #tpu.memory_space<hbm>> -> memref<128x256xf32, #tpu.memory_space<hbm>>
    %dma_start3A_225 = arith.constant 0 : i32
    %dma_start3A_226 = tpu.memref_slice %arg4[%add3A_222, %dma_start3A_225] : memref<81920x256xf32, #tpu.memory_space<hbm>> -> memref<128x256xf32, #tpu.memory_space<hbm>>
    tpu.enqueue_dma source(%arg8 : memref<128x256xf32, #tpu.memory_space<vmem>>) target(%dma_start3A_226 : memref<128x256xf32, #tpu.memory_space<hbm>>) target_semaphore(%arg14 : memref<!tpu.dma_semaphore, #tpu.memory_space<semaphore_mem>>)
    %dma_wait3A_227 = arith.constant 0 : i32
    %dma_wait3A_228 = tpu.memref_slice %arg4[%add3A_222, %dma_wait3A_227] : memref<81920x256xf32, #tpu.memory_space<hbm>> -> memref<128x256xf32, #tpu.memory_space<hbm>>
    %dma_wait3A_229 = arith.constant 0 : i32
    %dma_wait3A_230 = tpu.memref_slice %arg4[%add3A_222, %dma_wait3A_229] : memref<81920x256xf32, #tpu.memory_space<hbm>> -> memref<128x256xf32, #tpu.memory_space<hbm>>
    tpu.wait_dma2 semaphore(%arg14 : memref<!tpu.dma_semaphore, #tpu.memory_space<semaphore_mem>>) src(%arg8 : memref<128x256xf32, #tpu.memory_space<vmem>>) dst(%dma_wait3A_230 : memref<128x256xf32, #tpu.memory_space<hbm>>)
    %dma_start3A_231 = arith.constant 11 : i32
    %dma_start3A_232 = arith.constant 0 : i32
    %dma_start3A_233 = tpu.memref_slice %arg5[%dma_start3A_231, %dma_start3A_232] : memref<24x128xi32, #tpu.memory_space<vmem>> -> memref<1x128xi32, #tpu.memory_space<vmem>>
    %dma_start3A_234 = tpu.memref_squeeze %dma_start3A_233 : memref<1x128xi32, #tpu.memory_space<vmem>> -> memref<128xi32, #tpu.memory_space<vmem>>
    %dma_start3A_235 = arith.constant 0 : i32
    %dma_start3A_236 = arith.constant 0 : i32
    %dma_start3A_237 = tpu.memref_slice %arg2[%dma_start3A_235, %dma_start3A_236] : memref<512x256xf32, #tpu.memory_space<hbm>> -> memref<512x256xf32, #tpu.memory_space<hbm>>
    tpu.enqueue_indirect_dma source(%dma_start3A_237 : memref<512x256xf32, #tpu.memory_space<hbm>>) target(%arg8 : memref<128x256xf32, #tpu.memory_space<vmem>>) offsets(%dma_start3A_234 : memref<128xi32, #tpu.memory_space<vmem>>) semaphore(%arg11 : memref<!tpu.dma_semaphore, #tpu.memory_space<semaphore_mem>>)
    %dma_wait3A_238 = arith.constant 9 : i32
    %dma_wait3A_239 = arith.constant 0 : i32
    %dma_wait3A_240 = tpu.memref_slice %arg5[%dma_wait3A_238, %dma_wait3A_239] : memref<24x128xi32, #tpu.memory_space<vmem>> -> memref<1x128xi32, #tpu.memory_space<vmem>>
    %dma_wait3A_241 = tpu.memref_squeeze %dma_wait3A_240 : memref<1x128xi32, #tpu.memory_space<vmem>> -> memref<128xi32, #tpu.memory_space<vmem>>
    %dma_wait3A_242 = arith.constant 0 : i32
    %dma_wait3A_243 = arith.constant 0 : i32
    %dma_wait3A_244 = tpu.memref_slice %arg2[%dma_wait3A_242, %dma_wait3A_243] : memref<512x256xf32, #tpu.memory_space<hbm>> -> memref<512x256xf32, #tpu.memory_space<hbm>>
    tpu.wait_indirect_dma semaphore(%arg9 : memref<!tpu.dma_semaphore, #tpu.memory_space<semaphore_mem>>) src(%dma_wait3A_244 : memref<512x256xf32, #tpu.memory_space<hbm>>) dst(%arg6 : memref<128x256xf32, #tpu.memory_space<vmem>>)
    %add3A_245 = arith.constant 1152 : i32
    %add3A_246 = arith.addi %multiple_of3A, %add3A_245 : i32
    %dma_start3A_247 = arith.constant 0 : i32
    %dma_start3A_248 = tpu.memref_slice %arg4[%add3A_246, %dma_start3A_247] : memref<81920x256xf32, #tpu.memory_space<hbm>> -> memref<128x256xf32, #tpu.memory_space<hbm>>
    %dma_start3A_249 = arith.constant 0 : i32
    %dma_start3A_250 = tpu.memref_slice %arg4[%add3A_246, %dma_start3A_249] : memref<81920x256xf32, #tpu.memory_space<hbm>> -> memref<128x256xf32, #tpu.memory_space<hbm>>
    tpu.enqueue_dma source(%arg6 : memref<128x256xf32, #tpu.memory_space<vmem>>) target(%dma_start3A_250 : memref<128x256xf32, #tpu.memory_space<hbm>>) target_semaphore(%arg12 : memref<!tpu.dma_semaphore, #tpu.memory_space<semaphore_mem>>)
    %dma_wait3A_251 = arith.constant 0 : i32
    %dma_wait3A_252 = tpu.memref_slice %arg4[%add3A_246, %dma_wait3A_251] : memref<81920x256xf32, #tpu.memory_space<hbm>> -> memref<128x256xf32, #tpu.memory_space<hbm>>
    %dma_wait3A_253 = arith.constant 0 : i32
    %dma_wait3A_254 = tpu.memref_slice %arg4[%add3A_246, %dma_wait3A_253] : memref<81920x256xf32, #tpu.memory_space<hbm>> -> memref<128x256xf32, #tpu.memory_space<hbm>>
    tpu.wait_dma2 semaphore(%arg12 : memref<!tpu.dma_semaphore, #tpu.memory_space<semaphore_mem>>) src(%arg6 : memref<128x256xf32, #tpu.memory_space<vmem>>) dst(%dma_wait3A_254 : memref<128x256xf32, #tpu.memory_space<hbm>>)
    %dma_start3A_255 = arith.constant 12 : i32
    %dma_start3A_256 = arith.constant 0 : i32
    %dma_start3A_257 = tpu.memref_slice %arg5[%dma_start3A_255, %dma_start3A_256] : memref<24x128xi32, #tpu.memory_space<vmem>> -> memref<1x128xi32, #tpu.memory_space<vmem>>
    %dma_start3A_258 = tpu.memref_squeeze %dma_start3A_257 : memref<1x128xi32, #tpu.memory_space<vmem>> -> memref<128xi32, #tpu.memory_space<vmem>>
    %dma_start3A_259 = arith.constant 0 : i32
    %dma_start3A_260 = arith.constant 0 : i32
    %dma_start3A_261 = tpu.memref_slice %arg2[%dma_start3A_259, %dma_start3A_260] : memref<512x256xf32, #tpu.memory_space<hbm>> -> memref<512x256xf32, #tpu.memory_space<hbm>>
    tpu.enqueue_indirect_dma source(%dma_start3A_261 : memref<512x256xf32, #tpu.memory_space<hbm>>) target(%arg6 : memref<128x256xf32, #tpu.memory_space<vmem>>) offsets(%dma_start3A_258 : memref<128xi32, #tpu.memory_space<vmem>>) semaphore(%arg9 : memref<!tpu.dma_semaphore, #tpu.memory_space<semaphore_mem>>)
    %dma_wait3A_262 = arith.constant 10 : i32
    %dma_wait3A_263 = arith.constant 0 : i32
    %dma_wait3A_264 = tpu.memref_slice %arg5[%dma_wait3A_262, %dma_wait3A_263] : memref<24x128xi32, #tpu.memory_space<vmem>> -> memref<1x128xi32, #tpu.memory_space<vmem>>
    %dma_wait3A_265 = tpu.memref_squeeze %dma_wait3A_264 : memref<1x128xi32, #tpu.memory_space<vmem>> -> memref<128xi32, #tpu.memory_space<vmem>>
    %dma_wait3A_266 = arith.constant 0 : i32
    %dma_wait3A_267 = arith.constant 0 : i32
    %dma_wait3A_268 = tpu.memref_slice %arg2[%dma_wait3A_266, %dma_wait3A_267] : memref<512x256xf32, #tpu.memory_space<hbm>> -> memref<512x256xf32, #tpu.memory_space<hbm>>
    tpu.wait_indirect_dma semaphore(%arg10 : memref<!tpu.dma_semaphore, #tpu.memory_space<semaphore_mem>>) src(%dma_wait3A_268 : memref<512x256xf32, #tpu.memory_space<hbm>>) dst(%arg7 : memref<128x256xf32, #tpu.memory_space<vmem>>)
    %add3A_269 = arith.constant 1280 : i32
    %add3A_270 = arith.addi %multiple_of3A, %add3A_269 : i32
    %dma_start3A_271 = arith.constant 0 : i32
    %dma_start3A_272 = tpu.memref_slice %arg4[%add3A_270, %dma_start3A_271] : memref<81920x256xf32, #tpu.memory_space<hbm>> -> memref<128x256xf32, #tpu.memory_space<hbm>>
    %dma_start3A_273 = arith.constant 0 : i32
    %dma_start3A_274 = tpu.memref_slice %arg4[%add3A_270, %dma_start3A_273] : memref<81920x256xf32, #tpu.memory_space<hbm>> -> memref<128x256xf32, #tpu.memory_space<hbm>>
    tpu.enqueue_dma source(%arg7 : memref<128x256xf32, #tpu.memory_space<vmem>>) target(%dma_start3A_274 : memref<128x256xf32, #tpu.memory_space<hbm>>) target_semaphore(%arg13 : memref<!tpu.dma_semaphore, #tpu.memory_space<semaphore_mem>>)
    %dma_wait3A_275 = arith.constant 0 : i32
    %dma_wait3A_276 = tpu.memref_slice %arg4[%add3A_270, %dma_wait3A_275] : memref<81920x256xf32, #tpu.memory_space<hbm>> -> memref<128x256xf32, #tpu.memory_space<hbm>>
    %dma_wait3A_277 = arith.constant 0 : i32
    %dma_wait3A_278 = tpu.memref_slice %arg4[%add3A_270, %dma_wait3A_277] : memref<81920x256xf32, #tpu.memory_space<hbm>> -> memref<128x256xf32, #tpu.memory_space<hbm>>
    tpu.wait_dma2 semaphore(%arg13 : memref<!tpu.dma_semaphore, #tpu.memory_space<semaphore_mem>>) src(%arg7 : memref<128x256xf32, #tpu.memory_space<vmem>>) dst(%dma_wait3A_278 : memref<128x256xf32, #tpu.memory_space<hbm>>)
    %dma_start3A_279 = arith.constant 13 : i32
    %dma_start3A_280 = arith.constant 0 : i32
    %dma_start3A_281 = tpu.memref_slice %arg5[%dma_start3A_279, %dma_start3A_280] : memref<24x128xi32, #tpu.memory_space<vmem>> -> memref<1x128xi32, #tpu.memory_space<vmem>>
    %dma_start3A_282 = tpu.memref_squeeze %dma_start3A_281 : memref<1x128xi32, #tpu.memory_space<vmem>> -> memref<128xi32, #tpu.memory_space<vmem>>
    %dma_start3A_283 = arith.constant 0 : i32
    %dma_start3A_284 = arith.constant 0 : i32
    %dma_start3A_285 = tpu.memref_slice %arg2[%dma_start3A_283, %dma_start3A_284] : memref<512x256xf32, #tpu.memory_space<hbm>> -> memref<512x256xf32, #tpu.memory_space<hbm>>
    tpu.enqueue_indirect_dma source(%dma_start3A_285 : memref<512x256xf32, #tpu.memory_space<hbm>>) target(%arg7 : memref<128x256xf32, #tpu.memory_space<vmem>>) offsets(%dma_start3A_282 : memref<128xi32, #tpu.memory_space<vmem>>) semaphore(%arg10 : memref<!tpu.dma_semaphore, #tpu.memory_space<semaphore_mem>>)
    %dma_wait3A_286 = arith.constant 11 : i32
    %dma_wait3A_287 = arith.constant 0 : i32
    %dma_wait3A_288 = tpu.memref_slice %arg5[%dma_wait3A_286, %dma_wait3A_287] : memref<24x128xi32, #tpu.memory_space<vmem>> -> memref<1x128xi32, #tpu.memory_space<vmem>>
    %dma_wait3A_289 = tpu.memref_squeeze %dma_wait3A_288 : memref<1x128xi32, #tpu.memory_space<vmem>> -> memref<128xi32, #tpu.memory_space<vmem>>
    %dma_wait3A_290 = arith.constant 0 : i32
    %dma_wait3A_291 = arith.constant 0 : i32
    %dma_wait3A_292 = tpu.memref_slice %arg2[%dma_wait3A_290, %dma_wait3A_291] : memref<512x256xf32, #tpu.memory_space<hbm>> -> memref<512x256xf32, #tpu.memory_space<hbm>>
    tpu.wait_indirect_dma semaphore(%arg11 : memref<!tpu.dma_semaphore, #tpu.memory_space<semaphore_mem>>) src(%dma_wait3A_292 : memref<512x256xf32, #tpu.memory_space<hbm>>) dst(%arg8 : memref<128x256xf32, #tpu.memory_space<vmem>>)
    %add3A_293 = arith.constant 1408 : i32
    %add3A_294 = arith.addi %multiple_of3A, %add3A_293 : i32
    %dma_start3A_295 = arith.constant 0 : i32
    %dma_start3A_296 = tpu.memref_slice %arg4[%add3A_294, %dma_start3A_295] : memref<81920x256xf32, #tpu.memory_space<hbm>> -> memref<128x256xf32, #tpu.memory_space<hbm>>
    %dma_start3A_297 = arith.constant 0 : i32
    %dma_start3A_298 = tpu.memref_slice %arg4[%add3A_294, %dma_start3A_297] : memref<81920x256xf32, #tpu.memory_space<hbm>> -> memref<128x256xf32, #tpu.memory_space<hbm>>
    tpu.enqueue_dma source(%arg8 : memref<128x256xf32, #tpu.memory_space<vmem>>) target(%dma_start3A_298 : memref<128x256xf32, #tpu.memory_space<hbm>>) target_semaphore(%arg14 : memref<!tpu.dma_semaphore, #tpu.memory_space<semaphore_mem>>)
    %dma_wait3A_299 = arith.constant 0 : i32
    %dma_wait3A_300 = tpu.memref_slice %arg4[%add3A_294, %dma_wait3A_299] : memref<81920x256xf32, #tpu.memory_space<hbm>> -> memref<128x256xf32, #tpu.memory_space<hbm>>
    %dma_wait3A_301 = arith.constant 0 : i32
    %dma_wait3A_302 = tpu.memref_slice %arg4[%add3A_294, %dma_wait3A_301] : memref<81920x256xf32, #tpu.memory_space<hbm>> -> memref<128x256xf32, #tpu.memory_space<hbm>>
    tpu.wait_dma2 semaphore(%arg14 : memref<!tpu.dma_semaphore, #tpu.memory_space<semaphore_mem>>) src(%arg8 : memref<128x256xf32, #tpu.memory_space<vmem>>) dst(%dma_wait3A_302 : memref<128x256xf32, #tpu.memory_space<hbm>>)
    %dma_start3A_303 = arith.constant 14 : i32
    %dma_start3A_304 = arith.constant 0 : i32
    %dma_start3A_305 = tpu.memref_slice %arg5[%dma_start3A_303, %dma_start3A_304] : memref<24x128xi32, #tpu.memory_space<vmem>> -> memref<1x128xi32, #tpu.memory_space<vmem>>
    %dma_start3A_306 = tpu.memref_squeeze %dma_start3A_305 : memref<1x128xi32, #tpu.memory_space<vmem>> -> memref<128xi32, #tpu.memory_space<vmem>>
    %dma_start3A_307 = arith.constant 0 : i32
    %dma_start3A_308 = arith.constant 0 : i32
    %dma_start3A_309 = tpu.memref_slice %arg2[%dma_start3A_307, %dma_start3A_308] : memref<512x256xf32, #tpu.memory_space<hbm>> -> memref<512x256xf32, #tpu.memory_space<hbm>>
    tpu.enqueue_indirect_dma source(%dma_start3A_309 : memref<512x256xf32, #tpu.memory_space<hbm>>) target(%arg8 : memref<128x256xf32, #tpu.memory_space<vmem>>) offsets(%dma_start3A_306 : memref<128xi32, #tpu.memory_space<vmem>>) semaphore(%arg11 : memref<!tpu.dma_semaphore, #tpu.memory_space<semaphore_mem>>)
    %dma_wait3A_310 = arith.constant 12 : i32
    %dma_wait3A_311 = arith.constant 0 : i32
    %dma_wait3A_312 = tpu.memref_slice %arg5[%dma_wait3A_310, %dma_wait3A_311] : memref<24x128xi32, #tpu.memory_space<vmem>> -> memref<1x128xi32, #tpu.memory_space<vmem>>
    %dma_wait3A_313 = tpu.memref_squeeze %dma_wait3A_312 : memref<1x128xi32, #tpu.memory_space<vmem>> -> memref<128xi32, #tpu.memory_space<vmem>>
    %dma_wait3A_314 = arith.constant 0 : i32
    %dma_wait3A_315 = arith.constant 0 : i32
    %dma_wait3A_316 = tpu.memref_slice %arg2[%dma_wait3A_314, %dma_wait3A_315] : memref<512x256xf32, #tpu.memory_space<hbm>> -> memref<512x256xf32, #tpu.memory_space<hbm>>
    tpu.wait_indirect_dma semaphore(%arg9 : memref<!tpu.dma_semaphore, #tpu.memory_space<semaphore_mem>>) src(%dma_wait3A_316 : memref<512x256xf32, #tpu.memory_space<hbm>>) dst(%arg6 : memref<128x256xf32, #tpu.memory_space<vmem>>)
    %add3A_317 = arith.constant 1536 : i32
    %add3A_318 = arith.addi %multiple_of3A, %add3A_317 : i32
    %dma_start3A_319 = arith.constant 0 : i32
    %dma_start3A_320 = tpu.memref_slice %arg4[%add3A_318, %dma_start3A_319] : memref<81920x256xf32, #tpu.memory_space<hbm>> -> memref<128x256xf32, #tpu.memory_space<hbm>>
    %dma_start3A_321 = arith.constant 0 : i32
    %dma_start3A_322 = tpu.memref_slice %arg4[%add3A_318, %dma_start3A_321] : memref<81920x256xf32, #tpu.memory_space<hbm>> -> memref<128x256xf32, #tpu.memory_space<hbm>>
    tpu.enqueue_dma source(%arg6 : memref<128x256xf32, #tpu.memory_space<vmem>>) target(%dma_start3A_322 : memref<128x256xf32, #tpu.memory_space<hbm>>) target_semaphore(%arg12 : memref<!tpu.dma_semaphore, #tpu.memory_space<semaphore_mem>>)
    %dma_wait3A_323 = arith.constant 0 : i32
    %dma_wait3A_324 = tpu.memref_slice %arg4[%add3A_318, %dma_wait3A_323] : memref<81920x256xf32, #tpu.memory_space<hbm>> -> memref<128x256xf32, #tpu.memory_space<hbm>>
    %dma_wait3A_325 = arith.constant 0 : i32
    %dma_wait3A_326 = tpu.memref_slice %arg4[%add3A_318, %dma_wait3A_325] : memref<81920x256xf32, #tpu.memory_space<hbm>> -> memref<128x256xf32, #tpu.memory_space<hbm>>
    tpu.wait_dma2 semaphore(%arg12 : memref<!tpu.dma_semaphore, #tpu.memory_space<semaphore_mem>>) src(%arg6 : memref<128x256xf32, #tpu.memory_space<vmem>>) dst(%dma_wait3A_326 : memref<128x256xf32, #tpu.memory_space<hbm>>)
    %dma_start3A_327 = arith.constant 15 : i32
    %dma_start3A_328 = arith.constant 0 : i32
    %dma_start3A_329 = tpu.memref_slice %arg5[%dma_start3A_327, %dma_start3A_328] : memref<24x128xi32, #tpu.memory_space<vmem>> -> memref<1x128xi32, #tpu.memory_space<vmem>>
    %dma_start3A_330 = tpu.memref_squeeze %dma_start3A_329 : memref<1x128xi32, #tpu.memory_space<vmem>> -> memref<128xi32, #tpu.memory_space<vmem>>
    %dma_start3A_331 = arith.constant 0 : i32
    %dma_start3A_332 = arith.constant 0 : i32
    %dma_start3A_333 = tpu.memref_slice %arg2[%dma_start3A_331, %dma_start3A_332] : memref<512x256xf32, #tpu.memory_space<hbm>> -> memref<512x256xf32, #tpu.memory_space<hbm>>
    tpu.enqueue_indirect_dma source(%dma_start3A_333 : memref<512x256xf32, #tpu.memory_space<hbm>>) target(%arg6 : memref<128x256xf32, #tpu.memory_space<vmem>>) offsets(%dma_start3A_330 : memref<128xi32, #tpu.memory_space<vmem>>) semaphore(%arg9 : memref<!tpu.dma_semaphore, #tpu.memory_space<semaphore_mem>>)
    %dma_wait3A_334 = arith.constant 13 : i32
    %dma_wait3A_335 = arith.constant 0 : i32
    %dma_wait3A_336 = tpu.memref_slice %arg5[%dma_wait3A_334, %dma_wait3A_335] : memref<24x128xi32, #tpu.memory_space<vmem>> -> memref<1x128xi32, #tpu.memory_space<vmem>>
    %dma_wait3A_337 = tpu.memref_squeeze %dma_wait3A_336 : memref<1x128xi32, #tpu.memory_space<vmem>> -> memref<128xi32, #tpu.memory_space<vmem>>
    %dma_wait3A_338 = arith.constant 0 : i32
    %dma_wait3A_339 = arith.constant 0 : i32
    %dma_wait3A_340 = tpu.memref_slice %arg2[%dma_wait3A_338, %dma_wait3A_339] : memref<512x256xf32, #tpu.memory_space<hbm>> -> memref<512x256xf32, #tpu.memory_space<hbm>>
    tpu.wait_indirect_dma semaphore(%arg10 : memref<!tpu.dma_semaphore, #tpu.memory_space<semaphore_mem>>) src(%dma_wait3A_340 : memref<512x256xf32, #tpu.memory_space<hbm>>) dst(%arg7 : memref<128x256xf32, #tpu.memory_space<vmem>>)
    %add3A_341 = arith.constant 1664 : i32
    %add3A_342 = arith.addi %multiple_of3A, %add3A_341 : i32
    %dma_start3A_343 = arith.constant 0 : i32
    %dma_start3A_344 = tpu.memref_slice %arg4[%add3A_342, %dma_start3A_343] : memref<81920x256xf32, #tpu.memory_space<hbm>> -> memref<128x256xf32, #tpu.memory_space<hbm>>
    %dma_start3A_345 = arith.constant 0 : i32
    %dma_start3A_346 = tpu.memref_slice %arg4[%add3A_342, %dma_start3A_345] : memref<81920x256xf32, #tpu.memory_space<hbm>> -> memref<128x256xf32, #tpu.memory_space<hbm>>
    tpu.enqueue_dma source(%arg7 : memref<128x256xf32, #tpu.memory_space<vmem>>) target(%dma_start3A_346 : memref<128x256xf32, #tpu.memory_space<hbm>>) target_semaphore(%arg13 : memref<!tpu.dma_semaphore, #tpu.memory_space<semaphore_mem>>)
    %dma_wait3A_347 = arith.constant 0 : i32
    %dma_wait3A_348 = tpu.memref_slice %arg4[%add3A_342, %dma_wait3A_347] : memref<81920x256xf32, #tpu.memory_space<hbm>> -> memref<128x256xf32, #tpu.memory_space<hbm>>
    %dma_wait3A_349 = arith.constant 0 : i32
    %dma_wait3A_350 = tpu.memref_slice %arg4[%add3A_342, %dma_wait3A_349] : memref<81920x256xf32, #tpu.memory_space<hbm>> -> memref<128x256xf32, #tpu.memory_space<hbm>>
    tpu.wait_dma2 semaphore(%arg13 : memref<!tpu.dma_semaphore, #tpu.memory_space<semaphore_mem>>) src(%arg7 : memref<128x256xf32, #tpu.memory_space<vmem>>) dst(%dma_wait3A_350 : memref<128x256xf32, #tpu.memory_space<hbm>>)
    %dma_start3A_351 = arith.constant 16 : i32
    %dma_start3A_352 = arith.constant 0 : i32
    %dma_start3A_353 = tpu.memref_slice %arg5[%dma_start3A_351, %dma_start3A_352] : memref<24x128xi32, #tpu.memory_space<vmem>> -> memref<1x128xi32, #tpu.memory_space<vmem>>
    %dma_start3A_354 = tpu.memref_squeeze %dma_start3A_353 : memref<1x128xi32, #tpu.memory_space<vmem>> -> memref<128xi32, #tpu.memory_space<vmem>>
    %dma_start3A_355 = arith.constant 0 : i32
    %dma_start3A_356 = arith.constant 0 : i32
    %dma_start3A_357 = tpu.memref_slice %arg2[%dma_start3A_355, %dma_start3A_356] : memref<512x256xf32, #tpu.memory_space<hbm>> -> memref<512x256xf32, #tpu.memory_space<hbm>>
    tpu.enqueue_indirect_dma source(%dma_start3A_357 : memref<512x256xf32, #tpu.memory_space<hbm>>) target(%arg7 : memref<128x256xf32, #tpu.memory_space<vmem>>) offsets(%dma_start3A_354 : memref<128xi32, #tpu.memory_space<vmem>>) semaphore(%arg10 : memref<!tpu.dma_semaphore, #tpu.memory_space<semaphore_mem>>)
    %dma_wait3A_358 = arith.constant 14 : i32
    %dma_wait3A_359 = arith.constant 0 : i32
    %dma_wait3A_360 = tpu.memref_slice %arg5[%dma_wait3A_358, %dma_wait3A_359] : memref<24x128xi32, #tpu.memory_space<vmem>> -> memref<1x128xi32, #tpu.memory_space<vmem>>
    %dma_wait3A_361 = tpu.memref_squeeze %dma_wait3A_360 : memref<1x128xi32, #tpu.memory_space<vmem>> -> memref<128xi32, #tpu.memory_space<vmem>>
    %dma_wait3A_362 = arith.constant 0 : i32
    %dma_wait3A_363 = arith.constant 0 : i32
    %dma_wait3A_364 = tpu.memref_slice %arg2[%dma_wait3A_362, %dma_wait3A_363] : memref<512x256xf32, #tpu.memory_space<hbm>> -> memref<512x256xf32, #tpu.memory_space<hbm>>
    tpu.wait_indirect_dma semaphore(%arg11 : memref<!tpu.dma_semaphore, #tpu.memory_space<semaphore_mem>>) src(%dma_wait3A_364 : memref<512x256xf32, #tpu.memory_space<hbm>>) dst(%arg8 : memref<128x256xf32, #tpu.memory_space<vmem>>)
    %add3A_365 = arith.constant 1792 : i32
    %add3A_366 = arith.addi %multiple_of3A, %add3A_365 : i32
    %dma_start3A_367 = arith.constant 0 : i32
    %dma_start3A_368 = tpu.memref_slice %arg4[%add3A_366, %dma_start3A_367] : memref<81920x256xf32, #tpu.memory_space<hbm>> -> memref<128x256xf32, #tpu.memory_space<hbm>>
    %dma_start3A_369 = arith.constant 0 : i32
    %dma_start3A_370 = tpu.memref_slice %arg4[%add3A_366, %dma_start3A_369] : memref<81920x256xf32, #tpu.memory_space<hbm>> -> memref<128x256xf32, #tpu.memory_space<hbm>>
    tpu.enqueue_dma source(%arg8 : memref<128x256xf32, #tpu.memory_space<vmem>>) target(%dma_start3A_370 : memref<128x256xf32, #tpu.memory_space<hbm>>) target_semaphore(%arg14 : memref<!tpu.dma_semaphore, #tpu.memory_space<semaphore_mem>>)
    %dma_wait3A_371 = arith.constant 0 : i32
    %dma_wait3A_372 = tpu.memref_slice %arg4[%add3A_366, %dma_wait3A_371] : memref<81920x256xf32, #tpu.memory_space<hbm>> -> memref<128x256xf32, #tpu.memory_space<hbm>>
    %dma_wait3A_373 = arith.constant 0 : i32
    %dma_wait3A_374 = tpu.memref_slice %arg4[%add3A_366, %dma_wait3A_373] : memref<81920x256xf32, #tpu.memory_space<hbm>> -> memref<128x256xf32, #tpu.memory_space<hbm>>
    tpu.wait_dma2 semaphore(%arg14 : memref<!tpu.dma_semaphore, #tpu.memory_space<semaphore_mem>>) src(%arg8 : memref<128x256xf32, #tpu.memory_space<vmem>>) dst(%dma_wait3A_374 : memref<128x256xf32, #tpu.memory_space<hbm>>)
    %dma_start3A_375 = arith.constant 17 : i32
    %dma_start3A_376 = arith.constant 0 : i32
    %dma_start3A_377 = tpu.memref_slice %arg5[%dma_start3A_375, %dma_start3A_376] : memref<24x128xi32, #tpu.memory_space<vmem>> -> memref<1x128xi32, #tpu.memory_space<vmem>>
    %dma_start3A_378 = tpu.memref_squeeze %dma_start3A_377 : memref<1x128xi32, #tpu.memory_space<vmem>> -> memref<128xi32, #tpu.memory_space<vmem>>
    %dma_start3A_379 = arith.constant 0 : i32
    %dma_start3A_380 = arith.constant 0 : i32
    %dma_start3A_381 = tpu.memref_slice %arg2[%dma_start3A_379, %dma_start3A_380] : memref<512x256xf32, #tpu.memory_space<hbm>> -> memref<512x256xf32, #tpu.memory_space<hbm>>
    tpu.enqueue_indirect_dma source(%dma_start3A_381 : memref<512x256xf32, #tpu.memory_space<hbm>>) target(%arg8 : memref<128x256xf32, #tpu.memory_space<vmem>>) offsets(%dma_start3A_378 : memref<128xi32, #tpu.memory_space<vmem>>) semaphore(%arg11 : memref<!tpu.dma_semaphore, #tpu.memory_space<semaphore_mem>>)
    %dma_wait3A_382 = arith.constant 15 : i32
    %dma_wait3A_383 = arith.constant 0 : i32
    %dma_wait3A_384 = tpu.memref_slice %arg5[%dma_wait3A_382, %dma_wait3A_383] : memref<24x128xi32, #tpu.memory_space<vmem>> -> memref<1x128xi32, #tpu.memory_space<vmem>>
    %dma_wait3A_385 = tpu.memref_squeeze %dma_wait3A_384 : memref<1x128xi32, #tpu.memory_space<vmem>> -> memref<128xi32, #tpu.memory_space<vmem>>
    %dma_wait3A_386 = arith.constant 0 : i32
    %dma_wait3A_387 = arith.constant 0 : i32
    %dma_wait3A_388 = tpu.memref_slice %arg2[%dma_wait3A_386, %dma_wait3A_387] : memref<512x256xf32, #tpu.memory_space<hbm>> -> memref<512x256xf32, #tpu.memory_space<hbm>>
    tpu.wait_indirect_dma semaphore(%arg9 : memref<!tpu.dma_semaphore, #tpu.memory_space<semaphore_mem>>) src(%dma_wait3A_388 : memref<512x256xf32, #tpu.memory_space<hbm>>) dst(%arg6 : memref<128x256xf32, #tpu.memory_space<vmem>>)
    %add3A_389 = arith.constant 1920 : i32
    %add3A_390 = arith.addi %multiple_of3A, %add3A_389 : i32
    %dma_start3A_391 = arith.constant 0 : i32
    %dma_start3A_392 = tpu.memref_slice %arg4[%add3A_390, %dma_start3A_391] : memref<81920x256xf32, #tpu.memory_space<hbm>> -> memref<128x256xf32, #tpu.memory_space<hbm>>
    %dma_start3A_393 = arith.constant 0 : i32
    %dma_start3A_394 = tpu.memref_slice %arg4[%add3A_390, %dma_start3A_393] : memref<81920x256xf32, #tpu.memory_space<hbm>> -> memref<128x256xf32, #tpu.memory_space<hbm>>
    tpu.enqueue_dma source(%arg6 : memref<128x256xf32, #tpu.memory_space<vmem>>) target(%dma_start3A_394 : memref<128x256xf32, #tpu.memory_space<hbm>>) target_semaphore(%arg12 : memref<!tpu.dma_semaphore, #tpu.memory_space<semaphore_mem>>)
    %dma_wait3A_395 = arith.constant 0 : i32
    %dma_wait3A_396 = tpu.memref_slice %arg4[%add3A_390, %dma_wait3A_395] : memref<81920x256xf32, #tpu.memory_space<hbm>> -> memref<128x256xf32, #tpu.memory_space<hbm>>
    %dma_wait3A_397 = arith.constant 0 : i32
    %dma_wait3A_398 = tpu.memref_slice %arg4[%add3A_390, %dma_wait3A_397] : memref<81920x256xf32, #tpu.memory_space<hbm>> -> memref<128x256xf32, #tpu.memory_space<hbm>>
    tpu.wait_dma2 semaphore(%arg12 : memref<!tpu.dma_semaphore, #tpu.memory_space<semaphore_mem>>) src(%arg6 : memref<128x256xf32, #tpu.memory_space<vmem>>) dst(%dma_wait3A_398 : memref<128x256xf32, #tpu.memory_space<hbm>>)
    %dma_start3A_399 = arith.constant 18 : i32
    %dma_start3A_400 = arith.constant 0 : i32
    %dma_start3A_401 = tpu.memref_slice %arg5[%dma_start3A_399, %dma_start3A_400] : memref<24x128xi32, #tpu.memory_space<vmem>> -> memref<1x128xi32, #tpu.memory_space<vmem>>
    %dma_start3A_402 = tpu.memref_squeeze %dma_start3A_401 : memref<1x128xi32, #tpu.memory_space<vmem>> -> memref<128xi32, #tpu.memory_space<vmem>>
    %dma_start3A_403 = arith.constant 0 : i32
    %dma_start3A_404 = arith.constant 0 : i32
    %dma_start3A_405 = tpu.memref_slice %arg2[%dma_start3A_403, %dma_start3A_404] : memref<512x256xf32, #tpu.memory_space<hbm>> -> memref<512x256xf32, #tpu.memory_space<hbm>>
    tpu.enqueue_indirect_dma source(%dma_start3A_405 : memref<512x256xf32, #tpu.memory_space<hbm>>) target(%arg6 : memref<128x256xf32, #tpu.memory_space<vmem>>) offsets(%dma_start3A_402 : memref<128xi32, #tpu.memory_space<vmem>>) semaphore(%arg9 : memref<!tpu.dma_semaphore, #tpu.memory_space<semaphore_mem>>)
    %dma_wait3A_406 = arith.constant 16 : i32
    %dma_wait3A_407 = arith.constant 0 : i32
    %dma_wait3A_408 = tpu.memref_slice %arg5[%dma_wait3A_406, %dma_wait3A_407] : memref<24x128xi32, #tpu.memory_space<vmem>> -> memref<1x128xi32, #tpu.memory_space<vmem>>
    %dma_wait3A_409 = tpu.memref_squeeze %dma_wait3A_408 : memref<1x128xi32, #tpu.memory_space<vmem>> -> memref<128xi32, #tpu.memory_space<vmem>>
    %dma_wait3A_410 = arith.constant 0 : i32
    %dma_wait3A_411 = arith.constant 0 : i32
    %dma_wait3A_412 = tpu.memref_slice %arg2[%dma_wait3A_410, %dma_wait3A_411] : memref<512x256xf32, #tpu.memory_space<hbm>> -> memref<512x256xf32, #tpu.memory_space<hbm>>
    tpu.wait_indirect_dma semaphore(%arg10 : memref<!tpu.dma_semaphore, #tpu.memory_space<semaphore_mem>>) src(%dma_wait3A_412 : memref<512x256xf32, #tpu.memory_space<hbm>>) dst(%arg7 : memref<128x256xf32, #tpu.memory_space<vmem>>)
    %add3A_413 = arith.constant 2048 : i32
    %add3A_414 = arith.addi %multiple_of3A, %add3A_413 : i32
    %dma_start3A_415 = arith.constant 0 : i32
    %dma_start3A_416 = tpu.memref_slice %arg4[%add3A_414, %dma_start3A_415] : memref<81920x256xf32, #tpu.memory_space<hbm>> -> memref<128x256xf32, #tpu.memory_space<hbm>>
    %dma_start3A_417 = arith.constant 0 : i32
    %dma_start3A_418 = tpu.memref_slice %arg4[%add3A_414, %dma_start3A_417] : memref<81920x256xf32, #tpu.memory_space<hbm>> -> memref<128x256xf32, #tpu.memory_space<hbm>>
    tpu.enqueue_dma source(%arg7 : memref<128x256xf32, #tpu.memory_space<vmem>>) target(%dma_start3A_418 : memref<128x256xf32, #tpu.memory_space<hbm>>) target_semaphore(%arg13 : memref<!tpu.dma_semaphore, #tpu.memory_space<semaphore_mem>>)
    %dma_wait3A_419 = arith.constant 0 : i32
    %dma_wait3A_420 = tpu.memref_slice %arg4[%add3A_414, %dma_wait3A_419] : memref<81920x256xf32, #tpu.memory_space<hbm>> -> memref<128x256xf32, #tpu.memory_space<hbm>>
    %dma_wait3A_421 = arith.constant 0 : i32
    %dma_wait3A_422 = tpu.memref_slice %arg4[%add3A_414, %dma_wait3A_421] : memref<81920x256xf32, #tpu.memory_space<hbm>> -> memref<128x256xf32, #tpu.memory_space<hbm>>
    tpu.wait_dma2 semaphore(%arg13 : memref<!tpu.dma_semaphore, #tpu.memory_space<semaphore_mem>>) src(%arg7 : memref<128x256xf32, #tpu.memory_space<vmem>>) dst(%dma_wait3A_422 : memref<128x256xf32, #tpu.memory_space<hbm>>)
    %dma_start3A_423 = arith.constant 19 : i32
    %dma_start3A_424 = arith.constant 0 : i32
    %dma_start3A_425 = tpu.memref_slice %arg5[%dma_start3A_423, %dma_start3A_424] : memref<24x128xi32, #tpu.memory_space<vmem>> -> memref<1x128xi32, #tpu.memory_space<vmem>>
    %dma_start3A_426 = tpu.memref_squeeze %dma_start3A_425 : memref<1x128xi32, #tpu.memory_space<vmem>> -> memref<128xi32, #tpu.memory_space<vmem>>
    %dma_start3A_427 = arith.constant 0 : i32
    %dma_start3A_428 = arith.constant 0 : i32
    %dma_start3A_429 = tpu.memref_slice %arg2[%dma_start3A_427, %dma_start3A_428] : memref<512x256xf32, #tpu.memory_space<hbm>> -> memref<512x256xf32, #tpu.memory_space<hbm>>
    tpu.enqueue_indirect_dma source(%dma_start3A_429 : memref<512x256xf32, #tpu.memory_space<hbm>>) target(%arg7 : memref<128x256xf32, #tpu.memory_space<vmem>>) offsets(%dma_start3A_426 : memref<128xi32, #tpu.memory_space<vmem>>) semaphore(%arg10 : memref<!tpu.dma_semaphore, #tpu.memory_space<semaphore_mem>>)
    %dma_wait3A_430 = arith.constant 17 : i32
    %dma_wait3A_431 = arith.constant 0 : i32
    %dma_wait3A_432 = tpu.memref_slice %arg5[%dma_wait3A_430, %dma_wait3A_431] : memref<24x128xi32, #tpu.memory_space<vmem>> -> memref<1x128xi32, #tpu.memory_space<vmem>>
    %dma_wait3A_433 = tpu.memref_squeeze %dma_wait3A_432 : memref<1x128xi32, #tpu.memory_space<vmem>> -> memref<128xi32, #tpu.memory_space<vmem>>
    %dma_wait3A_434 = arith.constant 0 : i32
    %dma_wait3A_435 = arith.constant 0 : i32
    %dma_wait3A_436 = tpu.memref_slice %arg2[%dma_wait3A_434, %dma_wait3A_435] : memref<512x256xf32, #tpu.memory_space<hbm>> -> memref<512x256xf32, #tpu.memory_space<hbm>>
    tpu.wait_indirect_dma semaphore(%arg11 : memref<!tpu.dma_semaphore, #tpu.memory_space<semaphore_mem>>) src(%dma_wait3A_436 : memref<512x256xf32, #tpu.memory_space<hbm>>) dst(%arg8 : memref<128x256xf32, #tpu.memory_space<vmem>>)
    %add3A_437 = arith.constant 2176 : i32
    %add3A_438 = arith.addi %multiple_of3A, %add3A_437 : i32
    %dma_start3A_439 = arith.constant 0 : i32
    %dma_start3A_440 = tpu.memref_slice %arg4[%add3A_438, %dma_start3A_439] : memref<81920x256xf32, #tpu.memory_space<hbm>> -> memref<128x256xf32, #tpu.memory_space<hbm>>
    %dma_start3A_441 = arith.constant 0 : i32
    %dma_start3A_442 = tpu.memref_slice %arg4[%add3A_438, %dma_start3A_441] : memref<81920x256xf32, #tpu.memory_space<hbm>> -> memref<128x256xf32, #tpu.memory_space<hbm>>
    tpu.enqueue_dma source(%arg8 : memref<128x256xf32, #tpu.memory_space<vmem>>) target(%dma_start3A_442 : memref<128x256xf32, #tpu.memory_space<hbm>>) target_semaphore(%arg14 : memref<!tpu.dma_semaphore, #tpu.memory_space<semaphore_mem>>)
    %dma_wait3A_443 = arith.constant 18 : i32
    %dma_wait3A_444 = arith.constant 0 : i32
    %dma_wait3A_445 = tpu.memref_slice %arg5[%dma_wait3A_443, %dma_wait3A_444] : memref<24x128xi32, #tpu.memory_space<vmem>> -> memref<1x128xi32, #tpu.memory_space<vmem>>
    %dma_wait3A_446 = tpu.memref_squeeze %dma_wait3A_445 : memref<1x128xi32, #tpu.memory_space<vmem>> -> memref<128xi32, #tpu.memory_space<vmem>>
    %dma_wait3A_447 = arith.constant 0 : i32
    %dma_wait3A_448 = arith.constant 0 : i32
    %dma_wait3A_449 = tpu.memref_slice %arg2[%dma_wait3A_447, %dma_wait3A_448] : memref<512x256xf32, #tpu.memory_space<hbm>> -> memref<512x256xf32, #tpu.memory_space<hbm>>
    tpu.wait_indirect_dma semaphore(%arg9 : memref<!tpu.dma_semaphore, #tpu.memory_space<semaphore_mem>>) src(%dma_wait3A_449 : memref<512x256xf32, #tpu.memory_space<hbm>>) dst(%arg6 : memref<128x256xf32, #tpu.memory_space<vmem>>)
    %add3A_450 = arith.constant 2304 : i32
    %add3A_451 = arith.addi %multiple_of3A, %add3A_450 : i32
    %dma_start3A_452 = arith.constant 0 : i32
    %dma_start3A_453 = tpu.memref_slice %arg4[%add3A_451, %dma_start3A_452] : memref<81920x256xf32, #tpu.memory_space<hbm>> -> memref<128x256xf32, #tpu.memory_space<hbm>>
    %dma_start3A_454 = arith.constant 0 : i32
    %dma_start3A_455 = tpu.memref_slice %arg4[%add3A_451, %dma_start3A_454] : memref<81920x256xf32, #tpu.memory_space<hbm>> -> memref<128x256xf32, #tpu.memory_space<hbm>>
    tpu.enqueue_dma source(%arg6 : memref<128x256xf32, #tpu.memory_space<vmem>>) target(%dma_start3A_455 : memref<128x256xf32, #tpu.memory_space<hbm>>) target_semaphore(%arg12 : memref<!tpu.dma_semaphore, #tpu.memory_space<semaphore_mem>>)
    %dma_wait3A_456 = arith.constant 19 : i32
    %dma_wait3A_457 = arith.constant 0 : i32
    %dma_wait3A_458 = tpu.memref_slice %arg5[%dma_wait3A_456, %dma_wait3A_457] : memref<24x128xi32, #tpu.memory_space<vmem>> -> memref<1x128xi32, #tpu.memory_space<vmem>>
    %dma_wait3A_459 = tpu.memref_squeeze %dma_wait3A_458 : memref<1x128xi32, #tpu.memory_space<vmem>> -> memref<128xi32, #tpu.memory_space<vmem>>
    %dma_wait3A_460 = arith.constant 0 : i32
    %dma_wait3A_461 = arith.constant 0 : i32
    %dma_wait3A_462 = tpu.memref_slice %arg2[%dma_wait3A_460, %dma_wait3A_461] : memref<512x256xf32, #tpu.memory_space<hbm>> -> memref<512x256xf32, #tpu.memory_space<hbm>>
    tpu.wait_indirect_dma semaphore(%arg10 : memref<!tpu.dma_semaphore, #tpu.memory_space<semaphore_mem>>) src(%dma_wait3A_462 : memref<512x256xf32, #tpu.memory_space<hbm>>) dst(%arg7 : memref<128x256xf32, #tpu.memory_space<vmem>>)
    %add3A_463 = arith.constant 2432 : i32
    %add3A_464 = arith.addi %multiple_of3A, %add3A_463 : i32
    %dma_start3A_465 = arith.constant 0 : i32
    %dma_start3A_466 = tpu.memref_slice %arg4[%add3A_464, %dma_start3A_465] : memref<81920x256xf32, #tpu.memory_space<hbm>> -> memref<128x256xf32, #tpu.memory_space<hbm>>
    %dma_start3A_467 = arith.constant 0 : i32
    %dma_start3A_468 = tpu.memref_slice %arg4[%add3A_464, %dma_start3A_467] : memref<81920x256xf32, #tpu.memory_space<hbm>> -> memref<128x256xf32, #tpu.memory_space<hbm>>
    tpu.enqueue_dma source(%arg7 : memref<128x256xf32, #tpu.memory_space<vmem>>) target(%dma_start3A_468 : memref<128x256xf32, #tpu.memory_space<hbm>>) target_semaphore(%arg13 : memref<!tpu.dma_semaphore, #tpu.memory_space<semaphore_mem>>)
    %dma_wait3A_469 = arith.constant 0 : i32
    %dma_wait3A_470 = tpu.memref_slice %arg4[%add3A_438, %dma_wait3A_469] : memref<81920x256xf32, #tpu.memory_space<hbm>> -> memref<128x256xf32, #tpu.memory_space<hbm>>
    %dma_wait3A_471 = arith.constant 0 : i32
    %dma_wait3A_472 = tpu.memref_slice %arg4[%add3A_438, %dma_wait3A_471] : memref<81920x256xf32, #tpu.memory_space<hbm>> -> memref<128x256xf32, #tpu.memory_space<hbm>>
    tpu.wait_dma2 semaphore(%arg14 : memref<!tpu.dma_semaphore, #tpu.memory_space<semaphore_mem>>) src(%arg8 : memref<128x256xf32, #tpu.memory_space<vmem>>) dst(%dma_wait3A_472 : memref<128x256xf32, #tpu.memory_space<hbm>>)
    %dma_wait3A_473 = arith.constant 0 : i32
    %dma_wait3A_474 = tpu.memref_slice %arg4[%add3A_451, %dma_wait3A_473] : memref<81920x256xf32, #tpu.memory_space<hbm>> -> memref<128x256xf32, #tpu.memory_space<hbm>>
    %dma_wait3A_475 = arith.constant 0 : i32
    %dma_wait3A_476 = tpu.memref_slice %arg4[%add3A_451, %dma_wait3A_475] : memref<81920x256xf32, #tpu.memory_space<hbm>> -> memref<128x256xf32, #tpu.memory_space<hbm>>
    tpu.wait_dma2 semaphore(%arg12 : memref<!tpu.dma_semaphore, #tpu.memory_space<semaphore_mem>>) src(%arg6 : memref<128x256xf32, #tpu.memory_space<vmem>>) dst(%dma_wait3A_476 : memref<128x256xf32, #tpu.memory_space<hbm>>)
    %dma_wait3A_477 = arith.constant 0 : i32
    %dma_wait3A_478 = tpu.memref_slice %arg4[%add3A_464, %dma_wait3A_477] : memref<81920x256xf32, #tpu.memory_space<hbm>> -> memref<128x256xf32, #tpu.memory_space<hbm>>
    %dma_wait3A_479 = arith.constant 0 : i32
    %dma_wait3A_480 = tpu.memref_slice %arg4[%add3A_464, %dma_wait3A_479] : memref<81920x256xf32, #tpu.memory_space<hbm>> -> memref<128x256xf32, #tpu.memory_space<hbm>>
    tpu.wait_dma2 semaphore(%arg13 : memref<!tpu.dma_semaphore, #tpu.memory_space<semaphore_mem>>) src(%arg7 : memref<128x256xf32, #tpu.memory_space<vmem>>) dst(%dma_wait3A_480 : memref<128x256xf32, #tpu.memory_space<hbm>>)
    return
  }
}

module attributes {stable_mosaic.version = 14 : i64} {
  func.func @_dist_argmin_body(%arg0: i32, %arg1: memref<512x5x256xf32, #tpu.memory_space<vmem>>, %arg2: memref<512x256xf32, #tpu.memory_space<vmem>>, %arg3: memref<512x256xbf16, #tpu.memory_space<vmem>>, %arg4: memref<1x24x128xi32, #tpu.memory_space<vmem>>, %arg5: memref<1x1xf32, #tpu.memory_space<smem>>) attributes {dimension_semantics = [#tpu.dimension_semantics<arbitrary>], iteration_bounds = array<i64: 32>, scalar_prefetch = 0 : i64, scratch_operands = 0 : i64, tpu.core_type = #tpu.core_type<tc>, window_params = [{transform_indices = @transform_0, window_bounds = array<i64: 512, 5, 256>}, {pipeline_mode = #tpu.pipeline_mode<synchronous>, transform_indices = @transform_1, window_bounds = array<i64: 512, 256>}, {pipeline_mode = #tpu.pipeline_mode<synchronous>, transform_indices = @transform_2, window_bounds = array<i64: 512, 256>}, {transform_indices = @transform_3, window_bounds = array<i64: 1, 24, 128>}, {transform_indices = @transform_4, window_bounds = array<i64: 1, 1>}]} {
    %get3A = arith.constant 0 : index
    %get3A_0 = arith.constant 0 : index
    %get3A_1 = arith.constant 0 : index
    %get3A_2 = vector.load %arg1[%get3A, %get3A_0, %get3A_1] : memref<512x5x256xf32, #tpu.memory_space<vmem>>, vector<512x5x256xf32>
    %reshape3A = vector.shape_cast %get3A_2 : vector<512x5x256xf32> to vector<2560x256xf32>
    %get3A_3 = arith.constant 0 : index
    %get3A_4 = arith.constant 0 : index
    %get3A_5 = vector.load %arg2[%get3A_3, %get3A_4] : memref<512x256xf32, #tpu.memory_space<vmem>>, vector<512x256xf32>
    %mul3A = arith.constant -2.000000e+00 : f32
    %mul3A_6 = vector.broadcast %mul3A : f32 to vector<512x256xf32>
    %mul3A_7 = arith.mulf %get3A_5, %mul3A_6 : vector<512x256xf32>
    %dot_general3A = arith.constant dense<0.000000e+00> : vector<512x2560xf32>
    %dot_general3A_8 = tpu.matmul %mul3A_7, %reshape3A, %dot_general3A {dimension_numbers = #tpu.dot_dimension_numbers<[1], [1], [0], [0], [0, 0, 1, 0], [], []>, transpose_lhs_hint = false} : vector<512x256xf32>, vector<2560x256xf32>, vector<512x2560xf32> -> vector<512x2560xf32>
    %convert_element_type3A = arith.truncf %reshape3A : vector<2560x256xf32> to vector<2560x256xbf16>
    %get3A_9 = arith.constant 0 : index
    %get3A_10 = arith.constant 0 : index
    %get3A_11 = vector.load %arg3[%get3A_9, %get3A_10] : memref<512x256xbf16, #tpu.memory_space<vmem>>, vector<512x256xbf16>
    %mul3A_12 = arith.mulf %convert_element_type3A, %convert_element_type3A : vector<2560x256xbf16>
    %dot_general3A_13 = arith.constant dense<0.000000e+00> : vector<512x2560xf32>
    %dot_general3A_14 = tpu.matmul %get3A_11, %mul3A_12, %dot_general3A_13 {dimension_numbers = #tpu.dot_dimension_numbers<[1], [1], [0], [0], [0, 0, 1, 0], [], []>, transpose_lhs_hint = false} : vector<512x256xbf16>, vector<2560x256xbf16>, vector<512x2560xf32> -> vector<512x2560xf32>
    %mul3A_15 = arith.mulf %get3A_5, %get3A_5 : vector<512x256xf32>
    %reduce_sum3A = arith.constant dense<0.000000e+00> : vector<512xf32>
    %reduce_sum3A_16 = vector.multi_reduction <add>, %mul3A_15, %reduce_sum3A [1] : vector<512x256xf32> to vector<512xf32>
    %broadcast_in_dim3A = vector.shape_cast %reduce_sum3A_16 : vector<512xf32> to vector<512x1xf32>
    %add3A = arith.addf %dot_general3A_14, %dot_general3A_8 : vector<512x2560xf32>
    %add3A_17 = vector.broadcast %broadcast_in_dim3A : vector<512x1xf32> to vector<512x2560xf32>
    %add3A_18 = arith.addf %add3A, %add3A_17 : vector<512x2560xf32>
    %reduce_min3A = arith.constant dense<0x7F800000> : vector<2560xf32>
    %reduce_min3A_19 = vector.multi_reduction <minimumf>, %add3A_18, %reduce_min3A [0] : vector<512x2560xf32> to vector<2560xf32>
    %broadcast_in_dim3A_20 = vector.shape_cast %reduce_min3A_19 : vector<2560xf32> to vector<1x2560xf32>
    %iota3A = tpu.iota {dimensions = array<i32: 0>} : vector<512x2560xi32>
    %eq3A = vector.broadcast %broadcast_in_dim3A_20 : vector<1x2560xf32> to vector<512x2560xf32>
    %eq3A_21 = arith.cmpf oeq, %add3A_18, %eq3A : vector<512x2560xf32>
    %jit3A = arith.constant 512 : i32
    %broadcast_in_dim3A_22 = vector.broadcast %jit3A : i32 to vector<512x2560xi32>
    %select_n3A = arith.select %eq3A_21, %iota3A, %broadcast_in_dim3A_22 : vector<512x2560xi1>, vector<512x2560xi32>
    %reduce_min3A_23 = arith.constant dense<2147483647> : vector<2560xi32>
    %reduce_min3A_24 = vector.multi_reduction <minsi>, %select_n3A, %reduce_min3A_23 [0] : vector<512x2560xi32> to vector<2560xi32>
    %reshape3A_25 = vector.shape_cast %reduce_min3A_24 : vector<2560xi32> to vector<20x128xi32>
    %swap3A = arith.constant 0 : index
    %swap3A_26 = arith.constant 0 : index
    %swap3A_27 = arith.constant 0 : index
    %swap3A_28 = vector.load %arg4[%swap3A, %swap3A_26, %swap3A_27] : memref<1x24x128xi32, #tpu.memory_space<vmem>>, vector<1x20x128xi32>
    %swap3A_29 = vector.shape_cast %swap3A_28 : vector<1x20x128xi32> to vector<20x128xi32>
    %swap3A_30 = vector.shape_cast %reshape3A_25 : vector<20x128xi32> to vector<1x20x128xi32>
    tpu.vector_store %arg4[%swap3A, %swap3A_26, %swap3A_27], %swap3A_30 {strides = array<i32>} : memref<1x24x128xi32, #tpu.memory_space<vmem>>, vector<1x20x128xi32>,
    %broadcast_in_dim3A_31 = arith.constant 0 : i32
    %broadcast_in_dim3A_32 = vector.broadcast %broadcast_in_dim3A_31 : i32 to vector<4x128xi32>
    %swap3A_33 = arith.constant 0 : index
    %swap3A_34 = arith.constant 20 : index
    %swap3A_35 = arith.constant 0 : index
    %swap3A_36 = vector.load %arg4[%swap3A_33, %swap3A_34, %swap3A_35] : memref<1x24x128xi32, #tpu.memory_space<vmem>>, vector<1x4x128xi32>
    %swap3A_37 = vector.shape_cast %swap3A_36 : vector<1x4x128xi32> to vector<4x128xi32>
    %swap3A_38 = vector.shape_cast %broadcast_in_dim3A_32 : vector<4x128xi32> to vector<1x4x128xi32>
    tpu.vector_store %arg4[%swap3A_33, %swap3A_34, %swap3A_35], %swap3A_38 {strides = array<i32>} : memref<1x24x128xi32, #tpu.memory_space<vmem>>, vector<1x4x128xi32>,
    %eq3A_39 = arith.constant 0 : i32
    %eq3A_40 = arith.cmpi eq, %arg0, %eq3A_39 : i32
    %convert_element_type3A_41 = arith.extui %eq3A_40 : i1 to i32
    %cond3A = arith.constant 0 : i32
    %cond3A_42 = arith.cmpi ne, %convert_element_type3A_41, %cond3A : i32
    scf.if %cond3A_42 {
      %swap3A_55 = arith.constant 0.000000e+00 : f32
      %swap3A_56 = arith.constant 0 : index
      %swap3A_57 = arith.constant 0 : index
      %swap3A_58 = memref.load %arg5[%swap3A_56, %swap3A_57] : memref<1x1xf32, #tpu.memory_space<smem>>
      memref.store %swap3A_55, %arg5[%swap3A_56, %swap3A_57] : memref<1x1xf32, #tpu.memory_space<smem>>
    } else {
    }
    %get3A_43 = arith.constant 0 : index
    %get3A_44 = arith.constant 0 : index
    %get3A_45 = memref.load %arg5[%get3A_43, %get3A_44] : memref<1x1xf32, #tpu.memory_space<smem>>
    %reduce_sum3A_46 = vector.shape_cast %broadcast_in_dim3A_20 : vector<1x2560xf32> to vector<1x1x2560xf32>
    %reduce_sum3A_47 = arith.constant dense<0.000000e+00> : vector<1xf32>
    %reduce_sum3A_48 = vector.multi_reduction <add>, %reduce_sum3A_46, %reduce_sum3A_47 [1, 2] : vector<1x1x2560xf32> to vector<1xf32>
    %reduce_sum3A_49 = vector.shape_cast %reduce_sum3A_48 : vector<1xf32> to vector<1x1x1xf32>
    %reduce_sum3A_50 = vector.extract %reduce_sum3A_49[0, 0, 0] : f32 from vector<1x1x1xf32>
    %add3A_51 = arith.addf %get3A_45, %reduce_sum3A_50 : f32
    %swap3A_52 = arith.constant 0 : index
    %swap3A_53 = arith.constant 0 : index
    %swap3A_54 = memref.load %arg5[%swap3A_52, %swap3A_53] : memref<1x1xf32, #tpu.memory_space<smem>>
    memref.store %add3A_51, %arg5[%swap3A_52, %swap3A_53] : memref<1x1xf32, #tpu.memory_space<smem>>
    return
  }
  func.func @transform_0(%arg0: i32) -> (i32, i32, i32) {
    %c0_i32 = arith.constant 0 : i32
    %c0_i32_0 = arith.constant 0 : i32
    %c0_i32_1 = arith.constant 0 : i32
    return %arg0, %c0_i32, %c0_i32_0 : i32, i32, i32
  }
  func.func @transform_1(%arg0: i32) -> (i32, i32) {
    %c0_i32 = arith.constant 0 : i32
    %c0_i32_0 = arith.constant 0 : i32
    %c0_i32_1 = arith.constant 0 : i32
    return %c0_i32, %c0_i32_0 : i32, i32
  }
  func.func @transform_2(%arg0: i32) -> (i32, i32) {
    %c0_i32 = arith.constant 0 : i32
    %c0_i32_0 = arith.constant 0 : i32
    %c0_i32_1 = arith.constant 0 : i32
    return %c0_i32, %c0_i32_0 : i32, i32
  }
  func.func @transform_3(%arg0: i32) -> (i32, i32, i32) {
    %c0_i32 = arith.constant 0 : i32
    %c0_i32_0 = arith.constant 0 : i32
    %c0_i32_1 = arith.constant 0 : i32
    return %arg0, %c0_i32, %c0_i32_0 : i32, i32, i32
  }
  func.func @transform_4(%arg0: i32) -> (i32, i32) {
    %c0_i32 = arith.constant 0 : i32
    %c0_i32_0 = arith.constant 0 : i32
    %c0_i32_1 = arith.constant 0 : i32
    return %c0_i32, %c0_i32_0 : i32, i32
  }
}

</mosaic_0001>

<sc_bundles>
// kernel: kernel.4.cloned.1.call-start
scs
__scs_entry_jumppad:
0x0: {  	(pc) =	sbr.rel $0x88, $3  }
0x1: {  	(tag) =	ssettag $0x0;
	lr =	simm.s32 $0x1  }
0x2: {  	[smem:$0x3F9F] =	sst lr;
	_ =	strace $0xD0000000  }
0x3: {  	_ = 	snop  }
0x4: {  	_ = 	snop  }
0x5: {  	_ = 	snop  }
0x6: {  	_ = 	snop  }
0x7: {  	_ = 	snop  }
__scs_overlays_trampoline_lowered:
0x8: {  	[smem:$0x3FAE] =	sst s0  }
0x9: {  	[smem:$0x3FAF] =	sst s1  }
0xa: {  	[smem:$0x3FB0] =	sst s2  }
0xb: {  	[smem:$0x3FB1] =	sst s3  }
0xc: {  	[smem:$0x3FB2] =	sst s4  }
0xd: {  	[smem:$0x3FB3] =	sst s5  }
0xe: {  	[smem:$0x3FB4] =	sst s6  }
0xf: {  	[smem:$0x3FB5] =	sst s7  }
0x10: {  	[smem:$0x3FB6] =	sst s8  }
0x11: {  	[smem:$0x3FB7] =	sst s9;
	s0 =	simm.s32 @!p0 $0x0  }
0x12: {  	s1 =	sld [smem:$0x3F9D];
	s0 =	simm.s32 @p0 $0x1  }
0x13: {  	[smem:$0x3FB8] =	sst s0;
	s0 =	simm.s32 @!p1 $0x0  }
0x14: {  	s2 =	sld [smem:$0x3F9C];
	s0 =	simm.s32 @p1 $0x1  }
0x15: {  	[smem:$0x3FB9] =	sst s0;
	s0 =	simm.s32 @!p2 $0x0  }
0x16: {  	s3 =	sld [smem:$0x3FDB];
	s0 =	simm.s32 @p2 $0x1  }
0x17: {  	s4 =	simm.s32 $0x1BF5;
	[smem:$0x3FBB] =	sst s0  }
0x18: {  	s0 =	sld [smem:$0x3F9E];
	_ =	swait.ge [sflag:s4], $0x0  }
0x19: {  	s7 =	sld [smem:$0x3F9F]  }
0x1a: {  	s8 =	sadd.s32 $0xFFFFE003, lr  }
0x1b: {  	s9 =	sadd.s32 $0xFFFFFEF7, lr;
	s5 =	simm.s32 $0xFFFFFFFF;
	p2 =	slt.u32 s8, $0xFFFFF086  }
0x1c: {  	p1 =	slt.u32 s9, $0xF7A;
	s5 =	simm.s32 @!p2 $0x0  }
0x1d: {  	s5 =	simm.s32 @p1 $0x1;
	p0 =	seq.s32 s7, s2  }
0x1e: {  	s7 =	smul.u32 @!p0 $0xF7A, s2;
	p2 =	seq.s32 @!p0 s5, $0x0  }
0x1f: {  	s9 =	smul.u32 $0xF7A, s1;
	s8 =	simm.s32 @!p0 $0x1BF5;
	p2 =	por !p2, p0  }
0x20: {  	[sflag:s8] =	ssyncset.s32 @!p0 $0xFFFFF086;
	s6 =	sadd.s32 @!p0 s3, s7;
	s7 =	simm.s32 @!p0 $0x108  }
0x21: {  	s3 =	sadd.s32 s3, s9;
	s6 =	sadd.s32 @!p0 $0x88, s6;
	s7 =	simm.s32 @p2 $0x1082  }
0x22: {  	[simem:s7], [sflag:s8] =	dma.local @!p0 [hbm:s6], $0xF7A  }
0x23: {  	s9 =	sor.u32 $0xD0000000, s2;
	s6 =	simm.s32 $0x108;
	_ =	swait.ge @!p0 [sflag:s8], $0x0  }
0x24: {  	s3 =	sadd.s32 $0x88, s3;
	s6 =	simm.s32 @!p1 $0x1082;
	[sflag:s4] =	ssyncset.s32 $0xFFFFF086  }
0x25: {  	[simem:s6], [sflag:s4] =	dma.local [hbm:s3], $0xF7A  }
0x26: {  	[smem:$0x3F9F] =	sst s1;
	(tag) =	ssettag s2;
	_ =	strace s9  }
0x27: {  	s1 =	sld [smem:$0x3FAF]  }
0x28: {  	s2 =	sld [smem:$0x3FB0]  }
0x29: {  	s4 =	sld [smem:$0x3FB2]  }
0x2a: {  	p0 =	seq.s32 s5, $0x0;
	s5 =	sld [smem:$0x3FB3]  }
0x2b: {  	s6 =	sld [smem:$0x3FB4]  }
0x2c: {  	s7 =	sld [smem:$0x3FB5]  }
0x2d: {  	s3 =	simm.s32 $0x108;
	s8 =	sld [smem:$0x3FB6]  }
0x2e: {  	s3 =	simm.s32 @!p0 $0x1082;
	s9 =	sld [smem:$0x3FB7]  }
0x2f: {  	lr =	sadd.s32 s0, s3;
	s0 =	sld [smem:$0x3FAE]  }
0x30: {  	s3 =	sld [smem:$0x3FB1]  }
0x31: {  	[smem:$0x3FBA] =	sst s10  }
0x32: {  	s10 =	sld [smem:$0x3FB8];
	_ =	sdelay $0x3  }
0x33: {  	p0 =	seq.s32 s10, $0x1;
	s10 =	sld [smem:$0x3FBA];
	_ =	sdelay $0x3  }
0x34: {  	[smem:$0x3FBA] =	sst s10  }
0x35: {  	s10 =	sld [smem:$0x3FB9];
	_ =	sdelay $0x3  }
0x36: {  	p1 =	seq.s32 s10, $0x1;
	s10 =	sld [smem:$0x3FBA];
	_ =	sdelay $0x3  }
0x37: {  	[smem:$0x3FBA] =	sst s10  }
0x38: {  	s10 =	sld [smem:$0x3FBB]  }
0x39: {  	_ = 	snop;
	(pc) =	sbr.ind lr, $3  }
0x3a: {  	_ = 	snop  }
0x3b: {  	_ = 	snop  }
0x3c: {  	p2 =	seq.s32 s10, $0x1;
	s10 =	sld [smem:$0x3FBA]  }
0x3d: {  	_ =	shalt  }
0x3e: {  	_ =	shalt  }
0x3f: {  	_ =	shalt  }
0x40: {  	_ =	shalt  }
0x41: {  	_ =	shalt  }
0x42: {  	_ =	shalt  }
0x43: {  	_ =	shalt  }
0x44: {  	_ =	shalt  }
0x45: {  	_ =	shalt  }
0x46: {  	_ =	shalt  }
0x47: {  	_ =	shalt  }
0x48: {  	_ =	shalt  }
0x49: {  	_ =	shalt  }
0x4a: {  	_ =	shalt  }
0x4b: {  	_ =	shalt  }
0x4c: {  	_ =	shalt  }
0x4d: {  	_ =	shalt  }
0x4e: {  	_ =	shalt  }
0x4f: {  	_ =	shalt  }
0x50: {  	_ =	shalt  }
0x51: {  	_ =	shalt  }
0x52: {  	_ =	shalt  }
0x53: {  	_ =	shalt  }
0x54: {  	_ =	shalt  }
0x55: {  	_ =	shalt  }
0x56: {  	_ =	shalt  }
0x57: {  	_ =	shalt  }
0x58: {  	_ =	shalt  }
0x59: {  	_ =	shalt  }
0x5a: {  	_ =	shalt  }
0x5b: {  	_ =	shalt  }
0x5c: {  	_ =	shalt  }
0x5d: {  	_ =	shalt  }
0x5e: {  	_ =	shalt  }
0x5f: {  	_ =	shalt  }
0x60: {  	_ =	shalt  }
0x61: {  	_ =	shalt  }
0x62: {  	_ =	shalt  }
0x63: {  	_ =	shalt  }
0x64: {  	_ =	shalt  }
0x65: {  	_ =	shalt  }
0x66: {  	_ =	shalt  }
0x67: {  	_ =	shalt  }
0x68: {  	_ =	shalt  }
0x69: {  	_ =	shalt  }
0x6a: {  	_ =	shalt  }
0x6b: {  	_ =	shalt  }
0x6c: {  	_ =	shalt  }
0x6d: {  	_ =	shalt  }
0x6e: {  	_ =	shalt  }
0x6f: {  	_ =	shalt  }
0x70: {  	_ =	shalt  }
0x71: {  	_ =	shalt  }
0x72: {  	_ =	shalt  }
0x73: {  	_ =	shalt  }
0x74: {  	_ =	shalt  }
0x75: {  	_ =	shalt  }
0x76: {  	_ =	shalt  }
0x77: {  	_ =	shalt  }
0x78: {  	_ =	shalt  }
0x79: {  	_ =	shalt  }
0x7a: {  	_ =	shalt  }
0x7b: {  	_ =	shalt  }
0x7c: {  	_ =	shalt  }
0x7d: {  	_ =	shalt  }
0x7e: {  	_ =	shalt  }
0x7f: {  	_ =	shalt  }
0x80: {  	_ =	shalt  }
0x81: {  	_ =	shalt  }
0x82: {  	_ =	shalt  }
0x83: {  	_ =	shalt  }
0x84: {  	_ =	shalt  }
0x85: {  	_ =	shalt  }
0x86: {  	_ =	shalt  }
0x87: {  	_ =	shalt  }
.Lfunc_end0:
.L_simem_size_0:
called_computation.1_lowered:
.L_overlay_start_0:
0x88: {  	s2 =	sld [smem:$0x3FD9]  }
0x89: {  	s3 =	sld [smem:$0x3FFE];
	_ =	sdelay $0x1  }
0x8a: {  	s1 =	srdreg.scid  }
0x8b: {  	s0 =	sand.u32 $0x1, s1  }
0x8c: {  	s15 =	sshll.u32 s0, $0xA;
	s2 =	sadd.s32 s3, s2  }
0x8d: {  	s2 =	sadd.s32 s2, s15  }
0x8e: {  	[smem:$0x3FC6] =	sst s2  }
0x8f: {  	_ = 	snop  }
0x90: {  	s2 =	sld [smem:$0x3FD0];
	_ =	sdelay $0x2  }
0x91: {  	s4 =	simm.s32 $0xA;
	s5 =	simm.s32 $0x10;
	s16 =	sld [smem:$0x3FC8]  }
0x92: {  	[smem:s5], [sflag:s4] =	dma.local [hbm:s2], $0x1  }
0x93: {  	_ =	swait.eq [sflag:s4], $0x1  }
0x94: {  	[sflag:s4] =	ssyncset.done $0x0  }
0x95: {  	s17 =	sld [smem:$0x10];
	[sflag:s4] =	ssyncadd.s32 $0xFFFFFFFF  }
0x96: {  	s18 =	sld [smem:$0x12];
	(tm) =	ssettm $0x1  }
0x97: {  	s19 =	sld [smem:$0x3FFB];
	_ =	sdelay $0x3  }
0x98: {  	_ =	strace s19  }
0x99: {  	s5 =	sld [smem:$0x3FFC];
	_ =	sdelay $0x3  }
0x9a: {  	_ =	strace s5  }
0x9b: {  	s5 =	sld [smem:$0x3FFD];
	_ =	sdelay $0x3  }
0x9c: {  	_ =	strace s5  }
0x9d: {  	_ =	strace $0x8FFFFFFF  }
0x9e: {  	s20 =	sld [smem:$0x3FDB];
	_ =	sdelay $0x1  }
0x9f: {  	s6 =	simm.s32 $_scs_section_size  }
0xa0: {  	s7 =	simm.s32 $_size__tile_overlayer_lowered;
	s8 =	simm.s32 $_tile_overlayer_lowered  }
0xa1: {  	s23 =	simm.s32 $0x1BFF;
	s22 =	sshll.u32 s8, $0x1;
	s5 =	sadd.s32 s6, s20  }
0xa2: {  	s9 =	simm.s32 $0x0;
	s21 =	sshll.u32 s7, $0x1;
	s7 =	sadd.s32 s22, s5  }
0xa3: {  	[timem:s9], [sflag:s23] =	dma.local [hbm:s7], s21  }
0xa4: {  	_ =	swait.ge [sflag:s23], s21  }
0xa5: {  	s6 =	ssub.s32 $0x0, s21;
	[sflag:s23] =	ssyncset.done $0x0  }
0xa6: {  	[sflag:s23] =	ssyncadd.s32 s6;
	_ =	sdelay $0x1  }
0xa7: {  	s24 =	simm.s32 $0x1B8B  }
0xa8: {  	_ =	swait.ge [sflag:s24], $0x1  }
0xa9: {  	[sflag:s24] =	ssyncset.done $0x0  }
0xaa: {  	s25 =	simm.s32 $0x1B8E;
	[sflag:s24] =	ssyncadd.s32 $0xFFFFFFFF  }
0xab: {  	s26 =	simm.s32 $execute0_lowered;
	[smem:$0x3FD2] =	sst s25  }
0xac: {  	s6 =	sshll.u32 s26, $0x1;
	_ =	strace $0x80000046;
	[dreg:$0x1] =	wrdreg $0xFFFFFFFF  }
0xad: {  	s28 =	simm.s32 $_size_execute0_lowered;
	s5 =	sadd.s32 s5, s6;
	[dreg:$0x0] =	wrdreg $0x0  }
0xae: {  	s6 =	sshll.u32 s28, $0x1;
	[dreg:$0x2] =	wrdreg s5  }
0xaf: {  	[dreg:$0x3] =	wrdreg s6  }
0xb0: {  	[dreg:$0x4] =	wrdreg $0xC0  }
0xb1: {  	_ =	task [dreg:s9], $0x5FFFF  }
0xb2: {  	[dreg:$0x1] =	wrdreg $0xFFFFFFFF  }
0xb3: {  	[dreg:$0x0] =	wrdreg $0x60  }
0xb4: {  	[dreg:$0x2] =	wrdreg s16  }
0xb5: {  	[dreg:$0x3] =	wrdreg s18  }
0xb6: {  	[dreg:$0x4] =	wrdreg s17  }
0xb7: {  	[dreg:$0x5] =	wrdreg $0x9  }
0xb8: {  	_ =	task.clear_ibuf [dreg:s9], $0x6FFFF;
	_ =	strace $0x90000046  }
0xb9: {  	s29 =	simm.s32 $0x9;
	_ =	strace $0x80000048  }
0xba: {  	_ =	swait.ge [sflag:s29], $0x1  }
0xbb: {  	[sflag:s29] =	ssyncadd.s32 $0xFFFFFFFF  }
0xbc: {  	_ =	strace $0x90000048  }
0xbd: {  	_ =	sfence  }
0xbe: {  	s30 =	sld [smem:$0x0];
	_ =	sdelay $0x2  }
0xbf: {  	s31 =	sshll.u32 s1, $0xD;
	s1 =	sshrl.u32 s1, $0x2  }
0xc0: {  	s3 =	sand.u32 $0x4000, s31;
	s1 =	sadd.s32 s1, s30  }
0xc1: {  	s0 =	sor.u32 s3, s0;
	s1 =	sshll.u32 s1, $0x11  }
0xc2: {  	s0 =	sor.u32 s1, s0  }
0xc3: {  	s0 =	sadd.s32 $0x8F2B, s0  }
0xc4: {  	[sflag:s0] =	ssyncadd.remote.s32 $0x1  }
0xc5: {  	_ =	sfence.sel $0xFFFF  }
0xc6: {  	[dreg:$0x0] =	wrdreg $0xFFFFFFFF;
	(pc) =	sbr.abs _section_cstart, $3  }
0xc7: {  	[dreg:$0x1] =	wrdreg $0xFFFFFFFF  }
0xc8: {  	_ =	task.clear_ibuf [dreg:s9], $0x2FFFF;
	_ =	strace $0x9FFFFFFF  }
0xc9: {  	(tm) =	ssettm $0x7FFFFFFF  }
tec
execute0_lowered:
.L_overlay_start_1:
0x0: {  	(tag) =	ssettag $0x1  }
0x1: {  	s0 =	srdreg.scid;
	s3 =	stileid.u32  }
0x2: {  	s0 =	sand.u32 $0x1, s0;
	s3 =	sshll.u32 s3, $0x1  }
0x3: {  	s1 =	rddreg [dreg:$0x0];
	s5 =	sor.u32 s0, s3  }
0x4: {  	s2 =	rddreg [dreg:$0x1];
	s6 =	smul.u32 $0x180, s5  }
0x5: {  	s4 =	rddreg [dreg:$0x2];
	s3 =	simm.s32 $0x0;
	s7 =	smul.u32 $0x14000, s5  }
0x6: {  	[smem:$0x7FF] =	sst s3;
	s5 =	smul.u32 $0xA0000, s5;
	s2 =	sadd.s32 s2, s6  }
0x7: {  	_ =	strace $0x80000047;
	s10 =	sadd.s32 s4, s7;
	[dreg:$0x4] =	wrdreg s2  }
0x8: {  	s11 =	sadd.s32 $0x1000, s10;
	[dreg:$0x18] =	wrdreg s10  }
0x9: {  	s5 =	sshrl.u32 s5, $0x3;
	s12 =	sadd.s32 $0x2000, s10;
	[dreg:$0x5] =	wrdreg s11  }
0xa: {  	s13 =	sadd.s32 $0x3000, s10;
	s4 =	sadd.s32 s4, s5;
	[dreg:$0x6] =	wrdreg s12  }
0xb: {  	[dreg:$0x7] =	wrdreg s13;
	s14 =	sadd.s32 $0x4000, s4  }
0xc: {  	s15 =	sadd.s32 $0x5000, s4;
	[dreg:$0x8] =	wrdreg s14  }
0xd: {  	s16 =	sadd.s32 $0x6000, s4;
	[dreg:$0x9] =	wrdreg s15  }
0xe: {  	s17 =	sadd.s32 $0x7000, s4;
	[dreg:$0xa] =	wrdreg s16  }
0xf: {  	s18 =	sadd.s32 $0x8000, s4;
	[dreg:$0xb] =	wrdreg s17  }
0x10: {  	s19 =	sadd.s32 $0x9000, s4;
	[dreg:$0xc] =	wrdreg s18  }
0x11: {  	s20 =	sadd.s32 $0xA000, s4;
	[dreg:$0xd] =	wrdreg s19  }
0x12: {  	s21 =	sadd.s32 $0xB000, s4;
	[dreg:$0xe] =	wrdreg s20  }
0x13: {  	s22 =	sadd.s32 $0xC000, s4;
	[dreg:$0xf] =	wrdreg s21  }
0x14: {  	s23 =	sadd.s32 $0xD000, s4;
	[dreg:$0x10] =	wrdreg s22  }
0x15: {  	s24 =	sadd.s32 $0xE000, s4;
	[dreg:$0x11] =	wrdreg s23  }
0x16: {  	s25 =	sadd.s32 $0xF000, s4;
	[dreg:$0x12] =	wrdreg s24  }
0x17: {  	s0 =	ssub.s32 $0x2, s0;
	s26 =	sadd.s32 $0x10000, s4;
	[dreg:$0x13] =	wrdreg s25  }
0x18: {  	s29 =	sshrl.u32 s0, $0x1;
	s28 =	sadd.s32 $0x11000, s4;
	[dreg:$0x14] =	wrdreg s26  }
0x19: {  	s0 =	ssub.s32 s0, s29;
	s30 =	sadd.s32 $0x12000, s4;
	[dreg:$0x15] =	wrdreg s28  }
0x1a: {  	v2 =	vlaneseq.u32;
	s0 =	smax.u32 s0, $0x1;
	s31 =	sadd.s32 $0x13000, s4;
	[dreg:$0x16] =	wrdreg s30  }
0x1b: {  	vm0 =	vmmov $0xffff;
	v1 =	vshrl.u32 v2, $0x3;
	s13 =	simm.s32 $0x1;
	[dreg:$0x17] =	wrdreg s31;
	s14 =	simm.s32 $0x4  }
0x1c: {  	v0 =	vand.u32 $0x7, v2;
	v2 =	vor.u32 $0x8, v2;
	v1 =	vmul.u32 $0x8, v1;
	s15 =	simm.s32 $0x2;
	s16 =	simm.s32 $0x5;
	s18 =	simm.s32 $0x3  }
.LBB2_1:
0x1d: {  	[dreg:$0x19] =	wrdreg s0  }
0x1e: {  	s19 =	rddreg [dreg:$0x4];
	s17 =	simm.s32 $0x7  }
0x1f: {  	[tilespmem:s3], [sflag:$0x7] =	stream.linear.gather [hbm4b:s19+s3], $0xC00, $0x38;
	[tilespmem:$0x18C00] =	vst v63  }
0x20: {  	_ =	swait.ge [sflag:s17], $0xC00  }
0x21: {  	[sflag:s17] =	ssyncset.done $0x0  }
0x22: {  	[sflag:s17] =	ssyncadd.s32 $0xFFFFF400  }
0x23: {  	v3 =	vld [tilespmem:$0x0];
	_ =	sdelay $0x4  }
0x24: {  	v4 =	vshll.u32 v3, $0x1  }
0x25: {  	v3 =	vand.u32 $0x7, v3;
	v4 =	vand.u32 $0xFFFFFFF0, v4  }
0x26: {  	v3 =	vor.u32 v3, v4  }
0x27: {  	v4 =	vperm.xlane v3, v0;
	_ =	sdelay $0x1  }
0x28: {  	v3 =	vperm.xlane v3, v2;
	v4 =	vadd.s32 v1, v4;
	_ =	sdelay $0x1  }
0x29: {  	v3 =	vadd.s32 v1, v3;
	_ =	sdelay $0x1  }
0x2a: {  	s20 =	simm.s32 $0xC00  }
0x2b: {  	[tilespmem:s20], [sflag:$0x1] =	stream.indirect_vreg.gather [hbm4b:s1+s3], $0x80, v4, vm0, $0xb8;
	[tilespmem:$0x18C00] =	vst v63  }
0x2c: {  	s21 =	simm.s32 $0x1400  }
0x2d: {  	[tilespmem:s21], [sflag:$0x1] =	stream.indirect_vreg.gather [hbm4b:s1+s3], $0x80, v3, vm0, $0xb8;
	[tilespmem:$0x18C00] =	vst v63  }
0x2e: {  	v3 =	vld [tilespmem:$0x10];
	_ =	sdelay $0x4  }
0x2f: {  	v17 =	vshll.u32 v3, $0x1  }
0x30: {  	v3 =	vand.u32 $0x7, v3;
	v4 =	vand.u32 $0xFFFFFFF0, v17  }
0x31: {  	v3 =	vor.u32 v3, v4  }
0x32: {  	v4 =	vperm.xlane v3, v0;
	_ =	sdelay $0x1  }
0x33: {  	v3 =	vperm.xlane v3, v2;
	v4 =	vadd.s32 v1, v4;
	_ =	sdelay $0x1  }
0x34: {  	v3 =	vadd.s32 v1, v3;
	_ =	sdelay $0x1  }
0x35: {  	s22 =	simm.s32 $0x1C00  }
0x36: {  	[tilespmem:s22], [sflag:$0x1] =	stream.indirect_vreg.gather [hbm4b:s1+s3], $0x80, v4, vm0, $0xb8;
	[tilespmem:$0x18C00] =	vst v63  }
0x37: {  	s23 =	simm.s32 $0x2400  }
0x38: {  	[tilespmem:s23], [sflag:$0x1] =	stream.indirect_vreg.gather [hbm4b:s1+s3], $0x80, v3, vm0, $0xb8;
	[tilespmem:$0x18C00] =	vst v63  }
0x39: {  	v3 =	vld [tilespmem:$0x20];
	_ =	sdelay $0x4  }
0x3a: {  	v18 =	vshll.u32 v3, $0x1  }
0x3b: {  	v3 =	vand.u32 $0x7, v3;
	v4 =	vand.u32 $0xFFFFFFF0, v18  }
0x3c: {  	v3 =	vor.u32 v3, v4  }
0x3d: {  	v4 =	vperm.xlane v3, v0;
	_ =	sdelay $0x1  }
0x3e: {  	v3 =	vperm.xlane v3, v2;
	v4 =	vadd.s32 v1, v4;
	_ =	sdelay $0x1  }
0x3f: {  	v3 =	vadd.s32 v1, v3;
	_ =	sdelay $0x1  }
0x40: {  	s24 =	simm.s32 $0x2C00  }
0x41: {  	[tilespmem:s24], [sflag:$0x1] =	stream.indirect_vreg.gather [hbm4b:s1+s3], $0x80, v4, vm0, $0xb8;
	[tilespmem:$0x18C00] =	vst v63  }
0x42: {  	s25 =	simm.s32 $0x3400  }
0x43: {  	[tilespmem:s25], [sflag:$0x1] =	stream.indirect_vreg.gather [hbm4b:s1+s3], $0x80, v3, vm0, $0xb8;
	[tilespmem:$0x18C00] =	vst v63  }
0x44: {  	v3 =	vld [tilespmem:$0x30];
	_ =	sdelay $0x4  }
0x45: {  	v19 =	vshll.u32 v3, $0x1  }
0x46: {  	v3 =	vand.u32 $0x7, v3;
	v4 =	vand.u32 $0xFFFFFFF0, v19  }
0x47: {  	v3 =	vor.u32 v3, v4  }
0x48: {  	v4 =	vperm.xlane v3, v0;
	_ =	sdelay $0x1  }
0x49: {  	v3 =	vperm.xlane v3, v2;
	v4 =	vadd.s32 v1, v4;
	_ =	sdelay $0x1  }
0x4a: {  	v3 =	vadd.s32 v1, v3;
	_ =	sdelay $0x1  }
0x4b: {  	s26 =	simm.s32 $0x3C00  }
0x4c: {  	[tilespmem:s26], [sflag:$0x1] =	stream.indirect_vreg.gather [hbm4b:s1+s3], $0x80, v4, vm0, $0xb8;
	[tilespmem:$0x18C00] =	vst v63  }
0x4d: {  	s28 =	simm.s32 $0x4400  }
0x4e: {  	[tilespmem:s28], [sflag:$0x1] =	stream.indirect_vreg.gather [hbm4b:s1+s3], $0x80, v3, vm0, $0xb8;
	[tilespmem:$0x18C00] =	vst v63  }
0x4f: {  	v3 =	vld [tilespmem:$0x40];
	_ =	sdelay $0x4  }
0x50: {  	v20 =	vshll.u32 v3, $0x1  }
0x51: {  	v3 =	vand.u32 $0x7, v3;
	v4 =	vand.u32 $0xFFFFFFF0, v20  }
0x52: {  	v3 =	vor.u32 v3, v4  }
0x53: {  	v4 =	vperm.xlane v3, v0;
	_ =	sdelay $0x1  }
0x54: {  	v3 =	vperm.xlane v3, v2;
	v4 =	vadd.s32 v1, v4;
	_ =	sdelay $0x1  }
0x55: {  	v3 =	vadd.s32 v1, v3;
	_ =	sdelay $0x1  }
0x56: {  	s29 =	simm.s32 $0x4C00  }
0x57: {  	[tilespmem:s29], [sflag:$0x1] =	stream.indirect_vreg.gather [hbm4b:s1+s3], $0x80, v4, vm0, $0xb8;
	[tilespmem:$0x18C00] =	vst v63  }
0x58: {  	s30 =	simm.s32 $0x5400  }
0x59: {  	[tilespmem:s30], [sflag:$0x1] =	stream.indirect_vreg.gather [hbm4b:s1+s3], $0x80, v3, vm0, $0xb8;
	[tilespmem:$0x18C00] =	vst v63  }
0x5a: {  	v3 =	vld [tilespmem:$0x50];
	_ =	sdelay $0x4  }
0x5b: {  	v21 =	vshll.u32 v3, $0x1  }
0x5c: {  	v3 =	vand.u32 $0x7, v3;
	v4 =	vand.u32 $0xFFFFFFF0, v21  }
0x5d: {  	v3 =	vor.u32 v3, v4  }
0x5e: {  	v4 =	vperm.xlane v3, v0;
	_ =	sdelay $0x1  }
0x5f: {  	v3 =	vperm.xlane v3, v2;
	v4 =	vadd.s32 v1, v4;
	_ =	sdelay $0x1  }
0x60: {  	v3 =	vadd.s32 v1, v3;
	_ =	sdelay $0x1  }
0x61: {  	s31 =	simm.s32 $0x5C00  }
0x62: {  	[tilespmem:s31], [sflag:$0x1] =	stream.indirect_vreg.gather [hbm4b:s1+s3], $0x80, v4, vm0, $0xb8;
	[tilespmem:$0x18C00] =	vst v63  }
0x63: {  	s2 =	simm.s32 $0x6400  }
0x64: {  	[tilespmem:s2], [sflag:$0x1] =	stream.indirect_vreg.gather [hbm4b:s1+s3], $0x80, v3, vm0, $0xb8;
	[tilespmem:$0x18C00] =	vst v63  }
0x65: {  	v3 =	vld [tilespmem:$0x60];
	_ =	sdelay $0x4  }
0x66: {  	v22 =	vshll.u32 v3, $0x1  }
0x67: {  	v3 =	vand.u32 $0x7, v3;
	v4 =	vand.u32 $0xFFFFFFF0, v22  }
0x68: {  	v3 =	vor.u32 v3, v4  }
0x69: {  	v4 =	vperm.xlane v3, v0;
	_ =	sdelay $0x1  }
0x6a: {  	v3 =	vperm.xlane v3, v2;
	v4 =	vadd.s32 v1, v4;
	_ =	sdelay $0x1  }
0x6b: {  	v3 =	vadd.s32 v1, v3;
	_ =	sdelay $0x1  }
0x6c: {  	s4 =	simm.s32 $0x6C00  }
0x6d: {  	[tilespmem:s4], [sflag:$0x1] =	stream.indirect_vreg.gather [hbm4b:s1+s3], $0x80, v4, vm0, $0xb8;
	[tilespmem:$0x18C00] =	vst v63  }
0x6e: {  	s5 =	simm.s32 $0x7400  }
0x6f: {  	[tilespmem:s5], [sflag:$0x1] =	stream.indirect_vreg.gather [hbm4b:s1+s3], $0x80, v3, vm0, $0xb8;
	[tilespmem:$0x18C00] =	vst v63  }
0x70: {  	v3 =	vld [tilespmem:$0x70];
	_ =	sdelay $0x4  }
0x71: {  	v23 =	vshll.u32 v3, $0x1  }
0x72: {  	v3 =	vand.u32 $0x7, v3;
	v4 =	vand.u32 $0xFFFFFFF0, v23  }
0x73: {  	v3 =	vor.u32 v3, v4  }
0x74: {  	v4 =	vperm.xlane v3, v0;
	_ =	sdelay $0x1  }
0x75: {  	v3 =	vperm.xlane v3, v2;
	v4 =	vadd.s32 v1, v4;
	_ =	sdelay $0x1  }
0x76: {  	v3 =	vadd.s32 v1, v3;
	_ =	sdelay $0x1  }
0x77: {  	s6 =	simm.s32 $0x7C00  }
0x78: {  	[tilespmem:s6], [sflag:$0x1] =	stream.indirect_vreg.gather [hbm4b:s1+s3], $0x80, v4, vm0, $0xb8;
	[tilespmem:$0x18C00] =	vst v63  }
0x79: {  	s7 =	simm.s32 $0x8400  }
0x7a: {  	[tilespmem:s7], [sflag:$0x1] =	stream.indirect_vreg.gather [hbm4b:s1+s3], $0x80, v3, vm0, $0xb8;
	[tilespmem:$0x18C00] =	vst v63  }
0x7b: {  	v3 =	vld [tilespmem:$0x80];
	_ =	sdelay $0x4  }
0x7c: {  	v24 =	vshll.u32 v3, $0x1  }
0x7d: {  	v3 =	vand.u32 $0x7, v3;
	v4 =	vand.u32 $0xFFFFFFF0, v24  }
0x7e: {  	v3 =	vor.u32 v3, v4  }
0x7f: {  	v4 =	vperm.xlane v3, v0;
	_ =	sdelay $0x1  }
0x80: {  	v3 =	vperm.xlane v3, v2;
	v4 =	vadd.s32 v1, v4;
	_ =	sdelay $0x1  }
0x81: {  	v3 =	vadd.s32 v1, v3;
	_ =	sdelay $0x1  }
0x82: {  	s8 =	simm.s32 $0x8C00  }
0x83: {  	[tilespmem:s8], [sflag:$0x2] =	stream.indirect_vreg.gather [hbm4b:s1+s3], $0x80, v4, vm0, $0xb8;
	[tilespmem:$0x18C00] =	vst v63  }
0x84: {  	s9 =	simm.s32 $0x9400  }
0x85: {  	[tilespmem:s9], [sflag:$0x2] =	stream.indirect_vreg.gather [hbm4b:s1+s3], $0x80, v3, vm0, $0xb8;
	[tilespmem:$0x18C00] =	vst v63  }
0x86: {  	v3 =	vld [tilespmem:$0x90];
	_ =	sdelay $0x4  }
0x87: {  	v25 =	vshll.u32 v3, $0x1  }
0x88: {  	v3 =	vand.u32 $0x7, v3;
	v4 =	vand.u32 $0xFFFFFFF0, v25  }
0x89: {  	v3 =	vor.u32 v3, v4  }
0x8a: {  	v4 =	vperm.xlane v3, v0;
	_ =	sdelay $0x1  }
0x8b: {  	v3 =	vperm.xlane v3, v2;
	v4 =	vadd.s32 v1, v4;
	_ =	sdelay $0x1  }
0x8c: {  	v3 =	vadd.s32 v1, v3;
	_ =	sdelay $0x1  }
0x8d: {  	s17 =	simm.s32 $0x9C00  }
0x8e: {  	[tilespmem:s17], [sflag:$0x2] =	stream.indirect_vreg.gather [hbm4b:s1+s3], $0x80, v4, vm0, $0xb8;
	[tilespmem:$0x18C00] =	vst v63  }
0x8f: {  	s19 =	simm.s32 $0xA400  }
0x90: {  	[tilespmem:s19], [sflag:$0x2] =	stream.indirect_vreg.gather [hbm4b:s1+s3], $0x80, v3, vm0, $0xb8;
	[tilespmem:$0x18C00] =	vst v63  }
0x91: {  	v3 =	vld [tilespmem:$0xA0];
	_ =	sdelay $0x4  }
0x92: {  	v26 =	vshll.u32 v3, $0x1  }
0x93: {  	v3 =	vand.u32 $0x7, v3;
	v4 =	vand.u32 $0xFFFFFFF0, v26  }
0x94: {  	v3 =	vor.u32 v3, v4  }
0x95: {  	v4 =	vperm.xlane v3, v0;
	_ =	sdelay $0x1  }
0x96: {  	v3 =	vperm.xlane v3, v2;
	v4 =	vadd.s32 v1, v4;
	_ =	sdelay $0x1  }
0x97: {  	v3 =	vadd.s32 v1, v3;
	_ =	sdelay $0x1  }
0x98: {  	s20 =	simm.s32 $0xAC00  }
0x99: {  	[tilespmem:s20], [sflag:$0x2] =	stream.indirect_vreg.gather [hbm4b:s1+s3], $0x80, v4, vm0, $0xb8;
	[tilespmem:$0x18C00] =	vst v63  }
0x9a: {  	s23 =	simm.s32 $0xB400  }
0x9b: {  	[tilespmem:s23], [sflag:$0x2] =	stream.indirect_vreg.gather [hbm4b:s1+s3], $0x80, v3, vm0, $0xb8;
	[tilespmem:$0x18C00] =	vst v63  }
0x9c: {  	v3 =	vld [tilespmem:$0xB0];
	_ =	sdelay $0x4  }
0x9d: {  	v27 =	vshll.u32 v3, $0x1  }
0x9e: {  	v3 =	vand.u32 $0x7, v3;
	v4 =	vand.u32 $0xFFFFFFF0, v27  }
0x9f: {  	v3 =	vor.u32 v3, v4  }
0xa0: {  	v4 =	vperm.xlane v3, v0;
	_ =	sdelay $0x1  }
0xa1: {  	v3 =	vperm.xlane v3, v2;
	v4 =	vadd.s32 v1, v4;
	_ =	sdelay $0x1  }
0xa2: {  	v3 =	vadd.s32 v1, v3;
	_ =	sdelay $0x1  }
0xa3: {  	s26 =	simm.s32 $0xBC00  }
0xa4: {  	[tilespmem:s26], [sflag:$0x2] =	stream.indirect_vreg.gather [hbm4b:s1+s3], $0x80, v4, vm0, $0xb8;
	[tilespmem:$0x18C00] =	vst v63  }
0xa5: {  	s28 =	simm.s32 $0xC400  }
0xa6: {  	[tilespmem:s28], [sflag:$0x2] =	stream.indirect_vreg.gather [hbm4b:s1+s3], $0x80, v3, vm0, $0xb8;
	[tilespmem:$0x18C00] =	vst v63  }
0xa7: {  	v3 =	vld [tilespmem:$0xC0];
	_ =	sdelay $0x4  }
0xa8: {  	v28 =	vshll.u32 v3, $0x1  }
0xa9: {  	v3 =	vand.u32 $0x7, v3;
	v4 =	vand.u32 $0xFFFFFFF0, v28  }
0xaa: {  	v3 =	vor.u32 v3, v4  }
0xab: {  	v4 =	vperm.xlane v3, v0;
	_ =	sdelay $0x1  }
0xac: {  	v3 =	vperm.xlane v3, v2;
	v4 =	vadd.s32 v1, v4;
	_ =	sdelay $0x1  }
0xad: {  	v3 =	vadd.s32 v1, v3;
	_ =	sdelay $0x1  }
0xae: {  	s29 =	simm.s32 $0xCC00  }
0xaf: {  	[tilespmem:s29], [sflag:$0x2] =	stream.indirect_vreg.gather [hbm4b:s1+s3], $0x80, v4, vm0, $0xb8;
	[tilespmem:$0x18C00] =	vst v63  }
0xb0: {  	s30 =	simm.s32 $0xD400  }
0xb1: {  	[tilespmem:s30], [sflag:$0x2] =	stream.indirect_vreg.gather [hbm4b:s1+s3], $0x80, v3, vm0, $0xb8;
	[tilespmem:$0x18C00] =	vst v63  }
0xb2: {  	v3 =	vld [tilespmem:$0xD0];
	_ =	sdelay $0x4  }
0xb3: {  	v29 =	vshll.u32 v3, $0x1  }
0xb4: {  	v3 =	vand.u32 $0x7, v3;
	v4 =	vand.u32 $0xFFFFFFF0, v29  }
0xb5: {  	v3 =	vor.u32 v3, v4  }
0xb6: {  	v4 =	vperm.xlane v3, v0;
	_ =	sdelay $0x1  }
0xb7: {  	v3 =	vperm.xlane v3, v2;
	v4 =	vadd.s32 v1, v4;
	_ =	sdelay $0x1  }
0xb8: {  	v3 =	vadd.s32 v1, v3;
	_ =	sdelay $0x1  }
0xb9: {  	s31 =	simm.s32 $0xDC00  }
0xba: {  	[tilespmem:s31], [sflag:$0x2] =	stream.indirect_vreg.gather [hbm4b:s1+s3], $0x80, v4, vm0, $0xb8;
	[tilespmem:$0x18C00] =	vst v63  }
0xbb: {  	s7 =	simm.s32 $0xE400  }
0xbc: {  	[tilespmem:s7], [sflag:$0x2] =	stream.indirect_vreg.gather [hbm4b:s1+s3], $0x80, v3, vm0, $0xb8;
	[tilespmem:$0x18C00] =	vst v63  }
0xbd: {  	v3 =	vld [tilespmem:$0xE0];
	_ =	sdelay $0x4  }
0xbe: {  	v30 =	vshll.u32 v3, $0x1  }
0xbf: {  	v3 =	vand.u32 $0x7, v3;
	v4 =	vand.u32 $0xFFFFFFF0, v30  }
0xc0: {  	v3 =	vor.u32 v3, v4  }
0xc1: {  	v4 =	vperm.xlane v3, v0;
	_ =	sdelay $0x1  }
0xc2: {  	v3 =	vperm.xlane v3, v2;
	v4 =	vadd.s32 v1, v4;
	_ =	sdelay $0x1  }
0xc3: {  	v3 =	vadd.s32 v1, v3;
	_ =	sdelay $0x1  }
0xc4: {  	s17 =	simm.s32 $0xEC00  }
0xc5: {  	[tilespmem:s17], [sflag:$0x2] =	stream.indirect_vreg.gather [hbm4b:s1+s3], $0x80, v4, vm0, $0xb8;
	[tilespmem:$0x18C00] =	vst v63  }
0xc6: {  	s19 =	simm.s32 $0xF400  }
0xc7: {  	[tilespmem:s19], [sflag:$0x2] =	stream.indirect_vreg.gather [hbm4b:s1+s3], $0x80, v3, vm0, $0xb8;
	[tilespmem:$0x18C00] =	vst v63  }
0xc8: {  	v3 =	vld [tilespmem:$0xF0];
	_ =	sdelay $0x4  }
0xc9: {  	v31 =	vshll.u32 v3, $0x1  }
0xca: {  	v3 =	vand.u32 $0x7, v3;
	v4 =	vand.u32 $0xFFFFFFF0, v31  }
0xcb: {  	v3 =	vor.u32 v3, v4  }
0xcc: {  	v4 =	vperm.xlane v3, v0;
	_ =	sdelay $0x1  }
0xcd: {  	v3 =	vperm.xlane v3, v2;
	v4 =	vadd.s32 v1, v4;
	_ =	sdelay $0x1  }
0xce: {  	v3 =	vadd.s32 v1, v3;
	_ =	sdelay $0x1  }
0xcf: {  	s20 =	simm.s32 $0xFC00  }
0xd0: {  	[tilespmem:s20], [sflag:$0x2] =	stream.indirect_vreg.gather [hbm4b:s1+s3], $0x80, v4, vm0, $0xb8;
	[tilespmem:$0x18C00] =	vst v63  }
0xd1: {  	s23 =	simm.s32 $0x10400  }
0xd2: {  	[tilespmem:s23], [sflag:$0x2] =	stream.indirect_vreg.gather [hbm4b:s1+s3], $0x80, v3, vm0, $0xb8;
	[tilespmem:$0x18C00] =	vst v63  }
0xd3: {  	v3 =	vld [tilespmem:$0x100];
	_ =	sdelay $0x4  }
0xd4: {  	v32 =	vshll.u32 v3, $0x1  }
0xd5: {  	v3 =	vand.u32 $0x7, v3;
	v4 =	vand.u32 $0xFFFFFFF0, v32  }
0xd6: {  	v3 =	vor.u32 v3, v4  }
0xd7: {  	v4 =	vperm.xlane v3, v0;
	_ =	sdelay $0x1  }
0xd8: {  	v3 =	vperm.xlane v3, v2;
	v4 =	vadd.s32 v1, v4;
	_ =	sdelay $0x1  }
0xd9: {  	v3 =	vadd.s32 v1, v3;
	_ =	sdelay $0x1  }
0xda: {  	s26 =	simm.s32 $0x10C00  }
0xdb: {  	[tilespmem:s26], [sflag:$0x3] =	stream.indirect_vreg.gather [hbm4b:s1+s3], $0x80, v4, vm0, $0xb8;
	[tilespmem:$0x18C00] =	vst v63  }
0xdc: {  	s28 =	simm.s32 $0x11400  }
0xdd: {  	[tilespmem:s28], [sflag:$0x3] =	stream.indirect_vreg.gather [hbm4b:s1+s3], $0x80, v3, vm0, $0xb8;
	[tilespmem:$0x18C00] =	vst v63  }
0xde: {  	v3 =	vld [tilespmem:$0x110];
	_ =	sdelay $0x4  }
0xdf: {  	v33 =	vshll.u32 v3, $0x1  }
0xe0: {  	v3 =	vand.u32 $0x7, v3;
	v4 =	vand.u32 $0xFFFFFFF0, v33  }
0xe1: {  	v3 =	vor.u32 v3, v4  }
0xe2: {  	v4 =	vperm.xlane v3, v0;
	_ =	sdelay $0x1  }
0xe3: {  	v3 =	vperm.xlane v3, v2;
	v4 =	vadd.s32 v1, v4;
	_ =	sdelay $0x1  }
0xe4: {  	v3 =	vadd.s32 v1, v3;
	_ =	sdelay $0x1  }
0xe5: {  	s29 =	simm.s32 $0x11C00  }
0xe6: {  	[tilespmem:s29], [sflag:$0x3] =	stream.indirect_vreg.gather [hbm4b:s1+s3], $0x80, v4, vm0, $0xb8;
	[tilespmem:$0x18C00] =	vst v63  }
0xe7: {  	s30 =	simm.s32 $0x12400  }
0xe8: {  	[tilespmem:s30], [sflag:$0x3] =	stream.indirect_vreg.gather [hbm4b:s1+s3], $0x80, v3, vm0, $0xb8;
	[tilespmem:$0x18C00] =	vst v63  }
0xe9: {  	v3 =	vld [tilespmem:$0x120];
	_ =	sdelay $0x4  }
0xea: {  	v34 =	vshll.u32 v3, $0x1  }
0xeb: {  	v3 =	vand.u32 $0x7, v3;
	v4 =	vand.u32 $0xFFFFFFF0, v34  }
0xec: {  	v3 =	vor.u32 v3, v4  }
0xed: {  	v4 =	vperm.xlane v3, v0;
	_ =	sdelay $0x1  }
0xee: {  	v3 =	vperm.xlane v3, v2;
	v4 =	vadd.s32 v1, v4;
	_ =	sdelay $0x1  }
0xef: {  	v3 =	vadd.s32 v1, v3;
	_ =	sdelay $0x1  }
0xf0: {  	s7 =	simm.s32 $0x12C00  }
0xf1: {  	[tilespmem:s7], [sflag:$0x3] =	stream.indirect_vreg.gather [hbm4b:s1+s3], $0x80, v4, vm0, $0xb8;
	[tilespmem:$0x18C00] =	vst v63  }
0xf2: {  	s19 =	simm.s32 $0x13400  }
0xf3: {  	[tilespmem:s19], [sflag:$0x3] =	stream.indirect_vreg.gather [hbm4b:s1+s3], $0x80, v3, vm0, $0xb8;
	[tilespmem:$0x18C00] =	vst v63  }
0xf4: {  	v3 =	vld [tilespmem:$0x130];
	_ =	sdelay $0x4  }
0xf5: {  	v35 =	vshll.u32 v3, $0x1  }
0xf6: {  	v3 =	vand.u32 $0x7, v3;
	v4 =	vand.u32 $0xFFFFFFF0, v35  }
0xf7: {  	v3 =	vor.u32 v3, v4  }
0xf8: {  	v4 =	vperm.xlane v3, v0;
	_ =	sdelay $0x1  }
0xf9: {  	v3 =	vperm.xlane v3, v2;
	v4 =	vadd.s32 v1, v4;
	_ =	sdelay $0x1  }
0xfa: {  	v3 =	vadd.s32 v1, v3;
	_ =	sdelay $0x1  }
0xfb: {  	s20 =	simm.s32 $0x13C00  }
0xfc: {  	[tilespmem:s20], [sflag:$0x3] =	stream.indirect_vreg.gather [hbm4b:s1+s3], $0x80, v4, vm0, $0xb8;
	[tilespmem:$0x18C00] =	vst v63  }
0xfd: {  	s26 =	simm.s32 $0x14400  }
0xfe: {  	[tilespmem:s26], [sflag:$0x3] =	stream.indirect_vreg.gather [hbm4b:s1+s3], $0x80, v3, vm0, $0xb8;
	[tilespmem:$0x18C00] =	vst v63  }
0xff: {  	v3 =	vld [tilespmem:$0x140];
	_ =	sdelay $0x4  }
0x100: {  	v36 =	vshll.u32 v3, $0x1  }
0x101: {  	v3 =	vand.u32 $0x7, v3;
	v4 =	vand.u32 $0xFFFFFFF0, v36  }
0x102: {  	v3 =	vor.u32 v3, v4  }
0x103: {  	v4 =	vperm.xlane v3, v0;
	_ =	sdelay $0x1  }
0x104: {  	v3 =	vperm.xlane v3, v2;
	v4 =	vadd.s32 v1, v4;
	_ =	sdelay $0x1  }
0x105: {  	v3 =	vadd.s32 v1, v3;
	_ =	sdelay $0x1  }
0x106: {  	s28 =	simm.s32 $0x14C00  }
0x107: {  	[tilespmem:s28], [sflag:$0x3] =	stream.indirect_vreg.gather [hbm4b:s1+s3], $0x80, v4, vm0, $0xb8;
	[tilespmem:$0x18C00] =	vst v63  }
0x108: {  	s29 =	simm.s32 $0x15400  }
0x109: {  	[tilespmem:s29], [sflag:$0x3] =	stream.indirect_vreg.gather [hbm4b:s1+s3], $0x80, v3, vm0, $0xb8;
	[tilespmem:$0x18C00] =	vst v63  }
0x10a: {  	v3 =	vld [tilespmem:$0x150];
	_ =	sdelay $0x4  }
0x10b: {  	v37 =	vshll.u32 v3, $0x1  }
0x10c: {  	v3 =	vand.u32 $0x7, v3;
	v4 =	vand.u32 $0xFFFFFFF0, v37  }
0x10d: {  	v3 =	vor.u32 v3, v4  }
0x10e: {  	v4 =	vperm.xlane v3, v0;
	_ =	sdelay $0x1  }
0x10f: {  	v3 =	vperm.xlane v3, v2;
	v4 =	vadd.s32 v1, v4;
	_ =	sdelay $0x1  }
0x110: {  	v3 =	vadd.s32 v1, v3;
	_ =	sdelay $0x1  }
0x111: {  	s30 =	simm.s32 $0x15C00  }
0x112: {  	[tilespmem:s30], [sflag:$0x3] =	stream.indirect_vreg.gather [hbm4b:s1+s3], $0x80, v4, vm0, $0xb8;
	[tilespmem:$0x18C00] =	vst v63  }
0x113: {  	s7 =	simm.s32 $0x16400  }
0x114: {  	[tilespmem:s7], [sflag:$0x3] =	stream.indirect_vreg.gather [hbm4b:s1+s3], $0x80, v3, vm0, $0xb8;
	[tilespmem:$0x18C00] =	vst v63  }
0x115: {  	v3 =	vld [tilespmem:$0x160];
	_ =	sdelay $0x4  }
0x116: {  	v38 =	vshll.u32 v3, $0x1  }
0x117: {  	v3 =	vand.u32 $0x7, v3;
	v4 =	vand.u32 $0xFFFFFFF0, v38  }
0x118: {  	v3 =	vor.u32 v3, v4  }
0x119: {  	v4 =	vperm.xlane v3, v0;
	_ =	sdelay $0x1  }
0x11a: {  	v3 =	vperm.xlane v3, v2;
	v4 =	vadd.s32 v1, v4;
	_ =	sdelay $0x1  }
0x11b: {  	v3 =	vadd.s32 v1, v3;
	_ =	sdelay $0x1  }
0x11c: {  	s19 =	simm.s32 $0x16C00  }
0x11d: {  	[tilespmem:s19], [sflag:$0x3] =	stream.indirect_vreg.gather [hbm4b:s1+s3], $0x80, v4, vm0, $0xb8;
	[tilespmem:$0x18C00] =	vst v63  }
0x11e: {  	s20 =	simm.s32 $0x17400  }
0x11f: {  	[tilespmem:s20], [sflag:$0x3] =	stream.indirect_vreg.gather [hbm4b:s1+s3], $0x80, v3, vm0, $0xb8;
	[tilespmem:$0x18C00] =	vst v63  }
0x120: {  	v3 =	vld [tilespmem:$0x170];
	_ =	sdelay $0x4  }
0x121: {  	v39 =	vshll.u32 v3, $0x1  }
0x122: {  	v3 =	vand.u32 $0x7, v3;
	v4 =	vand.u32 $0xFFFFFFF0, v39  }
0x123: {  	v3 =	vor.u32 v3, v4  }
0x124: {  	v4 =	vperm.xlane v3, v0;
	_ =	sdelay $0x1  }
0x125: {  	v3 =	vperm.xlane v3, v2;
	v4 =	vadd.s32 v1, v4;
	_ =	sdelay $0x1  }
0x126: {  	v3 =	vadd.s32 v1, v3;
	_ =	sdelay $0x1  }
0x127: {  	s26 =	simm.s32 $0x17C00  }
0x128: {  	[tilespmem:s26], [sflag:$0x3] =	stream.indirect_vreg.gather [hbm4b:s1+s3], $0x80, v4, vm0, $0xb8;
	[tilespmem:$0x18C00] =	vst v63  }
0x129: {  	s28 =	simm.s32 $0x18400  }
0x12a: {  	[tilespmem:s28], [sflag:$0x3] =	stream.indirect_vreg.gather [hbm4b:s1+s3], $0x80, v3, vm0, $0xb8;
	[tilespmem:$0x18C00] =	vst v63  }
0x12b: {  	_ =	swait.ge [sflag:s13], $0x8000  }
0x12c: {  	[sflag:s13] =	ssyncset.done $0x0  }
0x12d: {  	s30 =	simm.s32 $0xC00;
	s29 =	rddreg [dreg:$0x18];
	[sflag:s13] =	ssyncadd.s32 $0xFFFF8000  }
0x12e: {  	[hbm4b:s29+s3] =	stream.linear.scatter [tilespmem:s30], [sflag:$0x4], $0x8000, $0x38;
	[tilespmem:$0x18C00] =	vst v63  }
0x12f: {  	_ =	swait.ge [sflag:s14], $0x8000  }
0x130: {  	[sflag:s14] =	ssyncset.done $0x0  }
0x131: {  	[sflag:s14] =	ssyncadd.s32 $0xFFFF8000  }
0x132: {  	v3 =	vld [tilespmem:$0x180];
	_ =	sdelay $0x4  }
0x133: {  	v40 =	vshll.u32 v3, $0x1  }
0x134: {  	v3 =	vand.u32 $0x7, v3;
	v4 =	vand.u32 $0xFFFFFFF0, v40  }
0x135: {  	v3 =	vor.u32 v3, v4  }
0x136: {  	v4 =	vperm.xlane v3, v0;
	_ =	sdelay $0x1  }
0x137: {  	v3 =	vperm.xlane v3, v2;
	v4 =	vadd.s32 v1, v4;
	_ =	sdelay $0x1  }
0x138: {  	v3 =	vadd.s32 v1, v3;
	_ =	sdelay $0x2  }
0x139: {  	[tilespmem:s30], [sflag:$0x1] =	stream.indirect_vreg.gather [hbm4b:s1+s3], $0x80, v4, vm0, $0xb8;
	[tilespmem:$0x18C00] =	vst v63  }
0x13a: {  	s21 =	simm.s32 $0x1400  }
0x13b: {  	[tilespmem:s21], [sflag:$0x1] =	stream.indirect_vreg.gather [hbm4b:s1+s3], $0x80, v3, vm0, $0xb8;
	[tilespmem:$0x18C00] =	vst v63  }
0x13c: {  	v3 =	vld [tilespmem:$0x190];
	_ =	sdelay $0x4  }
0x13d: {  	v41 =	vshll.u32 v3, $0x1  }
0x13e: {  	v3 =	vand.u32 $0x7, v3;
	v4 =	vand.u32 $0xFFFFFFF0, v41  }
0x13f: {  	v3 =	vor.u32 v3, v4  }
0x140: {  	v4 =	vperm.xlane v3, v0;
	_ =	sdelay $0x1  }
0x141: {  	v3 =	vperm.xlane v3, v2;
	v4 =	vadd.s32 v1, v4;
	_ =	sdelay $0x1  }
0x142: {  	v3 =	vadd.s32 v1, v3;
	_ =	sdelay $0x1  }
0x143: {  	s10 =	simm.s32 $0x1C00  }
0x144: {  	[tilespmem:s10], [sflag:$0x1] =	stream.indirect_vreg.gather [hbm4b:s1+s3], $0x80, v4, vm0, $0xb8;
	[tilespmem:$0x18C00] =	vst v63  }
0x145: {  	s22 =	simm.s32 $0x2400  }
0x146: {  	[tilespmem:s22], [sflag:$0x1] =	stream.indirect_vreg.gather [hbm4b:s1+s3], $0x80, v3, vm0, $0xb8;
	[tilespmem:$0x18C00] =	vst v63  }
0x147: {  	v3 =	vld [tilespmem:$0x1A0];
	_ =	sdelay $0x4  }
0x148: {  	v42 =	vshll.u32 v3, $0x1  }
0x149: {  	v3 =	vand.u32 $0x7, v3;
	v4 =	vand.u32 $0xFFFFFFF0, v42  }
0x14a: {  	v3 =	vor.u32 v3, v4  }
0x14b: {  	v4 =	vperm.xlane v3, v0;
	_ =	sdelay $0x1  }
0x14c: {  	v3 =	vperm.xlane v3, v2;
	v4 =	vadd.s32 v1, v4;
	_ =	sdelay $0x1  }
0x14d: {  	v3 =	vadd.s32 v1, v3;
	_ =	sdelay $0x1  }
0x14e: {  	s11 =	simm.s32 $0x2C00  }
0x14f: {  	[tilespmem:s11], [sflag:$0x1] =	stream.indirect_vreg.gather [hbm4b:s1+s3], $0x80, v4, vm0, $0xb8;
	[tilespmem:$0x18C00] =	vst v63  }
0x150: {  	s24 =	simm.s32 $0x3400  }
0x151: {  	[tilespmem:s24], [sflag:$0x1] =	stream.indirect_vreg.gather [hbm4b:s1+s3], $0x80, v3, vm0, $0xb8;
	[tilespmem:$0x18C00] =	vst v63  }
0x152: {  	v3 =	vld [tilespmem:$0x1B0];
	_ =	sdelay $0x4  }
0x153: {  	v43 =	vshll.u32 v3, $0x1  }
0x154: {  	v3 =	vand.u32 $0x7, v3;
	v4 =	vand.u32 $0xFFFFFFF0, v43  }
0x155: {  	v3 =	vor.u32 v3, v4  }
0x156: {  	v4 =	vperm.xlane v3, v0;
	_ =	sdelay $0x1  }
0x157: {  	v3 =	vperm.xlane v3, v2;
	v4 =	vadd.s32 v1, v4;
	_ =	sdelay $0x1  }
0x158: {  	v3 =	vadd.s32 v1, v3;
	_ =	sdelay $0x1  }
0x159: {  	s12 =	simm.s32 $0x3C00  }
0x15a: {  	[tilespmem:s12], [sflag:$0x1] =	stream.indirect_vreg.gather [hbm4b:s1+s3], $0x80, v4, vm0, $0xb8;
	[tilespmem:$0x18C00] =	vst v63  }
0x15b: {  	s25 =	simm.s32 $0x4400  }
0x15c: {  	[tilespmem:s25], [sflag:$0x1] =	stream.indirect_vreg.gather [hbm4b:s1+s3], $0x80, v3, vm0, $0xb8;
	[tilespmem:$0x18C00] =	vst v63  }
0x15d: {  	v3 =	vld [tilespmem:$0x1C0];
	_ =	sdelay $0x4  }
0x15e: {  	v44 =	vshll.u32 v3, $0x1  }
0x15f: {  	v3 =	vand.u32 $0x7, v3;
	v4 =	vand.u32 $0xFFFFFFF0, v44  }
0x160: {  	v3 =	vor.u32 v3, v4  }
0x161: {  	v4 =	vperm.xlane v3, v0;
	_ =	sdelay $0x1  }
0x162: {  	v3 =	vperm.xlane v3, v2;
	v4 =	vadd.s32 v1, v4;
	_ =	sdelay $0x1  }
0x163: {  	v3 =	vadd.s32 v1, v3;
	_ =	sdelay $0x1  }
0x164: {  	s21 =	simm.s32 $0x4C00  }
0x165: {  	[tilespmem:s21], [sflag:$0x1] =	stream.indirect_vreg.gather [hbm4b:s1+s3], $0x80, v4, vm0, $0xb8;
	[tilespmem:$0x18C00] =	vst v63  }
0x166: {  	s26 =	simm.s32 $0x5400  }
0x167: {  	[tilespmem:s26], [sflag:$0x1] =	stream.indirect_vreg.gather [hbm4b:s1+s3], $0x80, v3, vm0, $0xb8;
	[tilespmem:$0x18C00] =	vst v63  }
0x168: {  	v3 =	vld [tilespmem:$0x1D0];
	_ =	sdelay $0x4  }
0x169: {  	v45 =	vshll.u32 v3, $0x1  }
0x16a: {  	v3 =	vand.u32 $0x7, v3;
	v4 =	vand.u32 $0xFFFFFFF0, v45  }
0x16b: {  	v3 =	vor.u32 v3, v4  }
0x16c: {  	v4 =	vperm.xlane v3, v0;
	_ =	sdelay $0x1  }
0x16d: {  	v3 =	vperm.xlane v3, v2;
	v4 =	vadd.s32 v1, v4;
	_ =	sdelay $0x1  }
0x16e: {  	v3 =	vadd.s32 v1, v3;
	_ =	sdelay $0x1  }
0x16f: {  	s22 =	simm.s32 $0x5C00  }
0x170: {  	[tilespmem:s22], [sflag:$0x1] =	stream.indirect_vreg.gather [hbm4b:s1+s3], $0x80, v4, vm0, $0xb8;
	[tilespmem:$0x18C00] =	vst v63  }
0x171: {  	s28 =	simm.s32 $0x6400  }
0x172: {  	[tilespmem:s28], [sflag:$0x1] =	stream.indirect_vreg.gather [hbm4b:s1+s3], $0x80, v3, vm0, $0xb8;
	[tilespmem:$0x18C00] =	vst v63  }
0x173: {  	v3 =	vld [tilespmem:$0x1E0];
	_ =	sdelay $0x4  }
0x174: {  	v46 =	vshll.u32 v3, $0x1  }
0x175: {  	v3 =	vand.u32 $0x7, v3;
	v4 =	vand.u32 $0xFFFFFFF0, v46  }
0x176: {  	v3 =	vor.u32 v3, v4  }
0x177: {  	v4 =	vperm.xlane v3, v0;
	_ =	sdelay $0x1  }
0x178: {  	v3 =	vperm.xlane v3, v2;
	v4 =	vadd.s32 v1, v4;
	_ =	sdelay $0x1  }
0x179: {  	v3 =	vadd.s32 v1, v3;
	_ =	sdelay $0x1  }
0x17a: {  	s24 =	simm.s32 $0x6C00  }
0x17b: {  	[tilespmem:s24], [sflag:$0x1] =	stream.indirect_vreg.gather [hbm4b:s1+s3], $0x80, v4, vm0, $0xb8;
	[tilespmem:$0x18C00] =	vst v63  }
0x17c: {  	s29 =	simm.s32 $0x7400  }
0x17d: {  	[tilespmem:s29], [sflag:$0x1] =	stream.indirect_vreg.gather [hbm4b:s1+s3], $0x80, v3, vm0, $0xb8;
	[tilespmem:$0x18C00] =	vst v63  }
0x17e: {  	v3 =	vld [tilespmem:$0x1F0];
	_ =	sdelay $0x4  }
0x17f: {  	v47 =	vshll.u32 v3, $0x1  }
0x180: {  	v3 =	vand.u32 $0x7, v3;
	v4 =	vand.u32 $0xFFFFFFF0, v47  }
0x181: {  	v3 =	vor.u32 v3, v4  }
0x182: {  	v4 =	vperm.xlane v3, v0;
	_ =	sdelay $0x1  }
0x183: {  	v3 =	vperm.xlane v3, v2;
	v4 =	vadd.s32 v1, v4;
	_ =	sdelay $0x1  }
0x184: {  	v3 =	vadd.s32 v1, v3;
	_ =	sdelay $0x1  }
0x185: {  	s25 =	simm.s32 $0x7C00  }
0x186: {  	[tilespmem:s25], [sflag:$0x1] =	stream.indirect_vreg.gather [hbm4b:s1+s3], $0x80, v4, vm0, $0xb8;
	[tilespmem:$0x18C00] =	vst v63  }
0x187: {  	s30 =	simm.s32 $0x8400  }
0x188: {  	[tilespmem:s30], [sflag:$0x1] =	stream.indirect_vreg.gather [hbm4b:s1+s3], $0x80, v3, vm0, $0xb8;
	[tilespmem:$0x18C00] =	vst v63  }
0x189: {  	_ =	swait.ge [sflag:s15], $0x8000  }
0x18a: {  	[sflag:s15] =	ssyncset.done $0x0  }
0x18b: {  	s5 =	simm.s32 $0x8C00;
	s0 =	rddreg [dreg:$0x5];
	[sflag:s15] =	ssyncadd.s32 $0xFFFF8000  }
0x18c: {  	[hbm4b:s0+s3] =	stream.linear.scatter [tilespmem:s5], [sflag:$0x5], $0x8000, $0x38;
	[tilespmem:$0x18C00] =	vst v63  }
0x18d: {  	_ =	swait.ge [sflag:s16], $0x8000  }
0x18e: {  	[sflag:s16] =	ssyncset.done $0x0  }
0x18f: {  	[sflag:s16] =	ssyncadd.s32 $0xFFFF8000  }
0x190: {  	v3 =	vld [tilespmem:$0x200];
	_ =	sdelay $0x4  }
0x191: {  	v48 =	vshll.u32 v3, $0x1  }
0x192: {  	v3 =	vand.u32 $0x7, v3;
	v4 =	vand.u32 $0xFFFFFFF0, v48  }
0x193: {  	v3 =	vor.u32 v3, v4  }
0x194: {  	v4 =	vperm.xlane v3, v0;
	_ =	sdelay $0x1  }
0x195: {  	v3 =	vperm.xlane v3, v2;
	v4 =	vadd.s32 v1, v4;
	_ =	sdelay $0x1  }
0x196: {  	v3 =	vadd.s32 v1, v3;
	_ =	sdelay $0x2  }
0x197: {  	[tilespmem:s5], [sflag:$0x2] =	stream.indirect_vreg.gather [hbm4b:s1+s3], $0x80, v4, vm0, $0xb8;
	[tilespmem:$0x18C00] =	vst v63  }
0x198: {  	s2 =	simm.s32 $0x9400  }
0x199: {  	[tilespmem:s2], [sflag:$0x2] =	stream.indirect_vreg.gather [hbm4b:s1+s3], $0x80, v3, vm0, $0xb8;
	[tilespmem:$0x18C00] =	vst v63  }
0x19a: {  	v3 =	vld [tilespmem:$0x210];
	_ =	sdelay $0x4  }
0x19b: {  	v49 =	vshll.u32 v3, $0x1  }
0x19c: {  	v3 =	vand.u32 $0x7, v3;
	v4 =	vand.u32 $0xFFFFFFF0, v49  }
0x19d: {  	v3 =	vor.u32 v3, v4  }
0x19e: {  	v4 =	vperm.xlane v3, v0;
	_ =	sdelay $0x1  }
0x19f: {  	v3 =	vperm.xlane v3, v2;
	v4 =	vadd.s32 v1, v4;
	_ =	sdelay $0x1  }
0x1a0: {  	v3 =	vadd.s32 v1, v3;
	_ =	sdelay $0x1  }
0x1a1: {  	s0 =	simm.s32 $0x9C00  }
0x1a2: {  	[tilespmem:s0], [sflag:$0x2] =	stream.indirect_vreg.gather [hbm4b:s1+s3], $0x80, v4, vm0, $0xb8;
	[tilespmem:$0x18C00] =	vst v63  }
0x1a3: {  	s4 =	simm.s32 $0xA400  }
0x1a4: {  	[tilespmem:s4], [sflag:$0x2] =	stream.indirect_vreg.gather [hbm4b:s1+s3], $0x80, v3, vm0, $0xb8;
	[tilespmem:$0x18C00] =	vst v63  }
0x1a5: {  	v3 =	vld [tilespmem:$0x220];
	_ =	sdelay $0x4  }
0x1a6: {  	v50 =	vshll.u32 v3, $0x1  }
0x1a7: {  	v3 =	vand.u32 $0x7, v3;
	v4 =	vand.u32 $0xFFFFFFF0, v50  }
0x1a8: {  	v3 =	vor.u32 v3, v4  }
0x1a9: {  	v4 =	vperm.xlane v3, v0;
	_ =	sdelay $0x1  }
0x1aa: {  	v3 =	vperm.xlane v3, v2;
	v4 =	vadd.s32 v1, v4;
	_ =	sdelay $0x1  }
0x1ab: {  	v3 =	vadd.s32 v1, v3;
	_ =	sdelay $0x1  }
0x1ac: {  	s7 =	simm.s32 $0xAC00  }
0x1ad: {  	[tilespmem:s7], [sflag:$0x2] =	stream.indirect_vreg.gather [hbm4b:s1+s3], $0x80, v4, vm0, $0xb8;
	[tilespmem:$0x18C00] =	vst v63  }
0x1ae: {  	s6 =	simm.s32 $0xB400  }
0x1af: {  	[tilespmem:s6], [sflag:$0x2] =	stream.indirect_vreg.gather [hbm4b:s1+s3], $0x80, v3, vm0, $0xb8;
	[tilespmem:$0x18C00] =	vst v63  }
0x1b0: {  	v3 =	vld [tilespmem:$0x230];
	_ =	sdelay $0x4  }
0x1b1: {  	v51 =	vshll.u32 v3, $0x1  }
0x1b2: {  	v3 =	vand.u32 $0x7, v3;
	v4 =	vand.u32 $0xFFFFFFF0, v51  }
0x1b3: {  	v3 =	vor.u32 v3, v4  }
0x1b4: {  	v4 =	vperm.xlane v3, v0;
	_ =	sdelay $0x1  }
0x1b5: {  	v3 =	vperm.xlane v3, v2;
	v4 =	vadd.s32 v1, v4;
	_ =	sdelay $0x1  }
0x1b6: {  	v3 =	vadd.s32 v1, v3;
	_ =	sdelay $0x1  }
0x1b7: {  	s4 =	simm.s32 $0xBC00  }
0x1b8: {  	[tilespmem:s4], [sflag:$0x2] =	stream.indirect_vreg.gather [hbm4b:s1+s3], $0x80, v4, vm0, $0xb8;
	[tilespmem:$0x18C00] =	vst v63  }
0x1b9: {  	s8 =	simm.s32 $0xC400  }
0x1ba: {  	[tilespmem:s8], [sflag:$0x2] =	stream.indirect_vreg.gather [hbm4b:s1+s3], $0x80, v3, vm0, $0xb8;
	[tilespmem:$0x18C00] =	vst v63  }
0x1bb: {  	v3 =	vld [tilespmem:$0x240];
	_ =	sdelay $0x4  }
0x1bc: {  	v52 =	vshll.u32 v3, $0x1  }
0x1bd: {  	v3 =	vand.u32 $0x7, v3;
	v4 =	vand.u32 $0xFFFFFFF0, v52  }
0x1be: {  	v3 =	vor.u32 v3, v4  }
0x1bf: {  	v4 =	vperm.xlane v3, v0;
	_ =	sdelay $0x1  }
0x1c0: {  	v3 =	vperm.xlane v3, v2;
	v4 =	vadd.s32 v1, v4;
	_ =	sdelay $0x1  }
0x1c1: {  	v3 =	vadd.s32 v1, v3;
	_ =	sdelay $0x1  }
0x1c2: {  	s12 =	simm.s32 $0xCC00  }
0x1c3: {  	[tilespmem:s12], [sflag:$0x2] =	stream.indirect_vreg.gather [hbm4b:s1+s3], $0x80, v4, vm0, $0xb8;
	[tilespmem:$0x18C00] =	vst v63  }
0x1c4: {  	s9 =	simm.s32 $0xD400  }
0x1c5: {  	[tilespmem:s9], [sflag:$0x2] =	stream.indirect_vreg.gather [hbm4b:s1+s3], $0x80, v3, vm0, $0xb8;
	[tilespmem:$0x18C00] =	vst v63  }
0x1c6: {  	v3 =	vld [tilespmem:$0x250];
	_ =	sdelay $0x4  }
0x1c7: {  	v53 =	vshll.u32 v3, $0x1  }
0x1c8: {  	v3 =	vand.u32 $0x7, v3;
	v4 =	vand.u32 $0xFFFFFFF0, v53  }
0x1c9: {  	v3 =	vor.u32 v3, v4  }
0x1ca: {  	v4 =	vperm.xlane v3, v0;
	_ =	sdelay $0x1  }
0x1cb: {  	v3 =	vperm.xlane v3, v2;
	v4 =	vadd.s32 v1, v4;
	_ =	sdelay $0x1  }
0x1cc: {  	v3 =	vadd.s32 v1, v3;
	_ =	sdelay $0x1  }
0x1cd: {  	s6 =	simm.s32 $0xDC00  }
0x1ce: {  	[tilespmem:s6], [sflag:$0x2] =	stream.indirect_vreg.gather [hbm4b:s1+s3], $0x80, v4, vm0, $0xb8;
	[tilespmem:$0x18C00] =	vst v63  }
0x1cf: {  	s10 =	simm.s32 $0xE400  }
0x1d0: {  	[tilespmem:s10], [sflag:$0x2] =	stream.indirect_vreg.gather [hbm4b:s1+s3], $0x80, v3, vm0, $0xb8;
	[tilespmem:$0x18C00] =	vst v63  }
0x1d1: {  	v3 =	vld [tilespmem:$0x260];
	_ =	sdelay $0x4  }
0x1d2: {  	v54 =	vshll.u32 v3, $0x1  }
0x1d3: {  	v3 =	vand.u32 $0x7, v3;
	v4 =	vand.u32 $0xFFFFFFF0, v54  }
0x1d4: {  	v3 =	vor.u32 v3, v4  }
0x1d5: {  	v4 =	vperm.xlane v3, v0;
	_ =	sdelay $0x1  }
0x1d6: {  	v3 =	vperm.xlane v3, v2;
	v4 =	vadd.s32 v1, v4;
	_ =	sdelay $0x1  }
0x1d7: {  	v3 =	vadd.s32 v1, v3;
	_ =	sdelay $0x1  }
0x1d8: {  	s8 =	simm.s32 $0xEC00  }
0x1d9: {  	[tilespmem:s8], [sflag:$0x2] =	stream.indirect_vreg.gather [hbm4b:s1+s3], $0x80, v4, vm0, $0xb8;
	[tilespmem:$0x18C00] =	vst v63  }
0x1da: {  	s11 =	simm.s32 $0xF400  }
0x1db: {  	[tilespmem:s11], [sflag:$0x2] =	stream.indirect_vreg.gather [hbm4b:s1+s3], $0x80, v3, vm0, $0xb8;
	[tilespmem:$0x18C00] =	vst v63  }
0x1dc: {  	v3 =	vld [tilespmem:$0x270];
	_ =	sdelay $0x4  }
0x1dd: {  	v55 =	vshll.u32 v3, $0x1  }
0x1de: {  	v3 =	vand.u32 $0x7, v3;
	v4 =	vand.u32 $0xFFFFFFF0, v55  }
0x1df: {  	v3 =	vor.u32 v3, v4  }
0x1e0: {  	v4 =	vperm.xlane v3, v0;
	_ =	sdelay $0x1  }
0x1e1: {  	v3 =	vperm.xlane v3, v2;
	v4 =	vadd.s32 v1, v4;
	_ =	sdelay $0x1  }
0x1e2: {  	v3 =	vadd.s32 v1, v3;
	_ =	sdelay $0x1  }
0x1e3: {  	s9 =	simm.s32 $0xFC00  }
0x1e4: {  	[tilespmem:s9], [sflag:$0x2] =	stream.indirect_vreg.gather [hbm4b:s1+s3], $0x80, v4, vm0, $0xb8;
	[tilespmem:$0x18C00] =	vst v63  }
0x1e5: {  	s31 =	simm.s32 $0x10400  }
0x1e6: {  	[tilespmem:s31], [sflag:$0x2] =	stream.indirect_vreg.gather [hbm4b:s1+s3], $0x80, v3, vm0, $0xb8;
	[tilespmem:$0x18C00] =	vst v63  }
0x1e7: {  	_ =	swait.ge [sflag:s18], $0x8000  }
0x1e8: {  	s20 =	simm.s32 $0x10C00;
	[sflag:s18] =	ssyncset.done $0x0  }
0x1e9: {  	s2 =	simm.s32 $0x6;
	s5 =	rddreg [dreg:$0x6];
	[sflag:s18] =	ssyncadd.s32 $0xFFFF8000  }
0x1ea: {  	[hbm4b:s5+s3] =	stream.linear.scatter [tilespmem:s20], [sflag:$0x6], $0x8000, $0x38;
	[tilespmem:$0x18C00] =	vst v63  }
0x1eb: {  	_ =	swait.ge [sflag:s2], $0x8000  }
0x1ec: {  	[sflag:s2] =	ssyncset.done $0x0  }
0x1ed: {  	[sflag:s2] =	ssyncadd.s32 $0xFFFF8000  }
0x1ee: {  	v3 =	vld [tilespmem:$0x280];
	_ =	sdelay $0x4  }
0x1ef: {  	v56 =	vshll.u32 v3, $0x1  }
0x1f0: {  	v3 =	vand.u32 $0x7, v3;
	v4 =	vand.u32 $0xFFFFFFF0, v56  }
0x1f1: {  	v3 =	vor.u32 v3, v4  }
0x1f2: {  	v4 =	vperm.xlane v3, v0;
	_ =	sdelay $0x1  }
0x1f3: {  	v3 =	vperm.xlane v3, v2;
	v4 =	vadd.s32 v1, v4;
	_ =	sdelay $0x1  }
0x1f4: {  	v3 =	vadd.s32 v1, v3;
	_ =	sdelay $0x2  }
0x1f5: {  	[tilespmem:s20], [sflag:$0x3] =	stream.indirect_vreg.gather [hbm4b:s1+s3], $0x80, v4, vm0, $0xb8;
	[tilespmem:$0x18C00] =	vst v63  }
0x1f6: {  	s23 =	simm.s32 $0x11400  }
0x1f7: {  	[tilespmem:s23], [sflag:$0x3] =	stream.indirect_vreg.gather [hbm4b:s1+s3], $0x80, v3, vm0, $0xb8;
	[tilespmem:$0x18C00] =	vst v63  }
0x1f8: {  	v3 =	vld [tilespmem:$0x290];
	_ =	sdelay $0x4  }
0x1f9: {  	v57 =	vshll.u32 v3, $0x1  }
0x1fa: {  	v3 =	vand.u32 $0x7, v3;
	v4 =	vand.u32 $0xFFFFFFF0, v57  }
0x1fb: {  	v3 =	vor.u32 v3, v4  }
0x1fc: {  	v4 =	vperm.xlane v3, v0;
	_ =	sdelay $0x1  }
0x1fd: {  	v3 =	vperm.xlane v3, v2;
	v4 =	vadd.s32 v1, v4;
	_ =	sdelay $0x1  }
0x1fe: {  	v3 =	vadd.s32 v1, v3;
	_ =	sdelay $0x1  }
0x1ff: {  	s31 =	simm.s32 $0x11C00  }
0x200: {  	[tilespmem:s31], [sflag:$0x3] =	stream.indirect_vreg.gather [hbm4b:s1+s3], $0x80, v4, vm0, $0xb8;
	[tilespmem:$0x18C00] =	vst v63  }
0x201: {  	s17 =	simm.s32 $0x12400  }
0x202: {  	[tilespmem:s17], [sflag:$0x3] =	stream.indirect_vreg.gather [hbm4b:s1+s3], $0x80, v3, vm0, $0xb8;
	[tilespmem:$0x18C00] =	vst v63  }
0x203: {  	v3 =	vld [tilespmem:$0x2A0];
	_ =	sdelay $0x4  }
0x204: {  	v58 =	vshll.u32 v3, $0x1  }
0x205: {  	v3 =	vand.u32 $0x7, v3;
	v4 =	vand.u32 $0xFFFFFFF0, v58  }
0x206: {  	v3 =	vor.u32 v3, v4  }
0x207: {  	v4 =	vperm.xlane v3, v0;
	_ =	sdelay $0x1  }
0x208: {  	v3 =	vperm.xlane v3, v2;
	v4 =	vadd.s32 v1, v4;
	_ =	sdelay $0x1  }
0x209: {  	v3 =	vadd.s32 v1, v3;
	_ =	sdelay $0x1  }
0x20a: {  	s20 =	simm.s32 $0x12C00  }
0x20b: {  	[tilespmem:s20], [sflag:$0x3] =	stream.indirect_vreg.gather [hbm4b:s1+s3], $0x80, v4, vm0, $0xb8;
	[tilespmem:$0x18C00] =	vst v63  }
0x20c: {  	s23 =	simm.s32 $0x13400  }
0x20d: {  	[tilespmem:s23], [sflag:$0x3] =	stream.indirect_vreg.gather [hbm4b:s1+s3], $0x80, v3, vm0, $0xb8;
	[tilespmem:$0x18C00] =	vst v63  }
0x20e: {  	v3 =	vld [tilespmem:$0x2B0];
	_ =	sdelay $0x4  }
0x20f: {  	v59 =	vshll.u32 v3, $0x1  }
0x210: {  	v3 =	vand.u32 $0x7, v3;
	v4 =	vand.u32 $0xFFFFFFF0, v59  }
0x211: {  	v3 =	vor.u32 v3, v4  }
0x212: {  	v4 =	vperm.xlane v3, v0;
	_ =	sdelay $0x1  }
0x213: {  	v3 =	vperm.xlane v3, v2;
	v4 =	vadd.s32 v1, v4;
	_ =	sdelay $0x1  }
0x214: {  	v3 =	vadd.s32 v1, v3;
	_ =	sdelay $0x1  }
0x215: {  	s23 =	simm.s32 $0x13C00  }
0x216: {  	[tilespmem:s23], [sflag:$0x3] =	stream.indirect_vreg.gather [hbm4b:s1+s3], $0x80, v4, vm0, $0xb8;
	[tilespmem:$0x18C00] =	vst v63  }
0x217: {  	s17 =	simm.s32 $0x14400  }
0x218: {  	[tilespmem:s17], [sflag:$0x3] =	stream.indirect_vreg.gather [hbm4b:s1+s3], $0x80, v3, vm0, $0xb8;
	[tilespmem:$0x18C00] =	vst v63  }
0x219: {  	v3 =	vld [tilespmem:$0x2C0];
	_ =	sdelay $0x4  }
0x21a: {  	v60 =	vshll.u32 v3, $0x1  }
0x21b: {  	v3 =	vand.u32 $0x7, v3;
	v4 =	vand.u32 $0xFFFFFFF0, v60  }
0x21c: {  	v3 =	vor.u32 v3, v4  }
0x21d: {  	v4 =	vperm.xlane v3, v0;
	_ =	sdelay $0x1  }
0x21e: {  	v3 =	vperm.xlane v3, v2;
	v4 =	vadd.s32 v1, v4;
	_ =	sdelay $0x1  }
0x21f: {  	v3 =	vadd.s32 v1, v3;
	_ =	sdelay $0x1  }
0x220: {  	s5 =	simm.s32 $0x14C00  }
0x221: {  	[tilespmem:s5], [sflag:$0x3] =	stream.indirect_vreg.gather [hbm4b:s1+s3], $0x80, v4, vm0, $0xb8;
	[tilespmem:$0x18C00] =	vst v63  }
0x222: {  	s19 =	simm.s32 $0x15400  }
0x223: {  	[tilespmem:s19], [sflag:$0x3] =	stream.indirect_vreg.gather [hbm4b:s1+s3], $0x80, v3, vm0, $0xb8;
	[tilespmem:$0x18C00] =	vst v63  }
0x224: {  	v3 =	vld [tilespmem:$0x2D0];
	_ =	sdelay $0x4  }
0x225: {  	v61 =	vshll.u32 v3, $0x1  }
0x226: {  	v3 =	vand.u32 $0x7, v3;
	v4 =	vand.u32 $0xFFFFFFF0, v61  }
0x227: {  	v3 =	vor.u32 v3, v4  }
0x228: {  	v4 =	vperm.xlane v3, v0;
	_ =	sdelay $0x1  }
0x229: {  	v3 =	vperm.xlane v3, v2;
	v4 =	vadd.s32 v1, v4;
	_ =	sdelay $0x1  }
0x22a: {  	v3 =	vadd.s32 v1, v3;
	_ =	sdelay $0x1  }
0x22b: {  	s19 =	simm.s32 $0x15C00  }
0x22c: {  	[tilespmem:s19], [sflag:$0x3] =	stream.indirect_vreg.gather [hbm4b:s1+s3], $0x80, v4, vm0, $0xb8;
	[tilespmem:$0x18C00] =	vst v63  }
0x22d: {  	s19 =	simm.s32 $0x16400  }
0x22e: {  	[tilespmem:s19], [sflag:$0x3] =	stream.indirect_vreg.gather [hbm4b:s1+s3], $0x80, v3, vm0, $0xb8;
	[tilespmem:$0x18C00] =	vst v63  }
0x22f: {  	v3 =	vld [tilespmem:$0x2E0];
	_ =	sdelay $0x4  }
0x230: {  	v62 =	vshll.u32 v3, $0x1  }
0x231: {  	v3 =	vand.u32 $0x7, v3;
	v4 =	vand.u32 $0xFFFFFFF0, v62  }
0x232: {  	v3 =	vor.u32 v3, v4  }
0x233: {  	v4 =	vperm.xlane v3, v0;
	_ =	sdelay $0x1  }
0x234: {  	v3 =	vperm.xlane v3, v2;
	v4 =	vadd.s32 v1, v4;
	_ =	sdelay $0x1  }
0x235: {  	v3 =	vadd.s32 v1, v3;
	_ =	sdelay $0x1  }
0x236: {  	s19 =	simm.s32 $0x16C00  }
0x237: {  	[tilespmem:s19], [sflag:$0x3] =	stream.indirect_vreg.gather [hbm4b:s1+s3], $0x80, v4, vm0, $0xb8;
	[tilespmem:$0x18C00] =	vst v63  }
0x238: {  	s19 =	simm.s32 $0x17400  }
0x239: {  	[tilespmem:s19], [sflag:$0x3] =	stream.indirect_vreg.gather [hbm4b:s1+s3], $0x80, v3, vm0, $0xb8;
	[tilespmem:$0x18C00] =	vst v63  }
0x23a: {  	v3 =	vld [tilespmem:$0x2F0];
	_ =	sdelay $0x4  }
0x23b: {  	v63 =	vshll.u32 v3, $0x1  }
0x23c: {  	v3 =	vand.u32 $0x7, v3;
	v4 =	vand.u32 $0xFFFFFFF0, v63  }
0x23d: {  	v3 =	vor.u32 v3, v4  }
0x23e: {  	v4 =	vperm.xlane v3, v0;
	_ =	sdelay $0x1  }
0x23f: {  	v3 =	vperm.xlane v3, v2;
	v4 =	vadd.s32 v1, v4;
	_ =	sdelay $0x1  }
0x240: {  	v3 =	vadd.s32 v1, v3;
	_ =	sdelay $0x1  }
0x241: {  	s19 =	simm.s32 $0x17C00  }
0x242: {  	[tilespmem:s19], [sflag:$0x3] =	stream.indirect_vreg.gather [hbm4b:s1+s3], $0x80, v4, vm0, $0xb8;
	[tilespmem:$0x18C00] =	vst v63  }
0x243: {  	s19 =	simm.s32 $0x18400  }
0x244: {  	[tilespmem:s19], [sflag:$0x3] =	stream.indirect_vreg.gather [hbm4b:s1+s3], $0x80, v3, vm0, $0xb8;
	[tilespmem:$0x18C00] =	vst v63  }
0x245: {  	_ =	swait.ge [sflag:s13], $0x8000  }
0x246: {  	[sflag:s13] =	ssyncset.done $0x0  }
0x247: {  	s17 =	simm.s32 $0xC00;
	s19 =	rddreg [dreg:$0x7];
	[sflag:s13] =	ssyncadd.s32 $0xFFFF8000  }
0x248: {  	[hbm4b:s19+s3] =	stream.linear.scatter [tilespmem:s17], [sflag:$0x4], $0x8000, $0x38;
	[tilespmem:$0x18C00] =	vst v63  }
0x249: {  	_ =	swait.ge [sflag:s14], $0x8000  }
0x24a: {  	[sflag:s14] =	ssyncset.done $0x0  }
0x24b: {  	[sflag:s14] =	ssyncadd.s32 $0xFFFF8000  }
0x24c: {  	v3 =	vld [tilespmem:$0x300];
	_ =	sdelay $0x4  }
0x24d: {  	v8 =	vshll.u32 v3, $0x1  }
0x24e: {  	v3 =	vand.u32 $0x7, v3;
	v4 =	vand.u32 $0xFFFFFFF0, v8  }
0x24f: {  	v3 =	vor.u32 v3, v4  }
0x250: {  	v4 =	vperm.xlane v3, v0;
	_ =	sdelay $0x1  }
0x251: {  	v3 =	vperm.xlane v3, v2;
	v4 =	vadd.s32 v1, v4;
	_ =	sdelay $0x1  }
0x252: {  	v3 =	vadd.s32 v1, v3;
	_ =	sdelay $0x2  }
0x253: {  	[tilespmem:s17], [sflag:$0x1] =	stream.indirect_vreg.gather [hbm4b:s1+s3], $0x80, v4, vm0, $0xb8;
	[tilespmem:$0x18C00] =	vst v63  }
0x254: {  	s19 =	simm.s32 $0x1400  }
0x255: {  	[tilespmem:s19], [sflag:$0x1] =	stream.indirect_vreg.gather [hbm4b:s1+s3], $0x80, v3, vm0, $0xb8;
	[tilespmem:$0x18C00] =	vst v63  }
0x256: {  	v3 =	vld [tilespmem:$0x310];
	_ =	sdelay $0x4  }
0x257: {  	v9 =	vshll.u32 v3, $0x1  }
0x258: {  	v3 =	vand.u32 $0x7, v3;
	v4 =	vand.u32 $0xFFFFFFF0, v9  }
0x259: {  	v3 =	vor.u32 v3, v4  }
0x25a: {  	v4 =	vperm.xlane v3, v0;
	_ =	sdelay $0x1  }
0x25b: {  	v3 =	vperm.xlane v3, v2;
	v4 =	vadd.s32 v1, v4;
	_ =	sdelay $0x1  }
0x25c: {  	v3 =	vadd.s32 v1, v3;
	_ =	sdelay $0x1  }
0x25d: {  	s19 =	simm.s32 $0x1C00  }
0x25e: {  	[tilespmem:s19], [sflag:$0x1] =	stream.indirect_vreg.gather [hbm4b:s1+s3], $0x80, v4, vm0, $0xb8;
	[tilespmem:$0x18C00] =	vst v63  }
0x25f: {  	s19 =	simm.s32 $0x2400  }
0x260: {  	[tilespmem:s19], [sflag:$0x1] =	stream.indirect_vreg.gather [hbm4b:s1+s3], $0x80, v3, vm0, $0xb8;
	[tilespmem:$0x18C00] =	vst v63  }
0x261: {  	v3 =	vld [tilespmem:$0x320];
	_ =	sdelay $0x4  }
0x262: {  	v10 =	vshll.u32 v3, $0x1  }
0x263: {  	v3 =	vand.u32 $0x7, v3;
	v4 =	vand.u32 $0xFFFFFFF0, v10  }
0x264: {  	v3 =	vor.u32 v3, v4  }
0x265: {  	v4 =	vperm.xlane v3, v0;
	_ =	sdelay $0x1  }
0x266: {  	v3 =	vperm.xlane v3, v2;
	v4 =	vadd.s32 v1, v4;
	_ =	sdelay $0x1  }
0x267: {  	v3 =	vadd.s32 v1, v3;
	_ =	sdelay $0x1  }
0x268: {  	s19 =	simm.s32 $0x2C00  }
0x269: {  	[tilespmem:s19], [sflag:$0x1] =	stream.indirect_vreg.gather [hbm4b:s1+s3], $0x80, v4, vm0, $0xb8;
	[tilespmem:$0x18C00] =	vst v63  }
0x26a: {  	s19 =	simm.s32 $0x3400  }
0x26b: {  	[tilespmem:s19], [sflag:$0x1] =	stream.indirect_vreg.gather [hbm4b:s1+s3], $0x80, v3, vm0, $0xb8;
	[tilespmem:$0x18C00] =	vst v63  }
0x26c: {  	v3 =	vld [tilespmem:$0x330];
	_ =	sdelay $0x4  }
0x26d: {  	v11 =	vshll.u32 v3, $0x1  }
0x26e: {  	v3 =	vand.u32 $0x7, v3;
	v4 =	vand.u32 $0xFFFFFFF0, v11  }
0x26f: {  	v3 =	vor.u32 v3, v4  }
0x270: {  	v4 =	vperm.xlane v3, v0;
	_ =	sdelay $0x1  }
0x271: {  	v3 =	vperm.xlane v3, v2;
	v4 =	vadd.s32 v1, v4;
	_ =	sdelay $0x1  }
0x272: {  	v3 =	vadd.s32 v1, v3;
	_ =	sdelay $0x1  }
0x273: {  	s19 =	simm.s32 $0x3C00  }
0x274: {  	[tilespmem:s19], [sflag:$0x1] =	stream.indirect_vreg.gather [hbm4b:s1+s3], $0x80, v4, vm0, $0xb8;
	[tilespmem:$0x18C00] =	vst v63  }
0x275: {  	s19 =	simm.s32 $0x4400  }
0x276: {  	[tilespmem:s19], [sflag:$0x1] =	stream.indirect_vreg.gather [hbm4b:s1+s3], $0x80, v3, vm0, $0xb8;
	[tilespmem:$0x18C00] =	vst v63  }
0x277: {  	v3 =	vld [tilespmem:$0x340];
	_ =	sdelay $0x4  }
0x278: {  	v12 =	vshll.u32 v3, $0x1  }
0x279: {  	v3 =	vand.u32 $0x7, v3;
	v4 =	vand.u32 $0xFFFFFFF0, v12  }
0x27a: {  	v3 =	vor.u32 v3, v4  }
0x27b: {  	v4 =	vperm.xlane v3, v0;
	_ =	sdelay $0x1  }
0x27c: {  	v3 =	vperm.xlane v3, v2;
	v4 =	vadd.s32 v1, v4;
	_ =	sdelay $0x1  }
0x27d: {  	v3 =	vadd.s32 v1, v3;
	_ =	sdelay $0x2  }
0x27e: {  	[tilespmem:s21], [sflag:$0x1] =	stream.indirect_vreg.gather [hbm4b:s1+s3], $0x80, v4, vm0, $0xb8;
	[tilespmem:$0x18C00] =	vst v63  }
0x27f: {  	_ = 	snop  }
0x280: {  	[tilespmem:s26], [sflag:$0x1] =	stream.indirect_vreg.gather [hbm4b:s1+s3], $0x80, v3, vm0, $0xb8;
	[tilespmem:$0x18C00] =	vst v63  }
0x281: {  	v3 =	vld [tilespmem:$0x350];
	_ =	sdelay $0x4  }
0x282: {  	v13 =	vshll.u32 v3, $0x1  }
0x283: {  	v3 =	vand.u32 $0x7, v3;
	v4 =	vand.u32 $0xFFFFFFF0, v13  }
0x284: {  	v3 =	vor.u32 v3, v4  }
0x285: {  	v4 =	vperm.xlane v3, v0;
	_ =	sdelay $0x1  }
0x286: {  	v3 =	vperm.xlane v3, v2;
	v4 =	vadd.s32 v1, v4;
	_ =	sdelay $0x1  }
0x287: {  	v3 =	vadd.s32 v1, v3;
	_ =	sdelay $0x2  }
0x288: {  	[tilespmem:s22], [sflag:$0x1] =	stream.indirect_vreg.gather [hbm4b:s1+s3], $0x80, v4, vm0, $0xb8;
	[tilespmem:$0x18C00] =	vst v63  }
0x289: {  	_ = 	snop  }
0x28a: {  	[tilespmem:s28], [sflag:$0x1] =	stream.indirect_vreg.gather [hbm4b:s1+s3], $0x80, v3, vm0, $0xb8;
	[tilespmem:$0x18C00] =	vst v63  }
0x28b: {  	v3 =	vld [tilespmem:$0x360];
	_ =	sdelay $0x4  }
0x28c: {  	v14 =	vshll.u32 v3, $0x1  }
0x28d: {  	v3 =	vand.u32 $0x7, v3;
	v4 =	vand.u32 $0xFFFFFFF0, v14  }
0x28e: {  	v3 =	vor.u32 v3, v4  }
0x28f: {  	v4 =	vperm.xlane v3, v0;
	_ =	sdelay $0x1  }
0x290: {  	v3 =	vperm.xlane v3, v2;
	v4 =	vadd.s32 v1, v4;
	_ =	sdelay $0x1  }
0x291: {  	v3 =	vadd.s32 v1, v3;
	_ =	sdelay $0x2  }
0x292: {  	[tilespmem:s24], [sflag:$0x1] =	stream.indirect_vreg.gather [hbm4b:s1+s3], $0x80, v4, vm0, $0xb8;
	[tilespmem:$0x18C00] =	vst v63  }
0x293: {  	_ = 	snop  }
0x294: {  	[tilespmem:s29], [sflag:$0x1] =	stream.indirect_vreg.gather [hbm4b:s1+s3], $0x80, v3, vm0, $0xb8;
	[tilespmem:$0x18C00] =	vst v63  }
0x295: {  	v3 =	vld [tilespmem:$0x370];
	_ =	sdelay $0x4  }
0x296: {  	v15 =	vshll.u32 v3, $0x1  }
0x297: {  	v3 =	vand.u32 $0x7, v3;
	v4 =	vand.u32 $0xFFFFFFF0, v15  }
0x298: {  	v3 =	vor.u32 v3, v4  }
0x299: {  	v4 =	vperm.xlane v3, v0;
	_ =	sdelay $0x1  }
0x29a: {  	v3 =	vperm.xlane v3, v2;
	v4 =	vadd.s32 v1, v4;
	_ =	sdelay $0x1  }
0x29b: {  	v3 =	vadd.s32 v1, v3;
	_ =	sdelay $0x2  }
0x29c: {  	[tilespmem:s25], [sflag:$0x1] =	stream.indirect_vreg.gather [hbm4b:s1+s3], $0x80, v4, vm0, $0xb8;
	[tilespmem:$0x18C00] =	vst v63  }
0x29d: {  	_ = 	snop  }
0x29e: {  	[tilespmem:s30], [sflag:$0x1] =	stream.indirect_vreg.gather [hbm4b:s1+s3], $0x80, v3, vm0, $0xb8;
	[tilespmem:$0x18C00] =	vst v63  }
0x29f: {  	_ =	swait.ge [sflag:s15], $0x8000  }
0x2a0: {  	[sflag:s15] =	ssyncset.done $0x0  }
0x2a1: {  	s30 =	simm.s32 $0x8C00;
	s29 =	rddreg [dreg:$0x8];
	[sflag:s15] =	ssyncadd.s32 $0xFFFF8000  }
0x2a2: {  	[hbm4b:s29+s3] =	stream.linear.scatter [tilespmem:s30], [sflag:$0x5], $0x8000, $0x38;
	[tilespmem:$0x18C00] =	vst v63  }
0x2a3: {  	_ =	swait.ge [sflag:s16], $0x8000  }
0x2a4: {  	[sflag:s16] =	ssyncset.done $0x0  }
0x2a5: {  	[sflag:s16] =	ssyncadd.s32 $0xFFFF8000  }
0x2a6: {  	v3 =	vld [tilespmem:$0x380];
	_ =	sdelay $0x4  }
0x2a7: {  	v16 =	vshll.u32 v3, $0x1  }
0x2a8: {  	v3 =	vand.u32 $0x7, v3;
	v4 =	vand.u32 $0xFFFFFFF0, v16  }
0x2a9: {  	v3 =	vor.u32 v3, v4  }
0x2aa: {  	v4 =	vperm.xlane v3, v0;
	_ =	sdelay $0x1  }
0x2ab: {  	v3 =	vperm.xlane v3, v2;
	v4 =	vadd.s32 v1, v4;
	_ =	sdelay $0x1  }
0x2ac: {  	v3 =	vadd.s32 v1, v3;
	_ =	sdelay $0x2  }
0x2ad: {  	[tilespmem:s30], [sflag:$0x2] =	stream.indirect_vreg.gather [hbm4b:s1+s3], $0x80, v4, vm0, $0xb8;
	[tilespmem:$0x18C00] =	vst v63  }
0x2ae: {  	s19 =	simm.s32 $0x9400  }
0x2af: {  	[tilespmem:s19], [sflag:$0x2] =	stream.indirect_vreg.gather [hbm4b:s1+s3], $0x80, v3, vm0, $0xb8;
	[tilespmem:$0x18C00] =	vst v63  }
0x2b0: {  	v3 =	vld [tilespmem:$0x390];
	_ =	sdelay $0x4  }
0x2b1: {  	v17 =	vshll.u32 v3, $0x1  }
0x2b2: {  	v3 =	vand.u32 $0x7, v3;
	v4 =	vand.u32 $0xFFFFFFF0, v17  }
0x2b3: {  	v3 =	vor.u32 v3, v4  }
0x2b4: {  	v4 =	vperm.xlane v3, v0;
	_ =	sdelay $0x1  }
0x2b5: {  	v3 =	vperm.xlane v3, v2;
	v4 =	vadd.s32 v1, v4;
	_ =	sdelay $0x1  }
0x2b6: {  	v3 =	vadd.s32 v1, v3;
	_ =	sdelay $0x2  }
0x2b7: {  	[tilespmem:s0], [sflag:$0x2] =	stream.indirect_vreg.gather [hbm4b:s1+s3], $0x80, v4, vm0, $0xb8;
	[tilespmem:$0x18C00] =	vst v63  }
0x2b8: {  	s21 =	simm.s32 $0xA400  }
0x2b9: {  	[tilespmem:s21], [sflag:$0x2] =	stream.indirect_vreg.gather [hbm4b:s1+s3], $0x80, v3, vm0, $0xb8;
	[tilespmem:$0x18C00] =	vst v63  }
0x2ba: {  	v3 =	vld [tilespmem:$0x3A0];
	_ =	sdelay $0x4  }
0x2bb: {  	v18 =	vshll.u32 v3, $0x1  }
0x2bc: {  	v3 =	vand.u32 $0x7, v3;
	v4 =	vand.u32 $0xFFFFFFF0, v18  }
0x2bd: {  	v3 =	vor.u32 v3, v4  }
0x2be: {  	v4 =	vperm.xlane v3, v0;
	_ =	sdelay $0x1  }
0x2bf: {  	v3 =	vperm.xlane v3, v2;
	v4 =	vadd.s32 v1, v4;
	_ =	sdelay $0x1  }
0x2c0: {  	v3 =	vadd.s32 v1, v3;
	_ =	sdelay $0x2  }
0x2c1: {  	[tilespmem:s7], [sflag:$0x2] =	stream.indirect_vreg.gather [hbm4b:s1+s3], $0x80, v4, vm0, $0xb8;
	[tilespmem:$0x18C00] =	vst v63  }
0x2c2: {  	s26 =	simm.s32 $0xB400  }
0x2c3: {  	[tilespmem:s26], [sflag:$0x2] =	stream.indirect_vreg.gather [hbm4b:s1+s3], $0x80, v3, vm0, $0xb8;
	[tilespmem:$0x18C00] =	vst v63  }
0x2c4: {  	v3 =	vld [tilespmem:$0x3B0];
	_ =	sdelay $0x4  }
0x2c5: {  	v19 =	vshll.u32 v3, $0x1  }
0x2c6: {  	v3 =	vand.u32 $0x7, v3;
	v4 =	vand.u32 $0xFFFFFFF0, v19  }
0x2c7: {  	v3 =	vor.u32 v3, v4  }
0x2c8: {  	v4 =	vperm.xlane v3, v0;
	_ =	sdelay $0x1  }
0x2c9: {  	v3 =	vperm.xlane v3, v2;
	v4 =	vadd.s32 v1, v4;
	_ =	sdelay $0x1  }
0x2ca: {  	v3 =	vadd.s32 v1, v3;
	_ =	sdelay $0x2  }
0x2cb: {  	[tilespmem:s4], [sflag:$0x2] =	stream.indirect_vreg.gather [hbm4b:s1+s3], $0x80, v4, vm0, $0xb8;
	[tilespmem:$0x18C00] =	vst v63  }
0x2cc: {  	s28 =	simm.s32 $0xC400  }
0x2cd: {  	[tilespmem:s28], [sflag:$0x2] =	stream.indirect_vreg.gather [hbm4b:s1+s3], $0x80, v3, vm0, $0xb8;
	[tilespmem:$0x18C00] =	vst v63  }
0x2ce: {  	v3 =	vld [tilespmem:$0x3C0];
	_ =	sdelay $0x4  }
0x2cf: {  	v20 =	vshll.u32 v3, $0x1  }
0x2d0: {  	v3 =	vand.u32 $0x7, v3;
	v4 =	vand.u32 $0xFFFFFFF0, v20  }
0x2d1: {  	v3 =	vor.u32 v3, v4  }
0x2d2: {  	v4 =	vperm.xlane v3, v0;
	_ =	sdelay $0x1  }
0x2d3: {  	v3 =	vperm.xlane v3, v2;
	v4 =	vadd.s32 v1, v4;
	_ =	sdelay $0x1  }
0x2d4: {  	v3 =	vadd.s32 v1, v3;
	_ =	sdelay $0x2  }
0x2d5: {  	[tilespmem:s12], [sflag:$0x2] =	stream.indirect_vreg.gather [hbm4b:s1+s3], $0x80, v4, vm0, $0xb8;
	[tilespmem:$0x18C00] =	vst v63  }
0x2d6: {  	s29 =	simm.s32 $0xD400  }
0x2d7: {  	[tilespmem:s29], [sflag:$0x2] =	stream.indirect_vreg.gather [hbm4b:s1+s3], $0x80, v3, vm0, $0xb8;
	[tilespmem:$0x18C00] =	vst v63  }
0x2d8: {  	v3 =	vld [tilespmem:$0x3D0];
	_ =	sdelay $0x4  }
0x2d9: {  	v21 =	vshll.u32 v3, $0x1  }
0x2da: {  	v3 =	vand.u32 $0x7, v3;
	v4 =	vand.u32 $0xFFFFFFF0, v21  }
0x2db: {  	v3 =	vor.u32 v3, v4  }
0x2dc: {  	v4 =	vperm.xlane v3, v0;
	_ =	sdelay $0x1  }
0x2dd: {  	v3 =	vperm.xlane v3, v2;
	v4 =	vadd.s32 v1, v4;
	_ =	sdelay $0x1  }
0x2de: {  	v3 =	vadd.s32 v1, v3;
	_ =	sdelay $0x2  }
0x2df: {  	[tilespmem:s6], [sflag:$0x2] =	stream.indirect_vreg.gather [hbm4b:s1+s3], $0x80, v4, vm0, $0xb8;
	[tilespmem:$0x18C00] =	vst v63  }
0x2e0: {  	_ = 	snop  }
0x2e1: {  	[tilespmem:s10], [sflag:$0x2] =	stream.indirect_vreg.gather [hbm4b:s1+s3], $0x80, v3, vm0, $0xb8;
	[tilespmem:$0x18C00] =	vst v63  }
0x2e2: {  	v3 =	vld [tilespmem:$0x3E0];
	_ =	sdelay $0x4  }
0x2e3: {  	v22 =	vshll.u32 v3, $0x1  }
0x2e4: {  	v3 =	vand.u32 $0x7, v3;
	v4 =	vand.u32 $0xFFFFFFF0, v22  }
0x2e5: {  	v3 =	vor.u32 v3, v4  }
0x2e6: {  	v4 =	vperm.xlane v3, v0;
	_ =	sdelay $0x1  }
0x2e7: {  	v3 =	vperm.xlane v3, v2;
	v4 =	vadd.s32 v1, v4;
	_ =	sdelay $0x1  }
0x2e8: {  	v3 =	vadd.s32 v1, v3;
	_ =	sdelay $0x2  }
0x2e9: {  	[tilespmem:s8], [sflag:$0x2] =	stream.indirect_vreg.gather [hbm4b:s1+s3], $0x80, v4, vm0, $0xb8;
	[tilespmem:$0x18C00] =	vst v63  }
0x2ea: {  	_ = 	snop  }
0x2eb: {  	[tilespmem:s11], [sflag:$0x2] =	stream.indirect_vreg.gather [hbm4b:s1+s3], $0x80, v3, vm0, $0xb8;
	[tilespmem:$0x18C00] =	vst v63  }
0x2ec: {  	v3 =	vld [tilespmem:$0x3F0];
	_ =	sdelay $0x4  }
0x2ed: {  	v23 =	vshll.u32 v3, $0x1  }
0x2ee: {  	v3 =	vand.u32 $0x7, v3;
	v4 =	vand.u32 $0xFFFFFFF0, v23  }
0x2ef: {  	v3 =	vor.u32 v3, v4  }
0x2f0: {  	v4 =	vperm.xlane v3, v0;
	_ =	sdelay $0x1  }
0x2f1: {  	v3 =	vperm.xlane v3, v2;
	v4 =	vadd.s32 v1, v4;
	_ =	sdelay $0x1  }
0x2f2: {  	v3 =	vadd.s32 v1, v3;
	_ =	sdelay $0x2  }
0x2f3: {  	[tilespmem:s9], [sflag:$0x2] =	stream.indirect_vreg.gather [hbm4b:s1+s3], $0x80, v4, vm0, $0xb8;
	[tilespmem:$0x18C00] =	vst v63  }
0x2f4: {  	s30 =	simm.s32 $0x10400  }
0x2f5: {  	[tilespmem:s30], [sflag:$0x2] =	stream.indirect_vreg.gather [hbm4b:s1+s3], $0x80, v3, vm0, $0xb8;
	[tilespmem:$0x18C00] =	vst v63  }
0x2f6: {  	_ =	swait.ge [sflag:s18], $0x8000  }
0x2f7: {  	[sflag:s18] =	ssyncset.done $0x0  }
0x2f8: {  	s6 =	simm.s32 $0x10C00;
	s4 =	rddreg [dreg:$0x9];
	[sflag:s18] =	ssyncadd.s32 $0xFFFF8000  }
0x2f9: {  	[hbm4b:s4+s3] =	stream.linear.scatter [tilespmem:s6], [sflag:$0x6], $0x8000, $0x38;
	[tilespmem:$0x18C00] =	vst v63  }
0x2fa: {  	_ =	swait.ge [sflag:s2], $0x8000  }
0x2fb: {  	[sflag:s2] =	ssyncset.done $0x0  }
0x2fc: {  	[sflag:s2] =	ssyncadd.s32 $0xFFFF8000  }
0x2fd: {  	v3 =	vld [tilespmem:$0x400];
	_ =	sdelay $0x4  }
0x2fe: {  	v24 =	vshll.u32 v3, $0x1  }
0x2ff: {  	v3 =	vand.u32 $0x7, v3;
	v4 =	vand.u32 $0xFFFFFFF0, v24  }
0x300: {  	v3 =	vor.u32 v3, v4  }
0x301: {  	v4 =	vperm.xlane v3, v0;
	_ =	sdelay $0x1  }
0x302: {  	v3 =	vperm.xlane v3, v2;
	v4 =	vadd.s32 v1, v4;
	_ =	sdelay $0x1  }
0x303: {  	v3 =	vadd.s32 v1, v3;
	_ =	sdelay $0x2  }
0x304: {  	[tilespmem:s6], [sflag:$0x3] =	stream.indirect_vreg.gather [hbm4b:s1+s3], $0x80, v4, vm0, $0xb8;
	[tilespmem:$0x18C00] =	vst v63  }
0x305: {  	s11 =	simm.s32 $0x11400  }
0x306: {  	[tilespmem:s11], [sflag:$0x3] =	stream.indirect_vreg.gather [hbm4b:s1+s3], $0x80, v3, vm0, $0xb8;
	[tilespmem:$0x18C00] =	vst v63  }
0x307: {  	v3 =	vld [tilespmem:$0x410];
	_ =	sdelay $0x4  }
0x308: {  	v25 =	vshll.u32 v3, $0x1  }
0x309: {  	v3 =	vand.u32 $0x7, v3;
	v4 =	vand.u32 $0xFFFFFFF0, v25  }
0x30a: {  	v3 =	vor.u32 v3, v4  }
0x30b: {  	v4 =	vperm.xlane v3, v0;
	_ =	sdelay $0x1  }
0x30c: {  	v3 =	vperm.xlane v3, v2;
	v4 =	vadd.s32 v1, v4;
	_ =	sdelay $0x1  }
0x30d: {  	v3 =	vadd.s32 v1, v3;
	_ =	sdelay $0x2  }
0x30e: {  	[tilespmem:s31], [sflag:$0x3] =	stream.indirect_vreg.gather [hbm4b:s1+s3], $0x80, v4, vm0, $0xb8;
	[tilespmem:$0x18C00] =	vst v63  }
0x30f: {  	s17 =	simm.s32 $0x12400  }
0x310: {  	[tilespmem:s17], [sflag:$0x3] =	stream.indirect_vreg.gather [hbm4b:s1+s3], $0x80, v3, vm0, $0xb8;
	[tilespmem:$0x18C00] =	vst v63  }
0x311: {  	v3 =	vld [tilespmem:$0x420];
	_ =	sdelay $0x4  }
0x312: {  	v26 =	vshll.u32 v3, $0x1  }
0x313: {  	v3 =	vand.u32 $0x7, v3;
	v4 =	vand.u32 $0xFFFFFFF0, v26  }
0x314: {  	v3 =	vor.u32 v3, v4  }
0x315: {  	v4 =	vperm.xlane v3, v0;
	_ =	sdelay $0x1  }
0x316: {  	v3 =	vperm.xlane v3, v2;
	v4 =	vadd.s32 v1, v4;
	_ =	sdelay $0x1  }
0x317: {  	v3 =	vadd.s32 v1, v3;
	_ =	sdelay $0x2  }
0x318: {  	[tilespmem:s20], [sflag:$0x3] =	stream.indirect_vreg.gather [hbm4b:s1+s3], $0x80, v4, vm0, $0xb8;
	[tilespmem:$0x18C00] =	vst v63  }
0x319: {  	s4 =	simm.s32 $0x13400  }
0x31a: {  	[tilespmem:s4], [sflag:$0x3] =	stream.indirect_vreg.gather [hbm4b:s1+s3], $0x80, v3, vm0, $0xb8;
	[tilespmem:$0x18C00] =	vst v63  }
0x31b: {  	v3 =	vld [tilespmem:$0x430];
	_ =	sdelay $0x4  }
0x31c: {  	v27 =	vshll.u32 v3, $0x1  }
0x31d: {  	v3 =	vand.u32 $0x7, v3;
	v4 =	vand.u32 $0xFFFFFFF0, v27  }
0x31e: {  	v3 =	vor.u32 v3, v4  }
0x31f: {  	v4 =	vperm.xlane v3, v0;
	_ =	sdelay $0x1  }
0x320: {  	v3 =	vperm.xlane v3, v2;
	v4 =	vadd.s32 v1, v4;
	_ =	sdelay $0x1  }
0x321: {  	v3 =	vadd.s32 v1, v3;
	_ =	sdelay $0x2  }
0x322: {  	[tilespmem:s23], [sflag:$0x3] =	stream.indirect_vreg.gather [hbm4b:s1+s3], $0x80, v4, vm0, $0xb8;
	[tilespmem:$0x18C00] =	vst v63  }
0x323: {  	s6 =	simm.s32 $0x14400  }
0x324: {  	[tilespmem:s6], [sflag:$0x3] =	stream.indirect_vreg.gather [hbm4b:s1+s3], $0x80, v3, vm0, $0xb8;
	[tilespmem:$0x18C00] =	vst v63  }
0x325: {  	v3 =	vld [tilespmem:$0x440];
	_ =	sdelay $0x4  }
0x326: {  	v28 =	vshll.u32 v3, $0x1  }
0x327: {  	v3 =	vand.u32 $0x7, v3;
	v4 =	vand.u32 $0xFFFFFFF0, v28  }
0x328: {  	v3 =	vor.u32 v3, v4  }
0x329: {  	v4 =	vperm.xlane v3, v0;
	_ =	sdelay $0x1  }
0x32a: {  	v3 =	vperm.xlane v3, v2;
	v4 =	vadd.s32 v1, v4;
	_ =	sdelay $0x1  }
0x32b: {  	v3 =	vadd.s32 v1, v3;
	_ =	sdelay $0x2  }
0x32c: {  	[tilespmem:s5], [sflag:$0x3] =	stream.indirect_vreg.gather [hbm4b:s1+s3], $0x80, v4, vm0, $0xb8;
	[tilespmem:$0x18C00] =	vst v63  }
0x32d: {  	s8 =	simm.s32 $0x15400  }
0x32e: {  	[tilespmem:s8], [sflag:$0x3] =	stream.indirect_vreg.gather [hbm4b:s1+s3], $0x80, v3, vm0, $0xb8;
	[tilespmem:$0x18C00] =	vst v63  }
0x32f: {  	v3 =	vld [tilespmem:$0x450];
	_ =	sdelay $0x4  }
0x330: {  	v29 =	vshll.u32 v3, $0x1  }
0x331: {  	v3 =	vand.u32 $0x7, v3;
	v4 =	vand.u32 $0xFFFFFFF0, v29  }
0x332: {  	v3 =	vor.u32 v3, v4  }
0x333: {  	v4 =	vperm.xlane v3, v0;
	_ =	sdelay $0x1  }
0x334: {  	v3 =	vperm.xlane v3, v2;
	v4 =	vadd.s32 v1, v4;
	_ =	sdelay $0x1  }
0x335: {  	v3 =	vadd.s32 v1, v3;
	_ =	sdelay $0x1  }
0x336: {  	s7 =	simm.s32 $0x15C00  }
0x337: {  	[tilespmem:s7], [sflag:$0x3] =	stream.indirect_vreg.gather [hbm4b:s1+s3], $0x80, v4, vm0, $0xb8;
	[tilespmem:$0x18C00] =	vst v63  }
0x338: {  	s9 =	simm.s32 $0x16400  }
0x339: {  	[tilespmem:s9], [sflag:$0x3] =	stream.indirect_vreg.gather [hbm4b:s1+s3], $0x80, v3, vm0, $0xb8;
	[tilespmem:$0x18C00] =	vst v63  }
0x33a: {  	v3 =	vld [tilespmem:$0x460];
	_ =	sdelay $0x4  }
0x33b: {  	v30 =	vshll.u32 v3, $0x1  }
0x33c: {  	v3 =	vand.u32 $0x7, v3;
	v4 =	vand.u32 $0xFFFFFFF0, v30  }
0x33d: {  	v3 =	vor.u32 v3, v4  }
0x33e: {  	v4 =	vperm.xlane v3, v0;
	_ =	sdelay $0x1  }
0x33f: {  	v3 =	vperm.xlane v3, v2;
	v4 =	vadd.s32 v1, v4;
	_ =	sdelay $0x1  }
0x340: {  	v3 =	vadd.s32 v1, v3;
	_ =	sdelay $0x1  }
0x341: {  	s21 =	simm.s32 $0x16C00  }
0x342: {  	[tilespmem:s21], [sflag:$0x3] =	stream.indirect_vreg.gather [hbm4b:s1+s3], $0x80, v4, vm0, $0xb8;
	[tilespmem:$0x18C00] =	vst v63  }
0x343: {  	s10 =	simm.s32 $0x17400  }
0x344: {  	[tilespmem:s10], [sflag:$0x3] =	stream.indirect_vreg.gather [hbm4b:s1+s3], $0x80, v3, vm0, $0xb8;
	[tilespmem:$0x18C00] =	vst v63  }
0x345: {  	v3 =	vld [tilespmem:$0x470];
	_ =	sdelay $0x4  }
0x346: {  	v31 =	vshll.u32 v3, $0x1  }
0x347: {  	v3 =	vand.u32 $0x7, v3;
	v4 =	vand.u32 $0xFFFFFFF0, v31  }
0x348: {  	v3 =	vor.u32 v3, v4  }
0x349: {  	v4 =	vperm.xlane v3, v0;
	_ =	sdelay $0x1  }
0x34a: {  	v3 =	vperm.xlane v3, v2;
	v4 =	vadd.s32 v1, v4;
	_ =	sdelay $0x1  }
0x34b: {  	v3 =	vadd.s32 v1, v3;
	_ =	sdelay $0x1  }
0x34c: {  	s12 =	simm.s32 $0x17C00  }
0x34d: {  	[tilespmem:s12], [sflag:$0x3] =	stream.indirect_vreg.gather [hbm4b:s1+s3], $0x80, v4, vm0, $0xb8;
	[tilespmem:$0x18C00] =	vst v63  }
0x34e: {  	s19 =	simm.s32 $0x18400  }
0x34f: {  	[tilespmem:s19], [sflag:$0x3] =	stream.indirect_vreg.gather [hbm4b:s1+s3], $0x80, v3, vm0, $0xb8;
	[tilespmem:$0x18C00] =	vst v63  }
0x350: {  	_ =	swait.ge [sflag:s13], $0x8000  }
0x351: {  	[sflag:s13] =	ssyncset.done $0x0  }
0x352: {  	s23 =	simm.s32 $0xC00;
	s20 =	rddreg [dreg:$0xa];
	[sflag:s13] =	ssyncadd.s32 $0xFFFF8000  }
0x353: {  	[hbm4b:s20+s3] =	stream.linear.scatter [tilespmem:s23], [sflag:$0x4], $0x8000, $0x38;
	[tilespmem:$0x18C00] =	vst v63  }
0x354: {  	_ =	swait.ge [sflag:s14], $0x8000  }
0x355: {  	[sflag:s14] =	ssyncset.done $0x0  }
0x356: {  	[sflag:s14] =	ssyncadd.s32 $0xFFFF8000  }
0x357: {  	v3 =	vld [tilespmem:$0x480];
	_ =	sdelay $0x4  }
0x358: {  	v32 =	vshll.u32 v3, $0x1  }
0x359: {  	v3 =	vand.u32 $0x7, v3;
	v4 =	vand.u32 $0xFFFFFFF0, v32  }
0x35a: {  	v3 =	vor.u32 v3, v4  }
0x35b: {  	v4 =	vperm.xlane v3, v0;
	_ =	sdelay $0x1  }
0x35c: {  	v3 =	vperm.xlane v3, v2;
	v4 =	vadd.s32 v1, v4;
	_ =	sdelay $0x1  }
0x35d: {  	v3 =	vadd.s32 v1, v3;
	_ =	sdelay $0x2  }
0x35e: {  	[tilespmem:s23], [sflag:$0x1] =	stream.indirect_vreg.gather [hbm4b:s1+s3], $0x80, v4, vm0, $0xb8;
	[tilespmem:$0x18C00] =	vst v63  }
0x35f: {  	s10 =	simm.s32 $0x1400  }
0x360: {  	[tilespmem:s10], [sflag:$0x1] =	stream.indirect_vreg.gather [hbm4b:s1+s3], $0x80, v3, vm0, $0xb8;
	[tilespmem:$0x18C00] =	vst v63  }
0x361: {  	v3 =	vld [tilespmem:$0x490];
	_ =	sdelay $0x4  }
0x362: {  	v33 =	vshll.u32 v3, $0x1  }
0x363: {  	v3 =	vand.u32 $0x7, v3;
	v4 =	vand.u32 $0xFFFFFFF0, v33  }
0x364: {  	v3 =	vor.u32 v3, v4  }
0x365: {  	v4 =	vperm.xlane v3, v0;
	_ =	sdelay $0x1  }
0x366: {  	v3 =	vperm.xlane v3, v2;
	v4 =	vadd.s32 v1, v4;
	_ =	sdelay $0x1  }
0x367: {  	v3 =	vadd.s32 v1, v3;
	_ =	sdelay $0x1  }
0x368: {  	s29 =	simm.s32 $0x1C00  }
0x369: {  	[tilespmem:s29], [sflag:$0x1] =	stream.indirect_vreg.gather [hbm4b:s1+s3], $0x80, v4, vm0, $0xb8;
	[tilespmem:$0x18C00] =	vst v63  }
0x36a: {  	s30 =	simm.s32 $0x2400  }
0x36b: {  	[tilespmem:s30], [sflag:$0x1] =	stream.indirect_vreg.gather [hbm4b:s1+s3], $0x80, v3, vm0, $0xb8;
	[tilespmem:$0x18C00] =	vst v63  }
0x36c: {  	v3 =	vld [tilespmem:$0x4A0];
	_ =	sdelay $0x4  }
0x36d: {  	v34 =	vshll.u32 v3, $0x1  }
0x36e: {  	v3 =	vand.u32 $0x7, v3;
	v4 =	vand.u32 $0xFFFFFFF0, v34  }
0x36f: {  	v3 =	vor.u32 v3, v4  }
0x370: {  	v4 =	vperm.xlane v3, v0;
	_ =	sdelay $0x1  }
0x371: {  	v3 =	vperm.xlane v3, v2;
	v4 =	vadd.s32 v1, v4;
	_ =	sdelay $0x1  }
0x372: {  	v3 =	vadd.s32 v1, v3;
	_ =	sdelay $0x1  }
0x373: {  	s31 =	simm.s32 $0x2C00  }
0x374: {  	[tilespmem:s31], [sflag:$0x1] =	stream.indirect_vreg.gather [hbm4b:s1+s3], $0x80, v4, vm0, $0xb8;
	[tilespmem:$0x18C00] =	vst v63  }
0x375: {  	s5 =	simm.s32 $0x3400  }
0x376: {  	[tilespmem:s5], [sflag:$0x1] =	stream.indirect_vreg.gather [hbm4b:s1+s3], $0x80, v3, vm0, $0xb8;
	[tilespmem:$0x18C00] =	vst v63  }
0x377: {  	v3 =	vld [tilespmem:$0x4B0];
	_ =	sdelay $0x4  }
0x378: {  	v35 =	vshll.u32 v3, $0x1  }
0x379: {  	v3 =	vand.u32 $0x7, v3;
	v4 =	vand.u32 $0xFFFFFFF0, v35  }
0x37a: {  	v3 =	vor.u32 v3, v4  }
0x37b: {  	v4 =	vperm.xlane v3, v0;
	_ =	sdelay $0x1  }
0x37c: {  	v3 =	vperm.xlane v3, v2;
	v4 =	vadd.s32 v1, v4;
	_ =	sdelay $0x1  }
0x37d: {  	v3 =	vadd.s32 v1, v3;
	_ =	sdelay $0x1  }
0x37e: {  	s7 =	simm.s32 $0x3C00  }
0x37f: {  	[tilespmem:s7], [sflag:$0x1] =	stream.indirect_vreg.gather [hbm4b:s1+s3], $0x80, v4, vm0, $0xb8;
	[tilespmem:$0x18C00] =	vst v63  }
0x380: {  	s9 =	simm.s32 $0x4400  }
0x381: {  	[tilespmem:s9], [sflag:$0x1] =	stream.indirect_vreg.gather [hbm4b:s1+s3], $0x80, v3, vm0, $0xb8;
	[tilespmem:$0x18C00] =	vst v63  }
0x382: {  	v3 =	vld [tilespmem:$0x4C0];
	_ =	sdelay $0x4  }
0x383: {  	v36 =	vshll.u32 v3, $0x1  }
0x384: {  	v3 =	vand.u32 $0x7, v3;
	v4 =	vand.u32 $0xFFFFFFF0, v36  }
0x385: {  	v3 =	vor.u32 v3, v4  }
0x386: {  	v4 =	vperm.xlane v3, v0;
	_ =	sdelay $0x1  }
0x387: {  	v3 =	vperm.xlane v3, v2;
	v4 =	vadd.s32 v1, v4;
	_ =	sdelay $0x1  }
0x388: {  	v3 =	vadd.s32 v1, v3;
	_ =	sdelay $0x1  }
0x389: {  	s29 =	simm.s32 $0x4C00  }
0x38a: {  	[tilespmem:s29], [sflag:$0x1] =	stream.indirect_vreg.gather [hbm4b:s1+s3], $0x80, v4, vm0, $0xb8;
	[tilespmem:$0x18C00] =	vst v63  }
0x38b: {  	s30 =	simm.s32 $0x5400  }
0x38c: {  	[tilespmem:s30], [sflag:$0x1] =	stream.indirect_vreg.gather [hbm4b:s1+s3], $0x80, v3, vm0, $0xb8;
	[tilespmem:$0x18C00] =	vst v63  }
0x38d: {  	v3 =	vld [tilespmem:$0x4D0];
	_ =	sdelay $0x4  }
0x38e: {  	v37 =	vshll.u32 v3, $0x1  }
0x38f: {  	v3 =	vand.u32 $0x7, v3;
	v4 =	vand.u32 $0xFFFFFFF0, v37  }
0x390: {  	v3 =	vor.u32 v3, v4  }
0x391: {  	v4 =	vperm.xlane v3, v0;
	_ =	sdelay $0x1  }
0x392: {  	v3 =	vperm.xlane v3, v2;
	v4 =	vadd.s32 v1, v4;
	_ =	sdelay $0x1  }
0x393: {  	v3 =	vadd.s32 v1, v3;
	_ =	sdelay $0x1  }
0x394: {  	s22 =	simm.s32 $0x5C00  }
0x395: {  	[tilespmem:s22], [sflag:$0x1] =	stream.indirect_vreg.gather [hbm4b:s1+s3], $0x80, v4, vm0, $0xb8;
	[tilespmem:$0x18C00] =	vst v63  }
0x396: {  	s31 =	simm.s32 $0x6400  }
0x397: {  	[tilespmem:s31], [sflag:$0x1] =	stream.indirect_vreg.gather [hbm4b:s1+s3], $0x80, v3, vm0, $0xb8;
	[tilespmem:$0x18C00] =	vst v63  }
0x398: {  	v3 =	vld [tilespmem:$0x4E0];
	_ =	sdelay $0x4  }
0x399: {  	v38 =	vshll.u32 v3, $0x1  }
0x39a: {  	v3 =	vand.u32 $0x7, v3;
	v4 =	vand.u32 $0xFFFFFFF0, v38  }
0x39b: {  	v3 =	vor.u32 v3, v4  }
0x39c: {  	v4 =	vperm.xlane v3, v0;
	_ =	sdelay $0x1  }
0x39d: {  	v3 =	vperm.xlane v3, v2;
	v4 =	vadd.s32 v1, v4;
	_ =	sdelay $0x1  }
0x39e: {  	v3 =	vadd.s32 v1, v3;
	_ =	sdelay $0x1  }
0x39f: {  	s24 =	simm.s32 $0x6C00  }
0x3a0: {  	[tilespmem:s24], [sflag:$0x1] =	stream.indirect_vreg.gather [hbm4b:s1+s3], $0x80, v4, vm0, $0xb8;
	[tilespmem:$0x18C00] =	vst v63  }
0x3a1: {  	s7 =	simm.s32 $0x7400  }
0x3a2: {  	[tilespmem:s7], [sflag:$0x1] =	stream.indirect_vreg.gather [hbm4b:s1+s3], $0x80, v3, vm0, $0xb8;
	[tilespmem:$0x18C00] =	vst v63  }
0x3a3: {  	v3 =	vld [tilespmem:$0x4F0];
	_ =	sdelay $0x4  }
0x3a4: {  	v39 =	vshll.u32 v3, $0x1  }
0x3a5: {  	v3 =	vand.u32 $0x7, v3;
	v4 =	vand.u32 $0xFFFFFFF0, v39  }
0x3a6: {  	v3 =	vor.u32 v3, v4  }
0x3a7: {  	v4 =	vperm.xlane v3, v0;
	_ =	sdelay $0x1  }
0x3a8: {  	v3 =	vperm.xlane v3, v2;
	v4 =	vadd.s32 v1, v4;
	_ =	sdelay $0x1  }
0x3a9: {  	v3 =	vadd.s32 v1, v3;
	_ =	sdelay $0x1  }
0x3aa: {  	s25 =	simm.s32 $0x7C00  }
0x3ab: {  	[tilespmem:s25], [sflag:$0x1] =	stream.indirect_vreg.gather [hbm4b:s1+s3], $0x80, v4, vm0, $0xb8;
	[tilespmem:$0x18C00] =	vst v63  }
0x3ac: {  	s20 =	simm.s32 $0x8400  }
0x3ad: {  	[tilespmem:s20], [sflag:$0x1] =	stream.indirect_vreg.gather [hbm4b:s1+s3], $0x80, v3, vm0, $0xb8;
	[tilespmem:$0x18C00] =	vst v63  }
0x3ae: {  	_ =	swait.ge [sflag:s15], $0x8000  }
0x3af: {  	[sflag:s15] =	ssyncset.done $0x0  }
0x3b0: {  	s22 =	simm.s32 $0x8C00;
	s12 =	rddreg [dreg:$0xb];
	[sflag:s15] =	ssyncadd.s32 $0xFFFF8000  }
0x3b1: {  	[hbm4b:s12+s3] =	stream.linear.scatter [tilespmem:s22], [sflag:$0x5], $0x8000, $0x38;
	[tilespmem:$0x18C00] =	vst v63  }
0x3b2: {  	_ =	swait.ge [sflag:s16], $0x8000  }
0x3b3: {  	[sflag:s16] =	ssyncset.done $0x0  }
0x3b4: {  	[sflag:s16] =	ssyncadd.s32 $0xFFFF8000  }
0x3b5: {  	v3 =	vld [tilespmem:$0x500];
	_ =	sdelay $0x4  }
0x3b6: {  	v40 =	vshll.u32 v3, $0x1  }
0x3b7: {  	v3 =	vand.u32 $0x7, v3;
	v4 =	vand.u32 $0xFFFFFFF0, v40  }
0x3b8: {  	v3 =	vor.u32 v3, v4  }
0x3b9: {  	v4 =	vperm.xlane v3, v0;
	_ =	sdelay $0x1  }
0x3ba: {  	v3 =	vperm.xlane v3, v2;
	v4 =	vadd.s32 v1, v4;
	_ =	sdelay $0x1  }
0x3bb: {  	v3 =	vadd.s32 v1, v3;
	_ =	sdelay $0x2  }
0x3bc: {  	[tilespmem:s22], [sflag:$0x2] =	stream.indirect_vreg.gather [hbm4b:s1+s3], $0x80, v4, vm0, $0xb8;
	[tilespmem:$0x18C00] =	vst v63  }
0x3bd: {  	s9 =	simm.s32 $0x9400  }
0x3be: {  	[tilespmem:s9], [sflag:$0x2] =	stream.indirect_vreg.gather [hbm4b:s1+s3], $0x80, v3, vm0, $0xb8;
	[tilespmem:$0x18C00] =	vst v63  }
0x3bf: {  	v3 =	vld [tilespmem:$0x510];
	_ =	sdelay $0x4  }
0x3c0: {  	v41 =	vshll.u32 v3, $0x1  }
0x3c1: {  	v3 =	vand.u32 $0x7, v3;
	v4 =	vand.u32 $0xFFFFFFF0, v41  }
0x3c2: {  	v3 =	vor.u32 v3, v4  }
0x3c3: {  	v4 =	vperm.xlane v3, v0;
	_ =	sdelay $0x1  }
0x3c4: {  	v3 =	vperm.xlane v3, v2;
	v4 =	vadd.s32 v1, v4;
	_ =	sdelay $0x1  }
0x3c5: {  	v3 =	vadd.s32 v1, v3;
	_ =	sdelay $0x1  }
0x3c6: {  	s23 =	simm.s32 $0x9C00  }
0x3c7: {  	[tilespmem:s23], [sflag:$0x2] =	stream.indirect_vreg.gather [hbm4b:s1+s3], $0x80, v4, vm0, $0xb8;
	[tilespmem:$0x18C00] =	vst v63  }
0x3c8: {  	s12 =	simm.s32 $0xA400  }
0x3c9: {  	[tilespmem:s12], [sflag:$0x2] =	stream.indirect_vreg.gather [hbm4b:s1+s3], $0x80, v3, vm0, $0xb8;
	[tilespmem:$0x18C00] =	vst v63  }
0x3ca: {  	v3 =	vld [tilespmem:$0x520];
	_ =	sdelay $0x4  }
0x3cb: {  	v42 =	vshll.u32 v3, $0x1  }
0x3cc: {  	v3 =	vand.u32 $0x7, v3;
	v4 =	vand.u32 $0xFFFFFFF0, v42  }
0x3cd: {  	v3 =	vor.u32 v3, v4  }
0x3ce: {  	v4 =	vperm.xlane v3, v0;
	_ =	sdelay $0x1  }
0x3cf: {  	v3 =	vperm.xlane v3, v2;
	v4 =	vadd.s32 v1, v4;
	_ =	sdelay $0x1  }
0x3d0: {  	v3 =	vadd.s32 v1, v3;
	_ =	sdelay $0x1  }
0x3d1: {  	s22 =	simm.s32 $0xAC00  }
0x3d2: {  	[tilespmem:s22], [sflag:$0x2] =	stream.indirect_vreg.gather [hbm4b:s1+s3], $0x80, v4, vm0, $0xb8;
	[tilespmem:$0x18C00] =	vst v63  }
0x3d3: {  	s24 =	simm.s32 $0xB400  }
0x3d4: {  	[tilespmem:s24], [sflag:$0x2] =	stream.indirect_vreg.gather [hbm4b:s1+s3], $0x80, v3, vm0, $0xb8;
	[tilespmem:$0x18C00] =	vst v63  }
0x3d5: {  	v3 =	vld [tilespmem:$0x530];
	_ =	sdelay $0x4  }
0x3d6: {  	v43 =	vshll.u32 v3, $0x1  }
0x3d7: {  	v3 =	vand.u32 $0x7, v3;
	v4 =	vand.u32 $0xFFFFFFF0, v43  }
0x3d8: {  	v3 =	vor.u32 v3, v4  }
0x3d9: {  	v4 =	vperm.xlane v3, v0;
	_ =	sdelay $0x1  }
0x3da: {  	v3 =	vperm.xlane v3, v2;
	v4 =	vadd.s32 v1, v4;
	_ =	sdelay $0x1  }
0x3db: {  	v3 =	vadd.s32 v1, v3;
	_ =	sdelay $0x1  }
0x3dc: {  	s23 =	simm.s32 $0xBC00  }
0x3dd: {  	[tilespmem:s23], [sflag:$0x2] =	stream.indirect_vreg.gather [hbm4b:s1+s3], $0x80, v4, vm0, $0xb8;
	[tilespmem:$0x18C00] =	vst v63  }
0x3de: {  	s25 =	simm.s32 $0xC400  }
0x3df: {  	[tilespmem:s25], [sflag:$0x2] =	stream.indirect_vreg.gather [hbm4b:s1+s3], $0x80, v3, vm0, $0xb8;
	[tilespmem:$0x18C00] =	vst v63  }
0x3e0: {  	v3 =	vld [tilespmem:$0x540];
	_ =	sdelay $0x4  }
0x3e1: {  	v44 =	vshll.u32 v3, $0x1  }
0x3e2: {  	v3 =	vand.u32 $0x7, v3;
	v4 =	vand.u32 $0xFFFFFFF0, v44  }
0x3e3: {  	v3 =	vor.u32 v3, v4  }
0x3e4: {  	v4 =	vperm.xlane v3, v0;
	_ =	sdelay $0x1  }
0x3e5: {  	v3 =	vperm.xlane v3, v2;
	v4 =	vadd.s32 v1, v4;
	_ =	sdelay $0x1  }
0x3e6: {  	v3 =	vadd.s32 v1, v3;
	_ =	sdelay $0x1  }
0x3e7: {  	s24 =	simm.s32 $0xCC00  }
0x3e8: {  	[tilespmem:s24], [sflag:$0x2] =	stream.indirect_vreg.gather [hbm4b:s1+s3], $0x80, v4, vm0, $0xb8;
	[tilespmem:$0x18C00] =	vst v63  }
0x3e9: {  	s5 =	simm.s32 $0xD400  }
0x3ea: {  	[tilespmem:s5], [sflag:$0x2] =	stream.indirect_vreg.gather [hbm4b:s1+s3], $0x80, v3, vm0, $0xb8;
	[tilespmem:$0x18C00] =	vst v63  }
0x3eb: {  	v3 =	vld [tilespmem:$0x550];
	_ =	sdelay $0x4  }
0x3ec: {  	v45 =	vshll.u32 v3, $0x1  }
0x3ed: {  	v3 =	vand.u32 $0x7, v3;
	v4 =	vand.u32 $0xFFFFFFF0, v45  }
0x3ee: {  	v3 =	vor.u32 v3, v4  }
0x3ef: {  	v4 =	vperm.xlane v3, v0;
	_ =	sdelay $0x1  }
0x3f0: {  	v3 =	vperm.xlane v3, v2;
	v4 =	vadd.s32 v1, v4;
	_ =	sdelay $0x1  }
0x3f1: {  	v3 =	vadd.s32 v1, v3;
	_ =	sdelay $0x1  }
0x3f2: {  	s25 =	simm.s32 $0xDC00  }
0x3f3: {  	[tilespmem:s25], [sflag:$0x2] =	stream.indirect_vreg.gather [hbm4b:s1+s3], $0x80, v4, vm0, $0xb8;
	[tilespmem:$0x18C00] =	vst v63  }
0x3f4: {  	s26 =	simm.s32 $0xE400  }
0x3f5: {  	[tilespmem:s26], [sflag:$0x2] =	stream.indirect_vreg.gather [hbm4b:s1+s3], $0x80, v3, vm0, $0xb8;
	[tilespmem:$0x18C00] =	vst v63  }
0x3f6: {  	v3 =	vld [tilespmem:$0x560];
	_ =	sdelay $0x4  }
0x3f7: {  	v46 =	vshll.u32 v3, $0x1  }
0x3f8: {  	v3 =	vand.u32 $0x7, v3;
	v4 =	vand.u32 $0xFFFFFFF0, v46  }
0x3f9: {  	v3 =	vor.u32 v3, v4  }
0x3fa: {  	v4 =	vperm.xlane v3, v0;
	_ =	sdelay $0x1  }
0x3fb: {  	v3 =	vperm.xlane v3, v2;
	v4 =	vadd.s32 v1, v4;
	_ =	sdelay $0x1  }
0x3fc: {  	v3 =	vadd.s32 v1, v3;
	_ =	sdelay $0x1  }
0x3fd: {  	s26 =	simm.s32 $0xEC00  }
0x3fe: {  	[tilespmem:s26], [sflag:$0x2] =	stream.indirect_vreg.gather [hbm4b:s1+s3], $0x80, v4, vm0, $0xb8;
	[tilespmem:$0x18C00] =	vst v63  }
0x3ff: {  	s28 =	simm.s32 $0xF400  }
0x400: {  	[tilespmem:s28], [sflag:$0x2] =	stream.indirect_vreg.gather [hbm4b:s1+s3], $0x80, v3, vm0, $0xb8;
	[tilespmem:$0x18C00] =	vst v63  }
0x401: {  	v3 =	vld [tilespmem:$0x570];
	_ =	sdelay $0x4  }
0x402: {  	v47 =	vshll.u32 v3, $0x1  }
0x403: {  	v3 =	vand.u32 $0x7, v3;
	v4 =	vand.u32 $0xFFFFFFF0, v47  }
0x404: {  	v3 =	vor.u32 v3, v4  }
0x405: {  	v4 =	vperm.xlane v3, v0;
	_ =	sdelay $0x1  }
0x406: {  	v3 =	vperm.xlane v3, v2;
	v4 =	vadd.s32 v1, v4;
	_ =	sdelay $0x1  }
0x407: {  	v3 =	vadd.s32 v1, v3;
	_ =	sdelay $0x1  }
0x408: {  	s28 =	simm.s32 $0xFC00  }
0x409: {  	[tilespmem:s28], [sflag:$0x2] =	stream.indirect_vreg.gather [hbm4b:s1+s3], $0x80, v4, vm0, $0xb8;
	[tilespmem:$0x18C00] =	vst v63  }
0x40a: {  	s19 =	simm.s32 $0x10400  }
0x40b: {  	[tilespmem:s19], [sflag:$0x2] =	stream.indirect_vreg.gather [hbm4b:s1+s3], $0x80, v3, vm0, $0xb8;
	[tilespmem:$0x18C00] =	vst v63  }
0x40c: {  	_ =	swait.ge [sflag:s18], $0x8000  }
0x40d: {  	[sflag:s18] =	ssyncset.done $0x0  }
0x40e: {  	s5 =	simm.s32 $0x10C00;
	s0 =	rddreg [dreg:$0xc];
	[sflag:s18] =	ssyncadd.s32 $0xFFFF8000  }
0x40f: {  	[hbm4b:s0+s3] =	stream.linear.scatter [tilespmem:s5], [sflag:$0x6], $0x8000, $0x38;
	[tilespmem:$0x18C00] =	vst v63  }
0x410: {  	_ =	swait.ge [sflag:s2], $0x8000  }
0x411: {  	[sflag:s2] =	ssyncset.done $0x0  }
0x412: {  	[sflag:s2] =	ssyncadd.s32 $0xFFFF8000  }
0x413: {  	v3 =	vld [tilespmem:$0x580];
	_ =	sdelay $0x4  }
0x414: {  	v48 =	vshll.u32 v3, $0x1  }
0x415: {  	v3 =	vand.u32 $0x7, v3;
	v4 =	vand.u32 $0xFFFFFFF0, v48  }
0x416: {  	v3 =	vor.u32 v3, v4  }
0x417: {  	v4 =	vperm.xlane v3, v0;
	_ =	sdelay $0x1  }
0x418: {  	v3 =	vperm.xlane v3, v2;
	v4 =	vadd.s32 v1, v4;
	_ =	sdelay $0x1  }
0x419: {  	v3 =	vadd.s32 v1, v3;
	_ =	sdelay $0x2  }
0x41a: {  	[tilespmem:s5], [sflag:$0x3] =	stream.indirect_vreg.gather [hbm4b:s1+s3], $0x80, v4, vm0, $0xb8;
	[tilespmem:$0x18C00] =	vst v63  }
0x41b: {  	_ = 	snop  }
0x41c: {  	[tilespmem:s11], [sflag:$0x3] =	stream.indirect_vreg.gather [hbm4b:s1+s3], $0x80, v3, vm0, $0xb8;
	[tilespmem:$0x18C00] =	vst v63  }
0x41d: {  	v3 =	vld [tilespmem:$0x590];
	_ =	sdelay $0x4  }
0x41e: {  	v49 =	vshll.u32 v3, $0x1  }
0x41f: {  	v3 =	vand.u32 $0x7, v3;
	v4 =	vand.u32 $0xFFFFFFF0, v49  }
0x420: {  	v3 =	vor.u32 v3, v4  }
0x421: {  	v4 =	vperm.xlane v3, v0;
	_ =	sdelay $0x1  }
0x422: {  	v3 =	vperm.xlane v3, v2;
	v4 =	vadd.s32 v1, v4;
	_ =	sdelay $0x1  }
0x423: {  	v3 =	vadd.s32 v1, v3;
	_ =	sdelay $0x1  }
0x424: {  	s11 =	simm.s32 $0x11C00  }
0x425: {  	[tilespmem:s11], [sflag:$0x3] =	stream.indirect_vreg.gather [hbm4b:s1+s3], $0x80, v4, vm0, $0xb8;
	[tilespmem:$0x18C00] =	vst v63  }
0x426: {  	_ = 	snop  }
0x427: {  	[tilespmem:s17], [sflag:$0x3] =	stream.indirect_vreg.gather [hbm4b:s1+s3], $0x80, v3, vm0, $0xb8;
	[tilespmem:$0x18C00] =	vst v63  }
0x428: {  	v3 =	vld [tilespmem:$0x5A0];
	_ =	sdelay $0x4  }
0x429: {  	v50 =	vshll.u32 v3, $0x1  }
0x42a: {  	v3 =	vand.u32 $0x7, v3;
	v4 =	vand.u32 $0xFFFFFFF0, v50  }
0x42b: {  	v3 =	vor.u32 v3, v4  }
0x42c: {  	v4 =	vperm.xlane v3, v0;
	_ =	sdelay $0x1  }
0x42d: {  	v3 =	vperm.xlane v3, v2;
	v4 =	vadd.s32 v1, v4;
	_ =	sdelay $0x1  }
0x42e: {  	v3 =	vadd.s32 v1, v3;
	_ =	sdelay $0x1  }
0x42f: {  	s11 =	simm.s32 $0x12C00  }
0x430: {  	[tilespmem:s11], [sflag:$0x3] =	stream.indirect_vreg.gather [hbm4b:s1+s3], $0x80, v4, vm0, $0xb8;
	[tilespmem:$0x18C00] =	vst v63  }
0x431: {  	_ = 	snop  }
0x432: {  	[tilespmem:s4], [sflag:$0x3] =	stream.indirect_vreg.gather [hbm4b:s1+s3], $0x80, v3, vm0, $0xb8;
	[tilespmem:$0x18C00] =	vst v63  }
0x433: {  	v3 =	vld [tilespmem:$0x5B0];
	_ =	sdelay $0x4  }
0x434: {  	v51 =	vshll.u32 v3, $0x1  }
0x435: {  	v3 =	vand.u32 $0x7, v3;
	v4 =	vand.u32 $0xFFFFFFF0, v51  }
0x436: {  	v3 =	vor.u32 v3, v4  }
0x437: {  	v4 =	vperm.xlane v3, v0;
	_ =	sdelay $0x1  }
0x438: {  	v3 =	vperm.xlane v3, v2;
	v4 =	vadd.s32 v1, v4;
	_ =	sdelay $0x1  }
0x439: {  	v3 =	vadd.s32 v1, v3;
	_ =	sdelay $0x1  }
0x43a: {  	s17 =	simm.s32 $0x13C00  }
0x43b: {  	[tilespmem:s17], [sflag:$0x3] =	stream.indirect_vreg.gather [hbm4b:s1+s3], $0x80, v4, vm0, $0xb8;
	[tilespmem:$0x18C00] =	vst v63  }
0x43c: {  	_ = 	snop  }
0x43d: {  	[tilespmem:s6], [sflag:$0x3] =	stream.indirect_vreg.gather [hbm4b:s1+s3], $0x80, v3, vm0, $0xb8;
	[tilespmem:$0x18C00] =	vst v63  }
0x43e: {  	v3 =	vld [tilespmem:$0x5C0];
	_ =	sdelay $0x4  }
0x43f: {  	v52 =	vshll.u32 v3, $0x1  }
0x440: {  	v3 =	vand.u32 $0x7, v3;
	v4 =	vand.u32 $0xFFFFFFF0, v52  }
0x441: {  	v3 =	vor.u32 v3, v4  }
0x442: {  	v4 =	vperm.xlane v3, v0;
	_ =	sdelay $0x1  }
0x443: {  	v3 =	vperm.xlane v3, v2;
	v4 =	vadd.s32 v1, v4;
	_ =	sdelay $0x1  }
0x444: {  	v3 =	vadd.s32 v1, v3;
	_ =	sdelay $0x1  }
0x445: {  	s6 =	simm.s32 $0x14C00  }
0x446: {  	[tilespmem:s6], [sflag:$0x3] =	stream.indirect_vreg.gather [hbm4b:s1+s3], $0x80, v4, vm0, $0xb8;
	[tilespmem:$0x18C00] =	vst v63  }
0x447: {  	_ = 	snop  }
0x448: {  	[tilespmem:s8], [sflag:$0x3] =	stream.indirect_vreg.gather [hbm4b:s1+s3], $0x80, v3, vm0, $0xb8;
	[tilespmem:$0x18C00] =	vst v63  }
0x449: {  	v3 =	vld [tilespmem:$0x5D0];
	_ =	sdelay $0x4  }
0x44a: {  	v53 =	vshll.u32 v3, $0x1  }
0x44b: {  	v3 =	vand.u32 $0x7, v3;
	v4 =	vand.u32 $0xFFFFFFF0, v53  }
0x44c: {  	v3 =	vor.u32 v3, v4  }
0x44d: {  	v4 =	vperm.xlane v3, v0;
	_ =	sdelay $0x1  }
0x44e: {  	v3 =	vperm.xlane v3, v2;
	v4 =	vadd.s32 v1, v4;
	_ =	sdelay $0x1  }
0x44f: {  	v3 =	vadd.s32 v1, v3;
	_ =	sdelay $0x1  }
0x450: {  	s19 =	simm.s32 $0x15C00  }
0x451: {  	[tilespmem:s19], [sflag:$0x3] =	stream.indirect_vreg.gather [hbm4b:s1+s3], $0x80, v4, vm0, $0xb8;
	[tilespmem:$0x18C00] =	vst v63  }
0x452: {  	s4 =	simm.s32 $0x16400  }
0x453: {  	[tilespmem:s4], [sflag:$0x3] =	stream.indirect_vreg.gather [hbm4b:s1+s3], $0x80, v3, vm0, $0xb8;
	[tilespmem:$0x18C00] =	vst v63  }
0x454: {  	v3 =	vld [tilespmem:$0x5E0];
	_ =	sdelay $0x4  }
0x455: {  	v54 =	vshll.u32 v3, $0x1  }
0x456: {  	v3 =	vand.u32 $0x7, v3;
	v4 =	vand.u32 $0xFFFFFFF0, v54  }
0x457: {  	v3 =	vor.u32 v3, v4  }
0x458: {  	v4 =	vperm.xlane v3, v0;
	_ =	sdelay $0x1  }
0x459: {  	v3 =	vperm.xlane v3, v2;
	v4 =	vadd.s32 v1, v4;
	_ =	sdelay $0x1  }
0x45a: {  	v3 =	vadd.s32 v1, v3;
	_ =	sdelay $0x2  }
0x45b: {  	[tilespmem:s21], [sflag:$0x3] =	stream.indirect_vreg.gather [hbm4b:s1+s3], $0x80, v4, vm0, $0xb8;
	[tilespmem:$0x18C00] =	vst v63  }
0x45c: {  	s8 =	simm.s32 $0x17400  }
0x45d: {  	[tilespmem:s8], [sflag:$0x3] =	stream.indirect_vreg.gather [hbm4b:s1+s3], $0x80, v3, vm0, $0xb8;
	[tilespmem:$0x18C00] =	vst v63  }
0x45e: {  	v3 =	vld [tilespmem:$0x5F0];
	_ =	sdelay $0x4  }
0x45f: {  	v55 =	vshll.u32 v3, $0x1  }
0x460: {  	v3 =	vand.u32 $0x7, v3;
	v4 =	vand.u32 $0xFFFFFFF0, v55  }
0x461: {  	v3 =	vor.u32 v3, v4  }
0x462: {  	v4 =	vperm.xlane v3, v0;
	_ =	sdelay $0x1  }
0x463: {  	v3 =	vperm.xlane v3, v2;
	v4 =	vadd.s32 v1, v4;
	_ =	sdelay $0x1  }
0x464: {  	v3 =	vadd.s32 v1, v3;
	_ =	sdelay $0x1  }
0x465: {  	s19 =	simm.s32 $0x17C00  }
0x466: {  	[tilespmem:s19], [sflag:$0x3] =	stream.indirect_vreg.gather [hbm4b:s1+s3], $0x80, v4, vm0, $0xb8;
	[tilespmem:$0x18C00] =	vst v63  }
0x467: {  	s21 =	simm.s32 $0x18400  }
0x468: {  	[tilespmem:s21], [sflag:$0x3] =	stream.indirect_vreg.gather [hbm4b:s1+s3], $0x80, v3, vm0, $0xb8;
	[tilespmem:$0x18C00] =	vst v63  }
0x469: {  	_ =	swait.ge [sflag:s13], $0x8000  }
0x46a: {  	[sflag:s13] =	ssyncset.done $0x0  }
0x46b: {  	s8 =	simm.s32 $0xC00;
	s4 =	rddreg [dreg:$0xd];
	[sflag:s13] =	ssyncadd.s32 $0xFFFF8000  }
0x46c: {  	[hbm4b:s4+s3] =	stream.linear.scatter [tilespmem:s8], [sflag:$0x4], $0x8000, $0x38;
	[tilespmem:$0x18C00] =	vst v63  }
0x46d: {  	_ =	swait.ge [sflag:s14], $0x8000  }
0x46e: {  	[sflag:s14] =	ssyncset.done $0x0  }
0x46f: {  	[sflag:s14] =	ssyncadd.s32 $0xFFFF8000  }
0x470: {  	v3 =	vld [tilespmem:$0x600];
	_ =	sdelay $0x4  }
0x471: {  	v56 =	vshll.u32 v3, $0x1  }
0x472: {  	v3 =	vand.u32 $0x7, v3;
	v4 =	vand.u32 $0xFFFFFFF0, v56  }
0x473: {  	v3 =	vor.u32 v3, v4  }
0x474: {  	v4 =	vperm.xlane v3, v0;
	_ =	sdelay $0x1  }
0x475: {  	v3 =	vperm.xlane v3, v2;
	v4 =	vadd.s32 v1, v4;
	_ =	sdelay $0x1  }
0x476: {  	v3 =	vadd.s32 v1, v3;
	_ =	sdelay $0x2  }
0x477: {  	[tilespmem:s8], [sflag:$0x1] =	stream.indirect_vreg.gather [hbm4b:s1+s3], $0x80, v4, vm0, $0xb8;
	[tilespmem:$0x18C00] =	vst v63  }
0x478: {  	_ = 	snop  }
0x479: {  	[tilespmem:s10], [sflag:$0x1] =	stream.indirect_vreg.gather [hbm4b:s1+s3], $0x80, v3, vm0, $0xb8;
	[tilespmem:$0x18C00] =	vst v63  }
0x47a: {  	v3 =	vld [tilespmem:$0x610];
	_ =	sdelay $0x4  }
0x47b: {  	v57 =	vshll.u32 v3, $0x1  }
0x47c: {  	v3 =	vand.u32 $0x7, v3;
	v4 =	vand.u32 $0xFFFFFFF0, v57  }
0x47d: {  	v3 =	vor.u32 v3, v4  }
0x47e: {  	v4 =	vperm.xlane v3, v0;
	_ =	sdelay $0x1  }
0x47f: {  	v3 =	vperm.xlane v3, v2;
	v4 =	vadd.s32 v1, v4;
	_ =	sdelay $0x1  }
0x480: {  	v3 =	vadd.s32 v1, v3;
	_ =	sdelay $0x1  }
0x481: {  	s19 =	simm.s32 $0x1C00  }
0x482: {  	[tilespmem:s19], [sflag:$0x1] =	stream.indirect_vreg.gather [hbm4b:s1+s3], $0x80, v4, vm0, $0xb8;
	[tilespmem:$0x18C00] =	vst v63  }
0x483: {  	s21 =	simm.s32 $0x2400  }
0x484: {  	[tilespmem:s21], [sflag:$0x1] =	stream.indirect_vreg.gather [hbm4b:s1+s3], $0x80, v3, vm0, $0xb8;
	[tilespmem:$0x18C00] =	vst v63  }
0x485: {  	v3 =	vld [tilespmem:$0x620];
	_ =	sdelay $0x4  }
0x486: {  	v58 =	vshll.u32 v3, $0x1  }
0x487: {  	v3 =	vand.u32 $0x7, v3;
	v4 =	vand.u32 $0xFFFFFFF0, v58  }
0x488: {  	v3 =	vor.u32 v3, v4  }
0x489: {  	v4 =	vperm.xlane v3, v0;
	_ =	sdelay $0x1  }
0x48a: {  	v3 =	vperm.xlane v3, v2;
	v4 =	vadd.s32 v1, v4;
	_ =	sdelay $0x1  }
0x48b: {  	v3 =	vadd.s32 v1, v3;
	_ =	sdelay $0x1  }
0x48c: {  	s8 =	simm.s32 $0x2C00  }
0x48d: {  	[tilespmem:s8], [sflag:$0x1] =	stream.indirect_vreg.gather [hbm4b:s1+s3], $0x80, v4, vm0, $0xb8;
	[tilespmem:$0x18C00] =	vst v63  }
0x48e: {  	s10 =	simm.s32 $0x3400  }
0x48f: {  	[tilespmem:s10], [sflag:$0x1] =	stream.indirect_vreg.gather [hbm4b:s1+s3], $0x80, v3, vm0, $0xb8;
	[tilespmem:$0x18C00] =	vst v63  }
0x490: {  	v3 =	vld [tilespmem:$0x630];
	_ =	sdelay $0x4  }
0x491: {  	v59 =	vshll.u32 v3, $0x1  }
0x492: {  	v3 =	vand.u32 $0x7, v3;
	v4 =	vand.u32 $0xFFFFFFF0, v59  }
0x493: {  	v3 =	vor.u32 v3, v4  }
0x494: {  	v4 =	vperm.xlane v3, v0;
	_ =	sdelay $0x1  }
0x495: {  	v3 =	vperm.xlane v3, v2;
	v4 =	vadd.s32 v1, v4;
	_ =	sdelay $0x1  }
0x496: {  	v3 =	vadd.s32 v1, v3;
	_ =	sdelay $0x1  }
0x497: {  	s19 =	simm.s32 $0x3C00  }
0x498: {  	[tilespmem:s19], [sflag:$0x1] =	stream.indirect_vreg.gather [hbm4b:s1+s3], $0x80, v4, vm0, $0xb8;
	[tilespmem:$0x18C00] =	vst v63  }
0x499: {  	s21 =	simm.s32 $0x4400  }
0x49a: {  	[tilespmem:s21], [sflag:$0x1] =	stream.indirect_vreg.gather [hbm4b:s1+s3], $0x80, v3, vm0, $0xb8;
	[tilespmem:$0x18C00] =	vst v63  }
0x49b: {  	v3 =	vld [tilespmem:$0x640];
	_ =	sdelay $0x4  }
0x49c: {  	v60 =	vshll.u32 v3, $0x1  }
0x49d: {  	v3 =	vand.u32 $0x7, v3;
	v4 =	vand.u32 $0xFFFFFFF0, v60  }
0x49e: {  	v3 =	vor.u32 v3, v4  }
0x49f: {  	v4 =	vperm.xlane v3, v0;
	_ =	sdelay $0x1  }
0x4a0: {  	v3 =	vperm.xlane v3, v2;
	v4 =	vadd.s32 v1, v4;
	_ =	sdelay $0x1  }
0x4a1: {  	v3 =	vadd.s32 v1, v3;
	_ =	sdelay $0x2  }
0x4a2: {  	[tilespmem:s29], [sflag:$0x1] =	stream.indirect_vreg.gather [hbm4b:s1+s3], $0x80, v4, vm0, $0xb8;
	[tilespmem:$0x18C00] =	vst v63  }
0x4a3: {  	_ = 	snop  }
0x4a4: {  	[tilespmem:s30], [sflag:$0x1] =	stream.indirect_vreg.gather [hbm4b:s1+s3], $0x80, v3, vm0, $0xb8;
	[tilespmem:$0x18C00] =	vst v63  }
0x4a5: {  	v3 =	vld [tilespmem:$0x650];
	_ =	sdelay $0x4  }
0x4a6: {  	v61 =	vshll.u32 v3, $0x1  }
0x4a7: {  	v3 =	vand.u32 $0x7, v3;
	v4 =	vand.u32 $0xFFFFFFF0, v61  }
0x4a8: {  	v3 =	vor.u32 v3, v4  }
0x4a9: {  	v4 =	vperm.xlane v3, v0;
	_ =	sdelay $0x1  }
0x4aa: {  	v3 =	vperm.xlane v3, v2;
	v4 =	vadd.s32 v1, v4;
	_ =	sdelay $0x1  }
0x4ab: {  	v3 =	vadd.s32 v1, v3;
	_ =	sdelay $0x1  }
0x4ac: {  	s8 =	simm.s32 $0x5C00  }
0x4ad: {  	[tilespmem:s8], [sflag:$0x1] =	stream.indirect_vreg.gather [hbm4b:s1+s3], $0x80, v4, vm0, $0xb8;
	[tilespmem:$0x18C00] =	vst v63  }
0x4ae: {  	_ = 	snop  }
0x4af: {  	[tilespmem:s31], [sflag:$0x1] =	stream.indirect_vreg.gather [hbm4b:s1+s3], $0x80, v3, vm0, $0xb8;
	[tilespmem:$0x18C00] =	vst v63  }
0x4b0: {  	v3 =	vld [tilespmem:$0x660];
	_ =	sdelay $0x4  }
0x4b1: {  	v62 =	vshll.u32 v3, $0x1  }
0x4b2: {  	v3 =	vand.u32 $0x7, v3;
	v4 =	vand.u32 $0xFFFFFFF0, v62  }
0x4b3: {  	v3 =	vor.u32 v3, v4  }
0x4b4: {  	v4 =	vperm.xlane v3, v0;
	_ =	sdelay $0x1  }
0x4b5: {  	v3 =	vperm.xlane v3, v2;
	v4 =	vadd.s32 v1, v4;
	_ =	sdelay $0x1  }
0x4b6: {  	v3 =	vadd.s32 v1, v3;
	_ =	sdelay $0x1  }
0x4b7: {  	s10 =	simm.s32 $0x6C00  }
0x4b8: {  	[tilespmem:s10], [sflag:$0x1] =	stream.indirect_vreg.gather [hbm4b:s1+s3], $0x80, v4, vm0, $0xb8;
	[tilespmem:$0x18C00] =	vst v63  }
0x4b9: {  	_ = 	snop  }
0x4ba: {  	[tilespmem:s7], [sflag:$0x1] =	stream.indirect_vreg.gather [hbm4b:s1+s3], $0x80, v3, vm0, $0xb8;
	[tilespmem:$0x18C00] =	vst v63  }
0x4bb: {  	v3 =	vld [tilespmem:$0x670];
	_ =	sdelay $0x4  }
0x4bc: {  	v63 =	vshll.u32 v3, $0x1  }
0x4bd: {  	v3 =	vand.u32 $0x7, v3;
	v4 =	vand.u32 $0xFFFFFFF0, v63  }
0x4be: {  	v3 =	vor.u32 v3, v4  }
0x4bf: {  	v4 =	vperm.xlane v3, v0;
	_ =	sdelay $0x1  }
0x4c0: {  	v3 =	vperm.xlane v3, v2;
	v4 =	vadd.s32 v1, v4;
	_ =	sdelay $0x1  }
0x4c1: {  	v3 =	vadd.s32 v1, v3;
	_ =	sdelay $0x1  }
0x4c2: {  	s7 =	simm.s32 $0x7C00  }
0x4c3: {  	[tilespmem:s7], [sflag:$0x1] =	stream.indirect_vreg.gather [hbm4b:s1+s3], $0x80, v4, vm0, $0xb8;
	[tilespmem:$0x18C00] =	vst v63  }
0x4c4: {  	_ = 	snop  }
0x4c5: {  	[tilespmem:s20], [sflag:$0x1] =	stream.indirect_vreg.gather [hbm4b:s1+s3], $0x80, v3, vm0, $0xb8;
	[tilespmem:$0x18C00] =	vst v63  }
0x4c6: {  	_ =	swait.ge [sflag:s15], $0x8000  }
0x4c7: {  	[sflag:s15] =	ssyncset.done $0x0  }
0x4c8: {  	s31 =	simm.s32 $0x8C00;
	s30 =	rddreg [dreg:$0xe];
	[sflag:s15] =	ssyncadd.s32 $0xFFFF8000  }
0x4c9: {  	[hbm4b:s30+s3] =	stream.linear.scatter [tilespmem:s31], [sflag:$0x5], $0x8000, $0x38;
	[tilespmem:$0x18C00] =	vst v63  }
0x4ca: {  	_ =	swait.ge [sflag:s16], $0x8000  }
0x4cb: {  	[sflag:s16] =	ssyncset.done $0x0  }
0x4cc: {  	[sflag:s16] =	ssyncadd.s32 $0xFFFF8000  }
0x4cd: {  	v3 =	vld [tilespmem:$0x680];
	_ =	sdelay $0x4  }
0x4ce: {  	v8 =	vshll.u32 v3, $0x1  }
0x4cf: {  	v3 =	vand.u32 $0x7, v3;
	v4 =	vand.u32 $0xFFFFFFF0, v8  }
0x4d0: {  	v3 =	vor.u32 v3, v4  }
0x4d1: {  	v4 =	vperm.xlane v3, v0;
	_ =	sdelay $0x1  }
0x4d2: {  	v3 =	vperm.xlane v3, v2;
	v4 =	vadd.s32 v1, v4;
	_ =	sdelay $0x1  }
0x4d3: {  	v3 =	vadd.s32 v1, v3;
	_ =	sdelay $0x2  }
0x4d4: {  	[tilespmem:s31], [sflag:$0x2] =	stream.indirect_vreg.gather [hbm4b:s1+s3], $0x80, v4, vm0, $0xb8;
	[tilespmem:$0x18C00] =	vst v63  }
0x4d5: {  	_ = 	snop  }
0x4d6: {  	[tilespmem:s9], [sflag:$0x2] =	stream.indirect_vreg.gather [hbm4b:s1+s3], $0x80, v3, vm0, $0xb8;
	[tilespmem:$0x18C00] =	vst v63  }
0x4d7: {  	v3 =	vld [tilespmem:$0x690];
	_ =	sdelay $0x4  }
0x4d8: {  	v9 =	vshll.u32 v3, $0x1  }
0x4d9: {  	v3 =	vand.u32 $0x7, v3;
	v4 =	vand.u32 $0xFFFFFFF0, v9  }
0x4da: {  	v3 =	vor.u32 v3, v4  }
0x4db: {  	v4 =	vperm.xlane v3, v0;
	_ =	sdelay $0x1  }
0x4dc: {  	v3 =	vperm.xlane v3, v2;
	v4 =	vadd.s32 v1, v4;
	_ =	sdelay $0x1  }
0x4dd: {  	v3 =	vadd.s32 v1, v3;
	_ =	sdelay $0x1  }
0x4de: {  	s20 =	simm.s32 $0x9C00  }
0x4df: {  	[tilespmem:s20], [sflag:$0x2] =	stream.indirect_vreg.gather [hbm4b:s1+s3], $0x80, v4, vm0, $0xb8;
	[tilespmem:$0x18C00] =	vst v63  }
0x4e0: {  	_ = 	snop  }
0x4e1: {  	[tilespmem:s12], [sflag:$0x2] =	stream.indirect_vreg.gather [hbm4b:s1+s3], $0x80, v3, vm0, $0xb8;
	[tilespmem:$0x18C00] =	vst v63  }
0x4e2: {  	v3 =	vld [tilespmem:$0x6A0];
	_ =	sdelay $0x4  }
0x4e3: {  	v10 =	vshll.u32 v3, $0x1  }
0x4e4: {  	v3 =	vand.u32 $0x7, v3;
	v4 =	vand.u32 $0xFFFFFFF0, v10  }
0x4e5: {  	v3 =	vor.u32 v3, v4  }
0x4e6: {  	v4 =	vperm.xlane v3, v0;
	_ =	sdelay $0x1  }
0x4e7: {  	v3 =	vperm.xlane v3, v2;
	v4 =	vadd.s32 v1, v4;
	_ =	sdelay $0x1  }
0x4e8: {  	v3 =	vadd.s32 v1, v3;
	_ =	sdelay $0x2  }
0x4e9: {  	[tilespmem:s22], [sflag:$0x2] =	stream.indirect_vreg.gather [hbm4b:s1+s3], $0x80, v4, vm0, $0xb8;
	[tilespmem:$0x18C00] =	vst v63  }
0x4ea: {  	s22 =	simm.s32 $0xB400  }
0x4eb: {  	[tilespmem:s22], [sflag:$0x2] =	stream.indirect_vreg.gather [hbm4b:s1+s3], $0x80, v3, vm0, $0xb8;
	[tilespmem:$0x18C00] =	vst v63  }
0x4ec: {  	v3 =	vld [tilespmem:$0x6B0];
	_ =	sdelay $0x4  }
0x4ed: {  	v11 =	vshll.u32 v3, $0x1  }
0x4ee: {  	v3 =	vand.u32 $0x7, v3;
	v4 =	vand.u32 $0xFFFFFFF0, v11  }
0x4ef: {  	v3 =	vor.u32 v3, v4  }
0x4f0: {  	v4 =	vperm.xlane v3, v0;
	_ =	sdelay $0x1  }
0x4f1: {  	v3 =	vperm.xlane v3, v2;
	v4 =	vadd.s32 v1, v4;
	_ =	sdelay $0x1  }
0x4f2: {  	v3 =	vadd.s32 v1, v3;
	_ =	sdelay $0x2  }
0x4f3: {  	[tilespmem:s23], [sflag:$0x2] =	stream.indirect_vreg.gather [hbm4b:s1+s3], $0x80, v4, vm0, $0xb8;
	[tilespmem:$0x18C00] =	vst v63  }
0x4f4: {  	s23 =	simm.s32 $0xC400  }
0x4f5: {  	[tilespmem:s23], [sflag:$0x2] =	stream.indirect_vreg.gather [hbm4b:s1+s3], $0x80, v3, vm0, $0xb8;
	[tilespmem:$0x18C00] =	vst v63  }
0x4f6: {  	v3 =	vld [tilespmem:$0x6C0];
	_ =	sdelay $0x4  }
0x4f7: {  	v12 =	vshll.u32 v3, $0x1  }
0x4f8: {  	v3 =	vand.u32 $0x7, v3;
	v4 =	vand.u32 $0xFFFFFFF0, v12  }
0x4f9: {  	v3 =	vor.u32 v3, v4  }
0x4fa: {  	v4 =	vperm.xlane v3, v0;
	_ =	sdelay $0x1  }
0x4fb: {  	v3 =	vperm.xlane v3, v2;
	v4 =	vadd.s32 v1, v4;
	_ =	sdelay $0x1  }
0x4fc: {  	v3 =	vadd.s32 v1, v3;
	_ =	sdelay $0x2  }
0x4fd: {  	[tilespmem:s24], [sflag:$0x2] =	stream.indirect_vreg.gather [hbm4b:s1+s3], $0x80, v4, vm0, $0xb8;
	[tilespmem:$0x18C00] =	vst v63  }
0x4fe: {  	s29 =	simm.s32 $0xD400  }
0x4ff: {  	[tilespmem:s29], [sflag:$0x2] =	stream.indirect_vreg.gather [hbm4b:s1+s3], $0x80, v3, vm0, $0xb8;
	[tilespmem:$0x18C00] =	vst v63  }
0x500: {  	v3 =	vld [tilespmem:$0x6D0];
	_ =	sdelay $0x4  }
0x501: {  	v13 =	vshll.u32 v3, $0x1  }
0x502: {  	v3 =	vand.u32 $0x7, v3;
	v4 =	vand.u32 $0xFFFFFFF0, v13  }
0x503: {  	v3 =	vor.u32 v3, v4  }
0x504: {  	v4 =	vperm.xlane v3, v0;
	_ =	sdelay $0x1  }
0x505: {  	v3 =	vperm.xlane v3, v2;
	v4 =	vadd.s32 v1, v4;
	_ =	sdelay $0x1  }
0x506: {  	v3 =	vadd.s32 v1, v3;
	_ =	sdelay $0x2  }
0x507: {  	[tilespmem:s25], [sflag:$0x2] =	stream.indirect_vreg.gather [hbm4b:s1+s3], $0x80, v4, vm0, $0xb8;
	[tilespmem:$0x18C00] =	vst v63  }
0x508: {  	s9 =	simm.s32 $0xE400  }
0x509: {  	[tilespmem:s9], [sflag:$0x2] =	stream.indirect_vreg.gather [hbm4b:s1+s3], $0x80, v3, vm0, $0xb8;
	[tilespmem:$0x18C00] =	vst v63  }
0x50a: {  	v3 =	vld [tilespmem:$0x6E0];
	_ =	sdelay $0x4  }
0x50b: {  	v14 =	vshll.u32 v3, $0x1  }
0x50c: {  	v3 =	vand.u32 $0x7, v3;
	v4 =	vand.u32 $0xFFFFFFF0, v14  }
0x50d: {  	v3 =	vor.u32 v3, v4  }
0x50e: {  	v4 =	vperm.xlane v3, v0;
	_ =	sdelay $0x1  }
0x50f: {  	v3 =	vperm.xlane v3, v2;
	v4 =	vadd.s32 v1, v4;
	_ =	sdelay $0x1  }
0x510: {  	v3 =	vadd.s32 v1, v3;
	_ =	sdelay $0x2  }
0x511: {  	[tilespmem:s26], [sflag:$0x2] =	stream.indirect_vreg.gather [hbm4b:s1+s3], $0x80, v4, vm0, $0xb8;
	[tilespmem:$0x18C00] =	vst v63  }
0x512: {  	s4 =	simm.s32 $0xF400  }
0x513: {  	[tilespmem:s4], [sflag:$0x2] =	stream.indirect_vreg.gather [hbm4b:s1+s3], $0x80, v3, vm0, $0xb8;
	[tilespmem:$0x18C00] =	vst v63  }
0x514: {  	v3 =	vld [tilespmem:$0x6F0];
	_ =	sdelay $0x4  }
0x515: {  	v15 =	vshll.u32 v3, $0x1  }
0x516: {  	v3 =	vand.u32 $0x7, v3;
	v4 =	vand.u32 $0xFFFFFFF0, v15  }
0x517: {  	v3 =	vor.u32 v3, v4  }
0x518: {  	v4 =	vperm.xlane v3, v0;
	_ =	sdelay $0x1  }
0x519: {  	v3 =	vperm.xlane v3, v2;
	v4 =	vadd.s32 v1, v4;
	_ =	sdelay $0x1  }
0x51a: {  	v3 =	vadd.s32 v1, v3;
	_ =	sdelay $0x2  }
0x51b: {  	[tilespmem:s28], [sflag:$0x2] =	stream.indirect_vreg.gather [hbm4b:s1+s3], $0x80, v4, vm0, $0xb8;
	[tilespmem:$0x18C00] =	vst v63  }
0x51c: {  	s30 =	simm.s32 $0x10400  }
0x51d: {  	[tilespmem:s30], [sflag:$0x2] =	stream.indirect_vreg.gather [hbm4b:s1+s3], $0x80, v3, vm0, $0xb8;
	[tilespmem:$0x18C00] =	vst v63  }
0x51e: {  	_ =	swait.ge [sflag:s18], $0x8000  }
0x51f: {  	[sflag:s18] =	ssyncset.done $0x0  }
0x520: {  	s5 =	simm.s32 $0x10C00;
	s12 =	rddreg [dreg:$0xf];
	[sflag:s18] =	ssyncadd.s32 $0xFFFF8000  }
0x521: {  	[hbm4b:s12+s3] =	stream.linear.scatter [tilespmem:s5], [sflag:$0x6], $0x8000, $0x38;
	[tilespmem:$0x18C00] =	vst v63  }
0x522: {  	_ =	swait.ge [sflag:s2], $0x8000  }
0x523: {  	[sflag:s2] =	ssyncset.done $0x0  }
0x524: {  	[sflag:s2] =	ssyncadd.s32 $0xFFFF8000  }
0x525: {  	v3 =	vld [tilespmem:$0x700];
	_ =	sdelay $0x4  }
0x526: {  	v16 =	vshll.u32 v3, $0x1  }
0x527: {  	v3 =	vand.u32 $0x7, v3;
	v4 =	vand.u32 $0xFFFFFFF0, v16  }
0x528: {  	v3 =	vor.u32 v3, v4  }
0x529: {  	v4 =	vperm.xlane v3, v0;
	_ =	sdelay $0x1  }
0x52a: {  	v3 =	vperm.xlane v3, v2;
	v4 =	vadd.s32 v1, v4;
	_ =	sdelay $0x1  }
0x52b: {  	v3 =	vadd.s32 v1, v3;
	_ =	sdelay $0x2  }
0x52c: {  	[tilespmem:s5], [sflag:$0x3] =	stream.indirect_vreg.gather [hbm4b:s1+s3], $0x80, v4, vm0, $0xb8;
	[tilespmem:$0x18C00] =	vst v63  }
0x52d: {  	s20 =	simm.s32 $0x11400  }
0x52e: {  	[tilespmem:s20], [sflag:$0x3] =	stream.indirect_vreg.gather [hbm4b:s1+s3], $0x80, v3, vm0, $0xb8;
	[tilespmem:$0x18C00] =	vst v63  }
0x52f: {  	v3 =	vld [tilespmem:$0x710];
	_ =	sdelay $0x4  }
0x530: {  	v17 =	vshll.u32 v3, $0x1  }
0x531: {  	v3 =	vand.u32 $0x7, v3;
	v4 =	vand.u32 $0xFFFFFFF0, v17  }
0x532: {  	v3 =	vor.u32 v3, v4  }
0x533: {  	v4 =	vperm.xlane v3, v0;
	_ =	sdelay $0x1  }
0x534: {  	v3 =	vperm.xlane v3, v2;
	v4 =	vadd.s32 v1, v4;
	_ =	sdelay $0x1  }
0x535: {  	v3 =	vadd.s32 v1, v3;
	_ =	sdelay $0x1  }
0x536: {  	s22 =	simm.s32 $0x11C00  }
0x537: {  	[tilespmem:s22], [sflag:$0x3] =	stream.indirect_vreg.gather [hbm4b:s1+s3], $0x80, v4, vm0, $0xb8;
	[tilespmem:$0x18C00] =	vst v63  }
0x538: {  	s23 =	simm.s32 $0x12400  }
0x539: {  	[tilespmem:s23], [sflag:$0x3] =	stream.indirect_vreg.gather [hbm4b:s1+s3], $0x80, v3, vm0, $0xb8;
	[tilespmem:$0x18C00] =	vst v63  }
0x53a: {  	v3 =	vld [tilespmem:$0x720];
	_ =	sdelay $0x4  }
0x53b: {  	v18 =	vshll.u32 v3, $0x1  }
0x53c: {  	v3 =	vand.u32 $0x7, v3;
	v4 =	vand.u32 $0xFFFFFFF0, v18  }
0x53d: {  	v3 =	vor.u32 v3, v4  }
0x53e: {  	v4 =	vperm.xlane v3, v0;
	_ =	sdelay $0x1  }
0x53f: {  	v3 =	vperm.xlane v3, v2;
	v4 =	vadd.s32 v1, v4;
	_ =	sdelay $0x1  }
0x540: {  	v3 =	vadd.s32 v1, v3;
	_ =	sdelay $0x2  }
0x541: {  	[tilespmem:s11], [sflag:$0x3] =	stream.indirect_vreg.gather [hbm4b:s1+s3], $0x80, v4, vm0, $0xb8;
	[tilespmem:$0x18C00] =	vst v63  }
0x542: {  	s24 =	simm.s32 $0x13400  }
0x543: {  	[tilespmem:s24], [sflag:$0x3] =	stream.indirect_vreg.gather [hbm4b:s1+s3], $0x80, v3, vm0, $0xb8;
	[tilespmem:$0x18C00] =	vst v63  }
0x544: {  	v3 =	vld [tilespmem:$0x730];
	_ =	sdelay $0x4  }
0x545: {  	v19 =	vshll.u32 v3, $0x1  }
0x546: {  	v3 =	vand.u32 $0x7, v3;
	v4 =	vand.u32 $0xFFFFFFF0, v19  }
0x547: {  	v3 =	vor.u32 v3, v4  }
0x548: {  	v4 =	vperm.xlane v3, v0;
	_ =	sdelay $0x1  }
0x549: {  	v3 =	vperm.xlane v3, v2;
	v4 =	vadd.s32 v1, v4;
	_ =	sdelay $0x1  }
0x54a: {  	v3 =	vadd.s32 v1, v3;
	_ =	sdelay $0x2  }
0x54b: {  	[tilespmem:s17], [sflag:$0x3] =	stream.indirect_vreg.gather [hbm4b:s1+s3], $0x80, v4, vm0, $0xb8;
	[tilespmem:$0x18C00] =	vst v63  }
0x54c: {  	s25 =	simm.s32 $0x14400  }
0x54d: {  	[tilespmem:s25], [sflag:$0x3] =	stream.indirect_vreg.gather [hbm4b:s1+s3], $0x80, v3, vm0, $0xb8;
	[tilespmem:$0x18C00] =	vst v63  }
0x54e: {  	v3 =	vld [tilespmem:$0x740];
	_ =	sdelay $0x4  }
0x54f: {  	v20 =	vshll.u32 v3, $0x1  }
0x550: {  	v3 =	vand.u32 $0x7, v3;
	v4 =	vand.u32 $0xFFFFFFF0, v20  }
0x551: {  	v3 =	vor.u32 v3, v4  }
0x552: {  	v4 =	vperm.xlane v3, v0;
	_ =	sdelay $0x1  }
0x553: {  	v3 =	vperm.xlane v3, v2;
	v4 =	vadd.s32 v1, v4;
	_ =	sdelay $0x1  }
0x554: {  	v3 =	vadd.s32 v1, v3;
	_ =	sdelay $0x2  }
0x555: {  	[tilespmem:s6], [sflag:$0x3] =	stream.indirect_vreg.gather [hbm4b:s1+s3], $0x80, v4, vm0, $0xb8;
	[tilespmem:$0x18C00] =	vst v63  }
0x556: {  	s26 =	simm.s32 $0x15400  }
0x557: {  	[tilespmem:s26], [sflag:$0x3] =	stream.indirect_vreg.gather [hbm4b:s1+s3], $0x80, v3, vm0, $0xb8;
	[tilespmem:$0x18C00] =	vst v63  }
0x558: {  	v3 =	vld [tilespmem:$0x750];
	_ =	sdelay $0x4  }
0x559: {  	v21 =	vshll.u32 v3, $0x1  }
0x55a: {  	v3 =	vand.u32 $0x7, v3;
	v4 =	vand.u32 $0xFFFFFFF0, v21  }
0x55b: {  	v3 =	vor.u32 v3, v4  }
0x55c: {  	v4 =	vperm.xlane v3, v0;
	_ =	sdelay $0x1  }
0x55d: {  	v3 =	vperm.xlane v3, v2;
	v4 =	vadd.s32 v1, v4;
	_ =	sdelay $0x1  }
0x55e: {  	v3 =	vadd.s32 v1, v3;
	_ =	sdelay $0x1  }
0x55f: {  	s28 =	simm.s32 $0x15C00  }
0x560: {  	[tilespmem:s28], [sflag:$0x3] =	stream.indirect_vreg.gather [hbm4b:s1+s3], $0x80, v4, vm0, $0xb8;
	[tilespmem:$0x18C00] =	vst v63  }
0x561: {  	s29 =	simm.s32 $0x16400  }
0x562: {  	[tilespmem:s29], [sflag:$0x3] =	stream.indirect_vreg.gather [hbm4b:s1+s3], $0x80, v3, vm0, $0xb8;
	[tilespmem:$0x18C00] =	vst v63  }
0x563: {  	v3 =	vld [tilespmem:$0x760];
	_ =	sdelay $0x4  }
0x564: {  	v22 =	vshll.u32 v3, $0x1  }
0x565: {  	v3 =	vand.u32 $0x7, v3;
	v4 =	vand.u32 $0xFFFFFFF0, v22  }
0x566: {  	v3 =	vor.u32 v3, v4  }
0x567: {  	v4 =	vperm.xlane v3, v0;
	_ =	sdelay $0x1  }
0x568: {  	v3 =	vperm.xlane v3, v2;
	v4 =	vadd.s32 v1, v4;
	_ =	sdelay $0x1  }
0x569: {  	v3 =	vadd.s32 v1, v3;
	_ =	sdelay $0x1  }
0x56a: {  	s6 =	simm.s32 $0x16C00  }
0x56b: {  	[tilespmem:s6], [sflag:$0x3] =	stream.indirect_vreg.gather [hbm4b:s1+s3], $0x80, v4, vm0, $0xb8;
	[tilespmem:$0x18C00] =	vst v63  }
0x56c: {  	s5 =	simm.s32 $0x17400  }
0x56d: {  	[tilespmem:s5], [sflag:$0x3] =	stream.indirect_vreg.gather [hbm4b:s1+s3], $0x80, v3, vm0, $0xb8;
	[tilespmem:$0x18C00] =	vst v63  }
0x56e: {  	v3 =	vld [tilespmem:$0x770];
	_ =	sdelay $0x4  }
0x56f: {  	v23 =	vshll.u32 v3, $0x1  }
0x570: {  	v3 =	vand.u32 $0x7, v3;
	v4 =	vand.u32 $0xFFFFFFF0, v23  }
0x571: {  	v3 =	vor.u32 v3, v4  }
0x572: {  	v4 =	vperm.xlane v3, v0;
	_ =	sdelay $0x1  }
0x573: {  	v3 =	vperm.xlane v3, v2;
	v4 =	vadd.s32 v1, v4;
	_ =	sdelay $0x1  }
0x574: {  	v3 =	vadd.s32 v1, v3;
	_ =	sdelay $0x1  }
0x575: {  	s11 =	simm.s32 $0x17C00  }
0x576: {  	[tilespmem:s11], [sflag:$0x3] =	stream.indirect_vreg.gather [hbm4b:s1+s3], $0x80, v4, vm0, $0xb8;
	[tilespmem:$0x18C00] =	vst v63  }
0x577: {  	s5 =	simm.s32 $0x18400  }
0x578: {  	[tilespmem:s5], [sflag:$0x3] =	stream.indirect_vreg.gather [hbm4b:s1+s3], $0x80, v3, vm0, $0xb8;
	[tilespmem:$0x18C00] =	vst v63  }
0x579: {  	_ =	swait.ge [sflag:s13], $0x8000  }
0x57a: {  	[sflag:s13] =	ssyncset.done $0x0  }
0x57b: {  	s0 =	simm.s32 $0xC00;
	s12 =	rddreg [dreg:$0x10];
	[sflag:s13] =	ssyncadd.s32 $0xFFFF8000  }
0x57c: {  	[hbm4b:s12+s3] =	stream.linear.scatter [tilespmem:s0], [sflag:$0x4], $0x8000, $0x38;
	[tilespmem:$0x18C00] =	vst v63  }
0x57d: {  	_ =	swait.ge [sflag:s14], $0x8000  }
0x57e: {  	[sflag:s14] =	ssyncset.done $0x0  }
0x57f: {  	[sflag:s14] =	ssyncadd.s32 $0xFFFF8000  }
0x580: {  	v3 =	vld [tilespmem:$0x780];
	_ =	sdelay $0x4  }
0x581: {  	v24 =	vshll.u32 v3, $0x1  }
0x582: {  	v3 =	vand.u32 $0x7, v3;
	v4 =	vand.u32 $0xFFFFFFF0, v24  }
0x583: {  	v3 =	vor.u32 v3, v4  }
0x584: {  	v4 =	vperm.xlane v3, v0;
	_ =	sdelay $0x1  }
0x585: {  	v3 =	vperm.xlane v3, v2;
	v4 =	vadd.s32 v1, v4;
	_ =	sdelay $0x1  }
0x586: {  	v3 =	vadd.s32 v1, v3;
	_ =	sdelay $0x2  }
0x587: {  	[tilespmem:s0], [sflag:$0x1] =	stream.indirect_vreg.gather [hbm4b:s1+s3], $0x80, v4, vm0, $0xb8;
	[tilespmem:$0x18C00] =	vst v63  }
0x588: {  	s11 =	simm.s32 $0x1400  }
0x589: {  	[tilespmem:s11], [sflag:$0x1] =	stream.indirect_vreg.gather [hbm4b:s1+s3], $0x80, v3, vm0, $0xb8;
	[tilespmem:$0x18C00] =	vst v63  }
0x58a: {  	v3 =	vld [tilespmem:$0x790];
	_ =	sdelay $0x4  }
0x58b: {  	v25 =	vshll.u32 v3, $0x1  }
0x58c: {  	v3 =	vand.u32 $0x7, v3;
	v4 =	vand.u32 $0xFFFFFFF0, v25  }
0x58d: {  	v3 =	vor.u32 v3, v4  }
0x58e: {  	v4 =	vperm.xlane v3, v0;
	_ =	sdelay $0x1  }
0x58f: {  	v3 =	vperm.xlane v3, v2;
	v4 =	vadd.s32 v1, v4;
	_ =	sdelay $0x1  }
0x590: {  	v3 =	vadd.s32 v1, v3;
	_ =	sdelay $0x1  }
0x591: {  	s11 =	simm.s32 $0x1C00  }
0x592: {  	[tilespmem:s11], [sflag:$0x1] =	stream.indirect_vreg.gather [hbm4b:s1+s3], $0x80, v4, vm0, $0xb8;
	[tilespmem:$0x18C00] =	vst v63  }
0x593: {  	s12 =	simm.s32 $0x2400  }
0x594: {  	[tilespmem:s12], [sflag:$0x1] =	stream.indirect_vreg.gather [hbm4b:s1+s3], $0x80, v3, vm0, $0xb8;
	[tilespmem:$0x18C00] =	vst v63  }
0x595: {  	v3 =	vld [tilespmem:$0x7A0];
	_ =	sdelay $0x4  }
0x596: {  	v26 =	vshll.u32 v3, $0x1  }
0x597: {  	v3 =	vand.u32 $0x7, v3;
	v4 =	vand.u32 $0xFFFFFFF0, v26  }
0x598: {  	v3 =	vor.u32 v3, v4  }
0x599: {  	v4 =	vperm.xlane v3, v0;
	_ =	sdelay $0x1  }
0x59a: {  	v3 =	vperm.xlane v3, v2;
	v4 =	vadd.s32 v1, v4;
	_ =	sdelay $0x1  }
0x59b: {  	v3 =	vadd.s32 v1, v3;
	_ =	sdelay $0x1  }
0x59c: {  	s12 =	simm.s32 $0x2C00  }
0x59d: {  	[tilespmem:s12], [sflag:$0x1] =	stream.indirect_vreg.gather [hbm4b:s1+s3], $0x80, v4, vm0, $0xb8;
	[tilespmem:$0x18C00] =	vst v63  }
0x59e: {  	s19 =	simm.s32 $0x3400  }
0x59f: {  	[tilespmem:s19], [sflag:$0x1] =	stream.indirect_vreg.gather [hbm4b:s1+s3], $0x80, v3, vm0, $0xb8;
	[tilespmem:$0x18C00] =	vst v63  }
0x5a0: {  	v3 =	vld [tilespmem:$0x7B0];
	_ =	sdelay $0x4  }
0x5a1: {  	v27 =	vshll.u32 v3, $0x1  }
0x5a2: {  	v3 =	vand.u32 $0x7, v3;
	v4 =	vand.u32 $0xFFFFFFF0, v27  }
0x5a3: {  	v3 =	vor.u32 v3, v4  }
0x5a4: {  	v4 =	vperm.xlane v3, v0;
	_ =	sdelay $0x1  }
0x5a5: {  	v3 =	vperm.xlane v3, v2;
	v4 =	vadd.s32 v1, v4;
	_ =	sdelay $0x1  }
0x5a6: {  	v3 =	vadd.s32 v1, v3;
	_ =	sdelay $0x1  }
0x5a7: {  	s19 =	simm.s32 $0x3C00  }
0x5a8: {  	[tilespmem:s19], [sflag:$0x1] =	stream.indirect_vreg.gather [hbm4b:s1+s3], $0x80, v4, vm0, $0xb8;
	[tilespmem:$0x18C00] =	vst v63  }
0x5a9: {  	s19 =	simm.s32 $0x4400  }
0x5aa: {  	[tilespmem:s19], [sflag:$0x1] =	stream.indirect_vreg.gather [hbm4b:s1+s3], $0x80, v3, vm0, $0xb8;
	[tilespmem:$0x18C00] =	vst v63  }
0x5ab: {  	v3 =	vld [tilespmem:$0x7C0];
	_ =	sdelay $0x4  }
0x5ac: {  	v28 =	vshll.u32 v3, $0x1  }
0x5ad: {  	v3 =	vand.u32 $0x7, v3;
	v4 =	vand.u32 $0xFFFFFFF0, v28  }
0x5ae: {  	v3 =	vor.u32 v3, v4  }
0x5af: {  	v4 =	vperm.xlane v3, v0;
	_ =	sdelay $0x1  }
0x5b0: {  	v3 =	vperm.xlane v3, v2;
	v4 =	vadd.s32 v1, v4;
	_ =	sdelay $0x1  }
0x5b1: {  	v3 =	vadd.s32 v1, v3;
	_ =	sdelay $0x1  }
0x5b2: {  	s19 =	simm.s32 $0x4C00  }
0x5b3: {  	[tilespmem:s19], [sflag:$0x1] =	stream.indirect_vreg.gather [hbm4b:s1+s3], $0x80, v4, vm0, $0xb8;
	[tilespmem:$0x18C00] =	vst v63  }
0x5b4: {  	s19 =	simm.s32 $0x5400  }
0x5b5: {  	[tilespmem:s19], [sflag:$0x1] =	stream.indirect_vreg.gather [hbm4b:s1+s3], $0x80, v3, vm0, $0xb8;
	[tilespmem:$0x18C00] =	vst v63  }
0x5b6: {  	v3 =	vld [tilespmem:$0x7D0];
	_ =	sdelay $0x4  }
0x5b7: {  	v29 =	vshll.u32 v3, $0x1  }
0x5b8: {  	v3 =	vand.u32 $0x7, v3;
	v4 =	vand.u32 $0xFFFFFFF0, v29  }
0x5b9: {  	v3 =	vor.u32 v3, v4  }
0x5ba: {  	v4 =	vperm.xlane v3, v0;
	_ =	sdelay $0x1  }
0x5bb: {  	v3 =	vperm.xlane v3, v2;
	v4 =	vadd.s32 v1, v4;
	_ =	sdelay $0x1  }
0x5bc: {  	v3 =	vadd.s32 v1, v3;
	_ =	sdelay $0x2  }
0x5bd: {  	[tilespmem:s8], [sflag:$0x1] =	stream.indirect_vreg.gather [hbm4b:s1+s3], $0x80, v4, vm0, $0xb8;
	[tilespmem:$0x18C00] =	vst v63  }
0x5be: {  	s19 =	simm.s32 $0x6400  }
0x5bf: {  	[tilespmem:s19], [sflag:$0x1] =	stream.indirect_vreg.gather [hbm4b:s1+s3], $0x80, v3, vm0, $0xb8;
	[tilespmem:$0x18C00] =	vst v63  }
0x5c0: {  	v3 =	vld [tilespmem:$0x7E0];
	_ =	sdelay $0x4  }
0x5c1: {  	v30 =	vshll.u32 v3, $0x1  }
0x5c2: {  	v3 =	vand.u32 $0x7, v3;
	v4 =	vand.u32 $0xFFFFFFF0, v30  }
0x5c3: {  	v3 =	vor.u32 v3, v4  }
0x5c4: {  	v4 =	vperm.xlane v3, v0;
	_ =	sdelay $0x1  }
0x5c5: {  	v3 =	vperm.xlane v3, v2;
	v4 =	vadd.s32 v1, v4;
	_ =	sdelay $0x1  }
0x5c6: {  	v3 =	vadd.s32 v1, v3;
	_ =	sdelay $0x2  }
0x5c7: {  	[tilespmem:s10], [sflag:$0x1] =	stream.indirect_vreg.gather [hbm4b:s1+s3], $0x80, v4, vm0, $0xb8;
	[tilespmem:$0x18C00] =	vst v63  }
0x5c8: {  	s19 =	simm.s32 $0x7400  }
0x5c9: {  	[tilespmem:s19], [sflag:$0x1] =	stream.indirect_vreg.gather [hbm4b:s1+s3], $0x80, v3, vm0, $0xb8;
	[tilespmem:$0x18C00] =	vst v63  }
0x5ca: {  	v3 =	vld [tilespmem:$0x7F0];
	_ =	sdelay $0x4  }
0x5cb: {  	v31 =	vshll.u32 v3, $0x1  }
0x5cc: {  	v3 =	vand.u32 $0x7, v3;
	v4 =	vand.u32 $0xFFFFFFF0, v31  }
0x5cd: {  	v3 =	vor.u32 v3, v4  }
0x5ce: {  	v4 =	vperm.xlane v3, v0;
	_ =	sdelay $0x1  }
0x5cf: {  	v3 =	vperm.xlane v3, v2;
	v4 =	vadd.s32 v1, v4;
	_ =	sdelay $0x1  }
0x5d0: {  	v3 =	vadd.s32 v1, v3;
	_ =	sdelay $0x2  }
0x5d1: {  	[tilespmem:s7], [sflag:$0x1] =	stream.indirect_vreg.gather [hbm4b:s1+s3], $0x80, v4, vm0, $0xb8;
	[tilespmem:$0x18C00] =	vst v63  }
0x5d2: {  	s19 =	simm.s32 $0x8400  }
0x5d3: {  	[tilespmem:s19], [sflag:$0x1] =	stream.indirect_vreg.gather [hbm4b:s1+s3], $0x80, v3, vm0, $0xb8;
	[tilespmem:$0x18C00] =	vst v63  }
0x5d4: {  	_ =	swait.ge [sflag:s15], $0x8000  }
0x5d5: {  	[sflag:s15] =	ssyncset.done $0x0  }
0x5d6: {  	s21 =	simm.s32 $0x8C00;
	s0 =	rddreg [dreg:$0x11];
	[sflag:s15] =	ssyncadd.s32 $0xFFFF8000  }
0x5d7: {  	[hbm4b:s0+s3] =	stream.linear.scatter [tilespmem:s21], [sflag:$0x5], $0x8000, $0x38;
	[tilespmem:$0x18C00] =	vst v63  }
0x5d8: {  	_ =	swait.ge [sflag:s16], $0x8000  }
0x5d9: {  	[sflag:s16] =	ssyncset.done $0x0  }
0x5da: {  	[sflag:s16] =	ssyncadd.s32 $0xFFFF8000  }
0x5db: {  	v3 =	vld [tilespmem:$0x800];
	_ =	sdelay $0x4  }
0x5dc: {  	v32 =	vshll.u32 v3, $0x1  }
0x5dd: {  	v3 =	vand.u32 $0x7, v3;
	v4 =	vand.u32 $0xFFFFFFF0, v32  }
0x5de: {  	v3 =	vor.u32 v3, v4  }
0x5df: {  	v4 =	vperm.xlane v3, v0;
	_ =	sdelay $0x1  }
0x5e0: {  	v3 =	vperm.xlane v3, v2;
	v4 =	vadd.s32 v1, v4;
	_ =	sdelay $0x1  }
0x5e1: {  	v3 =	vadd.s32 v1, v3;
	_ =	sdelay $0x2  }
0x5e2: {  	[tilespmem:s21], [sflag:$0x2] =	stream.indirect_vreg.gather [hbm4b:s1+s3], $0x80, v4, vm0, $0xb8;
	[tilespmem:$0x18C00] =	vst v63  }
0x5e3: {  	s19 =	simm.s32 $0x9400  }
0x5e4: {  	[tilespmem:s19], [sflag:$0x2] =	stream.indirect_vreg.gather [hbm4b:s1+s3], $0x80, v3, vm0, $0xb8;
	[tilespmem:$0x18C00] =	vst v63  }
0x5e5: {  	v3 =	vld [tilespmem:$0x810];
	_ =	sdelay $0x4  }
0x5e6: {  	v33 =	vshll.u32 v3, $0x1  }
0x5e7: {  	v3 =	vand.u32 $0x7, v3;
	v4 =	vand.u32 $0xFFFFFFF0, v33  }
0x5e8: {  	v3 =	vor.u32 v3, v4  }
0x5e9: {  	v4 =	vperm.xlane v3, v0;
	_ =	sdelay $0x1  }
0x5ea: {  	v3 =	vperm.xlane v3, v2;
	v4 =	vadd.s32 v1, v4;
	_ =	sdelay $0x1  }
0x5eb: {  	v3 =	vadd.s32 v1, v3;
	_ =	sdelay $0x1  }
0x5ec: {  	s31 =	simm.s32 $0x9C00  }
0x5ed: {  	[tilespmem:s31], [sflag:$0x2] =	stream.indirect_vreg.gather [hbm4b:s1+s3], $0x80, v4, vm0, $0xb8;
	[tilespmem:$0x18C00] =	vst v63  }
0x5ee: {  	s19 =	simm.s32 $0xA400  }
0x5ef: {  	[tilespmem:s19], [sflag:$0x2] =	stream.indirect_vreg.gather [hbm4b:s1+s3], $0x80, v3, vm0, $0xb8;
	[tilespmem:$0x18C00] =	vst v63  }
0x5f0: {  	v3 =	vld [tilespmem:$0x820];
	_ =	sdelay $0x4  }
0x5f1: {  	v34 =	vshll.u32 v3, $0x1  }
0x5f2: {  	v3 =	vand.u32 $0x7, v3;
	v4 =	vand.u32 $0xFFFFFFF0, v34  }
0x5f3: {  	v3 =	vor.u32 v3, v4  }
0x5f4: {  	v4 =	vperm.xlane v3, v0;
	_ =	sdelay $0x1  }
0x5f5: {  	v3 =	vperm.xlane v3, v2;
	v4 =	vadd.s32 v1, v4;
	_ =	sdelay $0x1  }
0x5f6: {  	v3 =	vadd.s32 v1, v3;
	_ =	sdelay $0x1  }
0x5f7: {  	s19 =	simm.s32 $0xAC00  }
0x5f8: {  	[tilespmem:s19], [sflag:$0x2] =	stream.indirect_vreg.gather [hbm4b:s1+s3], $0x80, v4, vm0, $0xb8;
	[tilespmem:$0x18C00] =	vst v63  }
0x5f9: {  	s19 =	simm.s32 $0xB400  }
0x5fa: {  	[tilespmem:s19], [sflag:$0x2] =	stream.indirect_vreg.gather [hbm4b:s1+s3], $0x80, v3, vm0, $0xb8;
	[tilespmem:$0x18C00] =	vst v63  }
0x5fb: {  	v3 =	vld [tilespmem:$0x830];
	_ =	sdelay $0x4  }
0x5fc: {  	v35 =	vshll.u32 v3, $0x1  }
0x5fd: {  	v3 =	vand.u32 $0x7, v3;
	v4 =	vand.u32 $0xFFFFFFF0, v35  }
0x5fe: {  	v3 =	vor.u32 v3, v4  }
0x5ff: {  	v4 =	vperm.xlane v3, v0;
	_ =	sdelay $0x1  }
0x600: {  	v3 =	vperm.xlane v3, v2;
	v4 =	vadd.s32 v1, v4;
	_ =	sdelay $0x1  }
0x601: {  	v3 =	vadd.s32 v1, v3;
	_ =	sdelay $0x1  }
0x602: {  	s19 =	simm.s32 $0xBC00  }
0x603: {  	[tilespmem:s19], [sflag:$0x2] =	stream.indirect_vreg.gather [hbm4b:s1+s3], $0x80, v4, vm0, $0xb8;
	[tilespmem:$0x18C00] =	vst v63  }
0x604: {  	s19 =	simm.s32 $0xC400  }
0x605: {  	[tilespmem:s19], [sflag:$0x2] =	stream.indirect_vreg.gather [hbm4b:s1+s3], $0x80, v3, vm0, $0xb8;
	[tilespmem:$0x18C00] =	vst v63  }
0x606: {  	v3 =	vld [tilespmem:$0x840];
	_ =	sdelay $0x4  }
0x607: {  	v36 =	vshll.u32 v3, $0x1  }
0x608: {  	v3 =	vand.u32 $0x7, v3;
	v4 =	vand.u32 $0xFFFFFFF0, v36  }
0x609: {  	v3 =	vor.u32 v3, v4  }
0x60a: {  	v4 =	vperm.xlane v3, v0;
	_ =	sdelay $0x1  }
0x60b: {  	v3 =	vperm.xlane v3, v2;
	v4 =	vadd.s32 v1, v4;
	_ =	sdelay $0x1  }
0x60c: {  	v3 =	vadd.s32 v1, v3;
	_ =	sdelay $0x1  }
0x60d: {  	s19 =	simm.s32 $0xCC00  }
0x60e: {  	[tilespmem:s19], [sflag:$0x2] =	stream.indirect_vreg.gather [hbm4b:s1+s3], $0x80, v4, vm0, $0xb8;
	[tilespmem:$0x18C00] =	vst v63  }
0x60f: {  	s19 =	simm.s32 $0xD400  }
0x610: {  	[tilespmem:s19], [sflag:$0x2] =	stream.indirect_vreg.gather [hbm4b:s1+s3], $0x80, v3, vm0, $0xb8;
	[tilespmem:$0x18C00] =	vst v63  }
0x611: {  	v3 =	vld [tilespmem:$0x850];
	_ =	sdelay $0x4  }
0x612: {  	v37 =	vshll.u32 v3, $0x1  }
0x613: {  	v3 =	vand.u32 $0x7, v3;
	v4 =	vand.u32 $0xFFFFFFF0, v37  }
0x614: {  	v3 =	vor.u32 v3, v4  }
0x615: {  	v4 =	vperm.xlane v3, v0;
	_ =	sdelay $0x1  }
0x616: {  	v3 =	vperm.xlane v3, v2;
	v4 =	vadd.s32 v1, v4;
	_ =	sdelay $0x1  }
0x617: {  	v3 =	vadd.s32 v1, v3;
	_ =	sdelay $0x1  }
0x618: {  	s19 =	simm.s32 $0xDC00  }
0x619: {  	[tilespmem:s19], [sflag:$0x2] =	stream.indirect_vreg.gather [hbm4b:s1+s3], $0x80, v4, vm0, $0xb8;
	[tilespmem:$0x18C00] =	vst v63  }
0x61a: {  	_ = 	snop  }
0x61b: {  	[tilespmem:s9], [sflag:$0x2] =	stream.indirect_vreg.gather [hbm4b:s1+s3], $0x80, v3, vm0, $0xb8;
	[tilespmem:$0x18C00] =	vst v63  }
0x61c: {  	v3 =	vld [tilespmem:$0x860];
	_ =	sdelay $0x4  }
0x61d: {  	v38 =	vshll.u32 v3, $0x1  }
0x61e: {  	v3 =	vand.u32 $0x7, v3;
	v4 =	vand.u32 $0xFFFFFFF0, v38  }
0x61f: {  	v3 =	vor.u32 v3, v4  }
0x620: {  	v4 =	vperm.xlane v3, v0;
	_ =	sdelay $0x1  }
0x621: {  	v3 =	vperm.xlane v3, v2;
	v4 =	vadd.s32 v1, v4;
	_ =	sdelay $0x1  }
0x622: {  	v3 =	vadd.s32 v1, v3;
	_ =	sdelay $0x1  }
0x623: {  	s19 =	simm.s32 $0xEC00  }
0x624: {  	[tilespmem:s19], [sflag:$0x2] =	stream.indirect_vreg.gather [hbm4b:s1+s3], $0x80, v4, vm0, $0xb8;
	[tilespmem:$0x18C00] =	vst v63  }
0x625: {  	_ = 	snop  }
0x626: {  	[tilespmem:s4], [sflag:$0x2] =	stream.indirect_vreg.gather [hbm4b:s1+s3], $0x80, v3, vm0, $0xb8;
	[tilespmem:$0x18C00] =	vst v63  }
0x627: {  	v3 =	vld [tilespmem:$0x870];
	_ =	sdelay $0x4  }
0x628: {  	v39 =	vshll.u32 v3, $0x1  }
0x629: {  	v3 =	vand.u32 $0x7, v3;
	v4 =	vand.u32 $0xFFFFFFF0, v39  }
0x62a: {  	v3 =	vor.u32 v3, v4  }
0x62b: {  	v4 =	vperm.xlane v3, v0;
	_ =	sdelay $0x1  }
0x62c: {  	v3 =	vperm.xlane v3, v2;
	v4 =	vadd.s32 v1, v4;
	_ =	sdelay $0x1  }
0x62d: {  	v3 =	vadd.s32 v1, v3;
	_ =	sdelay $0x1  }
0x62e: {  	s4 =	simm.s32 $0xFC00  }
0x62f: {  	[tilespmem:s4], [sflag:$0x2] =	stream.indirect_vreg.gather [hbm4b:s1+s3], $0x80, v4, vm0, $0xb8;
	[tilespmem:$0x18C00] =	vst v63  }
0x630: {  	s19 =	simm.s32 $0x10400  }
0x631: {  	[tilespmem:s19], [sflag:$0x2] =	stream.indirect_vreg.gather [hbm4b:s1+s3], $0x80, v3, vm0, $0xb8;
	[tilespmem:$0x18C00] =	vst v63  }
0x632: {  	_ =	swait.ge [sflag:s18], $0x8000  }
0x633: {  	[sflag:s18] =	ssyncset.done $0x0  }
0x634: {  	s4 =	simm.s32 $0x10C00;
	s0 =	rddreg [dreg:$0x12];
	[sflag:s18] =	ssyncadd.s32 $0xFFFF8000  }
0x635: {  	[hbm4b:s0+s3] =	stream.linear.scatter [tilespmem:s4], [sflag:$0x6], $0x8000, $0x38;
	[tilespmem:$0x18C00] =	vst v63  }
0x636: {  	_ =	swait.ge [sflag:s2], $0x8000  }
0x637: {  	[sflag:s2] =	ssyncset.done $0x0  }
0x638: {  	[sflag:s2] =	ssyncadd.s32 $0xFFFF8000  }
0x639: {  	v3 =	vld [tilespmem:$0x880];
	_ =	sdelay $0x4  }
0x63a: {  	v40 =	vshll.u32 v3, $0x1  }
0x63b: {  	v3 =	vand.u32 $0x7, v3;
	v4 =	vand.u32 $0xFFFFFFF0, v40  }
0x63c: {  	v3 =	vor.u32 v3, v4  }
0x63d: {  	v4 =	vperm.xlane v3, v0;
	_ =	sdelay $0x1  }
0x63e: {  	v3 =	vperm.xlane v3, v2;
	v4 =	vadd.s32 v1, v4;
	_ =	sdelay $0x1  }
0x63f: {  	v3 =	vadd.s32 v1, v3;
	_ =	sdelay $0x2  }
0x640: {  	[tilespmem:s4], [sflag:$0x3] =	stream.indirect_vreg.gather [hbm4b:s1+s3], $0x80, v4, vm0, $0xb8;
	[tilespmem:$0x18C00] =	vst v63  }
0x641: {  	s19 =	simm.s32 $0x11400  }
0x642: {  	[tilespmem:s19], [sflag:$0x3] =	stream.indirect_vreg.gather [hbm4b:s1+s3], $0x80, v3, vm0, $0xb8;
	[tilespmem:$0x18C00] =	vst v63  }
0x643: {  	v3 =	vld [tilespmem:$0x890];
	_ =	sdelay $0x4  }
0x644: {  	v41 =	vshll.u32 v3, $0x1  }
0x645: {  	v3 =	vand.u32 $0x7, v3;
	v4 =	vand.u32 $0xFFFFFFF0, v41  }
0x646: {  	v3 =	vor.u32 v3, v4  }
0x647: {  	v4 =	vperm.xlane v3, v0;
	_ =	sdelay $0x1  }
0x648: {  	v3 =	vperm.xlane v3, v2;
	v4 =	vadd.s32 v1, v4;
	_ =	sdelay $0x1  }
0x649: {  	v3 =	vadd.s32 v1, v3;
	_ =	sdelay $0x1  }
0x64a: {  	s20 =	simm.s32 $0x11C00  }
0x64b: {  	[tilespmem:s20], [sflag:$0x3] =	stream.indirect_vreg.gather [hbm4b:s1+s3], $0x80, v4, vm0, $0xb8;
	[tilespmem:$0x18C00] =	vst v63  }
0x64c: {  	s23 =	simm.s32 $0x12400  }
0x64d: {  	[tilespmem:s23], [sflag:$0x3] =	stream.indirect_vreg.gather [hbm4b:s1+s3], $0x80, v3, vm0, $0xb8;
	[tilespmem:$0x18C00] =	vst v63  }
0x64e: {  	v3 =	vld [tilespmem:$0x8A0];
	_ =	sdelay $0x4  }
0x64f: {  	v42 =	vshll.u32 v3, $0x1  }
0x650: {  	v3 =	vand.u32 $0x7, v3;
	v4 =	vand.u32 $0xFFFFFFF0, v42  }
0x651: {  	v3 =	vor.u32 v3, v4  }
0x652: {  	v4 =	vperm.xlane v3, v0;
	_ =	sdelay $0x1  }
0x653: {  	v3 =	vperm.xlane v3, v2;
	v4 =	vadd.s32 v1, v4;
	_ =	sdelay $0x1  }
0x654: {  	v3 =	vadd.s32 v1, v3;
	_ =	sdelay $0x1  }
0x655: {  	s23 =	simm.s32 $0x12C00  }
0x656: {  	[tilespmem:s23], [sflag:$0x3] =	stream.indirect_vreg.gather [hbm4b:s1+s3], $0x80, v4, vm0, $0xb8;
	[tilespmem:$0x18C00] =	vst v63  }
0x657: {  	s24 =	simm.s32 $0x13400  }
0x658: {  	[tilespmem:s24], [sflag:$0x3] =	stream.indirect_vreg.gather [hbm4b:s1+s3], $0x80, v3, vm0, $0xb8;
	[tilespmem:$0x18C00] =	vst v63  }
0x659: {  	v3 =	vld [tilespmem:$0x8B0];
	_ =	sdelay $0x4  }
0x65a: {  	v43 =	vshll.u32 v3, $0x1  }
0x65b: {  	v3 =	vand.u32 $0x7, v3;
	v4 =	vand.u32 $0xFFFFFFF0, v43  }
0x65c: {  	v3 =	vor.u32 v3, v4  }
0x65d: {  	v4 =	vperm.xlane v3, v0;
	_ =	sdelay $0x1  }
0x65e: {  	v3 =	vperm.xlane v3, v2;
	v4 =	vadd.s32 v1, v4;
	_ =	sdelay $0x1  }
0x65f: {  	v3 =	vadd.s32 v1, v3;
	_ =	sdelay $0x1  }
0x660: {  	s17 =	simm.s32 $0x13C00  }
0x661: {  	[tilespmem:s17], [sflag:$0x3] =	stream.indirect_vreg.gather [hbm4b:s1+s3], $0x80, v4, vm0, $0xb8;
	[tilespmem:$0x18C00] =	vst v63  }
0x662: {  	s25 =	simm.s32 $0x14400  }
0x663: {  	[tilespmem:s25], [sflag:$0x3] =	stream.indirect_vreg.gather [hbm4b:s1+s3], $0x80, v3, vm0, $0xb8;
	[tilespmem:$0x18C00] =	vst v63  }
0x664: {  	v3 =	vld [tilespmem:$0x8C0];
	_ =	sdelay $0x4  }
0x665: {  	v44 =	vshll.u32 v3, $0x1  }
0x666: {  	v3 =	vand.u32 $0x7, v3;
	v4 =	vand.u32 $0xFFFFFFF0, v44  }
0x667: {  	v3 =	vor.u32 v3, v4  }
0x668: {  	v4 =	vperm.xlane v3, v0;
	_ =	sdelay $0x1  }
0x669: {  	v3 =	vperm.xlane v3, v2;
	v4 =	vadd.s32 v1, v4;
	_ =	sdelay $0x1  }
0x66a: {  	v3 =	vadd.s32 v1, v3;
	_ =	sdelay $0x1  }
0x66b: {  	s30 =	simm.s32 $0x14C00  }
0x66c: {  	[tilespmem:s30], [sflag:$0x3] =	stream.indirect_vreg.gather [hbm4b:s1+s3], $0x80, v4, vm0, $0xb8;
	[tilespmem:$0x18C00] =	vst v63  }
0x66d: {  	s26 =	simm.s32 $0x15400  }
0x66e: {  	[tilespmem:s26], [sflag:$0x3] =	stream.indirect_vreg.gather [hbm4b:s1+s3], $0x80, v3, vm0, $0xb8;
	[tilespmem:$0x18C00] =	vst v63  }
0x66f: {  	v3 =	vld [tilespmem:$0x8D0];
	_ =	sdelay $0x4  }
0x670: {  	v45 =	vshll.u32 v3, $0x1  }
0x671: {  	v3 =	vand.u32 $0x7, v3;
	v4 =	vand.u32 $0xFFFFFFF0, v45  }
0x672: {  	v3 =	vor.u32 v3, v4  }
0x673: {  	v4 =	vperm.xlane v3, v0;
	_ =	sdelay $0x1  }
0x674: {  	v3 =	vperm.xlane v3, v2;
	v4 =	vadd.s32 v1, v4;
	_ =	sdelay $0x1  }
0x675: {  	v3 =	vadd.s32 v1, v3;
	_ =	sdelay $0x1  }
0x676: {  	s30 =	simm.s32 $0x15C00  }
0x677: {  	[tilespmem:s30], [sflag:$0x3] =	stream.indirect_vreg.gather [hbm4b:s1+s3], $0x80, v4, vm0, $0xb8;
	[tilespmem:$0x18C00] =	vst v63  }
0x678: {  	s28 =	simm.s32 $0x16400  }
0x679: {  	[tilespmem:s28], [sflag:$0x3] =	stream.indirect_vreg.gather [hbm4b:s1+s3], $0x80, v3, vm0, $0xb8;
	[tilespmem:$0x18C00] =	vst v63  }
0x67a: {  	v3 =	vld [tilespmem:$0x8E0];
	_ =	sdelay $0x4  }
0x67b: {  	v46 =	vshll.u32 v3, $0x1  }
0x67c: {  	v3 =	vand.u32 $0x7, v3;
	v4 =	vand.u32 $0xFFFFFFF0, v46  }
0x67d: {  	v3 =	vor.u32 v3, v4  }
0x67e: {  	v4 =	vperm.xlane v3, v0;
	_ =	sdelay $0x1  }
0x67f: {  	v3 =	vperm.xlane v3, v2;
	v4 =	vadd.s32 v1, v4;
	_ =	sdelay $0x1  }
0x680: {  	v3 =	vadd.s32 v1, v3;
	_ =	sdelay $0x2  }
0x681: {  	[tilespmem:s6], [sflag:$0x3] =	stream.indirect_vreg.gather [hbm4b:s1+s3], $0x80, v4, vm0, $0xb8;
	[tilespmem:$0x18C00] =	vst v63  }
0x682: {  	s29 =	simm.s32 $0x17400  }
0x683: {  	[tilespmem:s29], [sflag:$0x3] =	stream.indirect_vreg.gather [hbm4b:s1+s3], $0x80, v3, vm0, $0xb8;
	[tilespmem:$0x18C00] =	vst v63  }
0x684: {  	v3 =	vld [tilespmem:$0x8F0];
	_ =	sdelay $0x4  }
0x685: {  	v47 =	vshll.u32 v3, $0x1  }
0x686: {  	v3 =	vand.u32 $0x7, v3;
	v4 =	vand.u32 $0xFFFFFFF0, v47  }
0x687: {  	v3 =	vor.u32 v3, v4  }
0x688: {  	v4 =	vperm.xlane v3, v0;
	_ =	sdelay $0x1  }
0x689: {  	v3 =	vperm.xlane v3, v2;
	v4 =	vadd.s32 v1, v4;
	_ =	sdelay $0x1  }
0x68a: {  	v3 =	vadd.s32 v1, v3;
	_ =	sdelay $0x1  }
0x68b: {  	s22 =	simm.s32 $0x17C00  }
0x68c: {  	[tilespmem:s22], [sflag:$0x3] =	stream.indirect_vreg.gather [hbm4b:s1+s3], $0x80, v4, vm0, $0xb8;
	[tilespmem:$0x18C00] =	vst v63  }
0x68d: {  	_ = 	snop  }
0x68e: {  	[tilespmem:s5], [sflag:$0x3] =	stream.indirect_vreg.gather [hbm4b:s1+s3], $0x80, v3, vm0, $0xb8;
	[tilespmem:$0x18C00] =	vst v63  }
0x68f: {  	_ =	swait.ge [sflag:s13], $0x8000  }
0x690: {  	[sflag:s13] =	ssyncset.done $0x0  }
0x691: {  	s17 =	simm.s32 $0xC00;
	s6 =	rddreg [dreg:$0x13];
	[sflag:s13] =	ssyncadd.s32 $0xFFFF8000  }
0x692: {  	[hbm4b:s6+s3] =	stream.linear.scatter [tilespmem:s17], [sflag:$0x4], $0x8000, $0x38;
	[tilespmem:$0x18C00] =	vst v63  }
0x693: {  	_ =	swait.ge [sflag:s14], $0x8000  }
0x694: {  	[sflag:s14] =	ssyncset.done $0x0  }
0x695: {  	[sflag:s14] =	ssyncadd.s32 $0xFFFF8000  }
0x696: {  	v3 =	vld [tilespmem:$0x900];
	_ =	sdelay $0x4  }
0x697: {  	v48 =	vshll.u32 v3, $0x1  }
0x698: {  	v3 =	vand.u32 $0x7, v3;
	v4 =	vand.u32 $0xFFFFFFF0, v48  }
0x699: {  	v3 =	vor.u32 v3, v4  }
0x69a: {  	v4 =	vperm.xlane v3, v0;
	_ =	sdelay $0x1  }
0x69b: {  	v3 =	vperm.xlane v3, v2;
	v4 =	vadd.s32 v1, v4;
	_ =	sdelay $0x1  }
0x69c: {  	v3 =	vadd.s32 v1, v3;
	_ =	sdelay $0x2  }
0x69d: {  	[tilespmem:s17], [sflag:$0x1] =	stream.indirect_vreg.gather [hbm4b:s1+s3], $0x80, v4, vm0, $0xb8;
	[tilespmem:$0x18C00] =	vst v63  }
0x69e: {  	s19 =	simm.s32 $0x1400  }
0x69f: {  	[tilespmem:s19], [sflag:$0x1] =	stream.indirect_vreg.gather [hbm4b:s1+s3], $0x80, v3, vm0, $0xb8;
	[tilespmem:$0x18C00] =	vst v63  }
0x6a0: {  	v3 =	vld [tilespmem:$0x910];
	_ =	sdelay $0x4  }
0x6a1: {  	v49 =	vshll.u32 v3, $0x1  }
0x6a2: {  	v3 =	vand.u32 $0x7, v3;
	v4 =	vand.u32 $0xFFFFFFF0, v49  }
0x6a3: {  	v3 =	vor.u32 v3, v4  }
0x6a4: {  	v4 =	vperm.xlane v3, v0;
	_ =	sdelay $0x1  }
0x6a5: {  	v3 =	vperm.xlane v3, v2;
	v4 =	vadd.s32 v1, v4;
	_ =	sdelay $0x1  }
0x6a6: {  	v3 =	vadd.s32 v1, v3;
	_ =	sdelay $0x2  }
0x6a7: {  	[tilespmem:s11], [sflag:$0x1] =	stream.indirect_vreg.gather [hbm4b:s1+s3], $0x80, v4, vm0, $0xb8;
	[tilespmem:$0x18C00] =	vst v63  }
0x6a8: {  	s20 =	simm.s32 $0x2400  }
0x6a9: {  	[tilespmem:s20], [sflag:$0x1] =	stream.indirect_vreg.gather [hbm4b:s1+s3], $0x80, v3, vm0, $0xb8;
	[tilespmem:$0x18C00] =	vst v63  }
0x6aa: {  	v3 =	vld [tilespmem:$0x920];
	_ =	sdelay $0x4  }
0x6ab: {  	v50 =	vshll.u32 v3, $0x1  }
0x6ac: {  	v3 =	vand.u32 $0x7, v3;
	v4 =	vand.u32 $0xFFFFFFF0, v50  }
0x6ad: {  	v3 =	vor.u32 v3, v4  }
0x6ae: {  	v4 =	vperm.xlane v3, v0;
	_ =	sdelay $0x1  }
0x6af: {  	v3 =	vperm.xlane v3, v2;
	v4 =	vadd.s32 v1, v4;
	_ =	sdelay $0x1  }
0x6b0: {  	v3 =	vadd.s32 v1, v3;
	_ =	sdelay $0x2  }
0x6b1: {  	[tilespmem:s12], [sflag:$0x1] =	stream.indirect_vreg.gather [hbm4b:s1+s3], $0x80, v4, vm0, $0xb8;
	[tilespmem:$0x18C00] =	vst v63  }
0x6b2: {  	s22 =	simm.s32 $0x3400  }
0x6b3: {  	[tilespmem:s22], [sflag:$0x1] =	stream.indirect_vreg.gather [hbm4b:s1+s3], $0x80, v3, vm0, $0xb8;
	[tilespmem:$0x18C00] =	vst v63  }
0x6b4: {  	v3 =	vld [tilespmem:$0x930];
	_ =	sdelay $0x4  }
0x6b5: {  	v51 =	vshll.u32 v3, $0x1  }
0x6b6: {  	v3 =	vand.u32 $0x7, v3;
	v4 =	vand.u32 $0xFFFFFFF0, v51  }
0x6b7: {  	v3 =	vor.u32 v3, v4  }
0x6b8: {  	v4 =	vperm.xlane v3, v0;
	_ =	sdelay $0x1  }
0x6b9: {  	v3 =	vperm.xlane v3, v2;
	v4 =	vadd.s32 v1, v4;
	_ =	sdelay $0x1  }
0x6ba: {  	v3 =	vadd.s32 v1, v3;
	_ =	sdelay $0x1  }
0x6bb: {  	s23 =	simm.s32 $0x3C00  }
0x6bc: {  	[tilespmem:s23], [sflag:$0x1] =	stream.indirect_vreg.gather [hbm4b:s1+s3], $0x80, v4, vm0, $0xb8;
	[tilespmem:$0x18C00] =	vst v63  }
0x6bd: {  	s24 =	simm.s32 $0x4400  }
0x6be: {  	[tilespmem:s24], [sflag:$0x1] =	stream.indirect_vreg.gather [hbm4b:s1+s3], $0x80, v3, vm0, $0xb8;
	[tilespmem:$0x18C00] =	vst v63  }
0x6bf: {  	v3 =	vld [tilespmem:$0x940];
	_ =	sdelay $0x4  }
0x6c0: {  	v52 =	vshll.u32 v3, $0x1  }
0x6c1: {  	v3 =	vand.u32 $0x7, v3;
	v4 =	vand.u32 $0xFFFFFFF0, v52  }
0x6c2: {  	v3 =	vor.u32 v3, v4  }
0x6c3: {  	v4 =	vperm.xlane v3, v0;
	_ =	sdelay $0x1  }
0x6c4: {  	v3 =	vperm.xlane v3, v2;
	v4 =	vadd.s32 v1, v4;
	_ =	sdelay $0x1  }
0x6c5: {  	v3 =	vadd.s32 v1, v3;
	_ =	sdelay $0x1  }
0x6c6: {  	s25 =	simm.s32 $0x4C00  }
0x6c7: {  	[tilespmem:s25], [sflag:$0x1] =	stream.indirect_vreg.gather [hbm4b:s1+s3], $0x80, v4, vm0, $0xb8;
	[tilespmem:$0x18C00] =	vst v63  }
0x6c8: {  	s26 =	simm.s32 $0x5400  }
0x6c9: {  	[tilespmem:s26], [sflag:$0x1] =	stream.indirect_vreg.gather [hbm4b:s1+s3], $0x80, v3, vm0, $0xb8;
	[tilespmem:$0x18C00] =	vst v63  }
0x6ca: {  	v3 =	vld [tilespmem:$0x950];
	_ =	sdelay $0x4  }
0x6cb: {  	v53 =	vshll.u32 v3, $0x1  }
0x6cc: {  	v3 =	vand.u32 $0x7, v3;
	v4 =	vand.u32 $0xFFFFFFF0, v53  }
0x6cd: {  	v3 =	vor.u32 v3, v4  }
0x6ce: {  	v4 =	vperm.xlane v3, v0;
	_ =	sdelay $0x1  }
0x6cf: {  	v3 =	vperm.xlane v3, v2;
	v4 =	vadd.s32 v1, v4;
	_ =	sdelay $0x1  }
0x6d0: {  	v3 =	vadd.s32 v1, v3;
	_ =	sdelay $0x1  }
0x6d1: {  	s8 =	simm.s32 $0x5C00  }
0x6d2: {  	[tilespmem:s8], [sflag:$0x1] =	stream.indirect_vreg.gather [hbm4b:s1+s3], $0x80, v4, vm0, $0xb8;
	[tilespmem:$0x18C00] =	vst v63  }
0x6d3: {  	s28 =	simm.s32 $0x6400  }
0x6d4: {  	[tilespmem:s28], [sflag:$0x1] =	stream.indirect_vreg.gather [hbm4b:s1+s3], $0x80, v3, vm0, $0xb8;
	[tilespmem:$0x18C00] =	vst v63  }
0x6d5: {  	v3 =	vld [tilespmem:$0x960];
	_ =	sdelay $0x4  }
0x6d6: {  	v54 =	vshll.u32 v3, $0x1  }
0x6d7: {  	v3 =	vand.u32 $0x7, v3;
	v4 =	vand.u32 $0xFFFFFFF0, v54  }
0x6d8: {  	v3 =	vor.u32 v3, v4  }
0x6d9: {  	v4 =	vperm.xlane v3, v0;
	_ =	sdelay $0x1  }
0x6da: {  	v3 =	vperm.xlane v3, v2;
	v4 =	vadd.s32 v1, v4;
	_ =	sdelay $0x1  }
0x6db: {  	v3 =	vadd.s32 v1, v3;
	_ =	sdelay $0x1  }
0x6dc: {  	s10 =	simm.s32 $0x6C00  }
0x6dd: {  	[tilespmem:s10], [sflag:$0x1] =	stream.indirect_vreg.gather [hbm4b:s1+s3], $0x80, v4, vm0, $0xb8;
	[tilespmem:$0x18C00] =	vst v63  }
0x6de: {  	s29 =	simm.s32 $0x7400  }
0x6df: {  	[tilespmem:s29], [sflag:$0x1] =	stream.indirect_vreg.gather [hbm4b:s1+s3], $0x80, v3, vm0, $0xb8;
	[tilespmem:$0x18C00] =	vst v63  }
0x6e0: {  	v3 =	vld [tilespmem:$0x970];
	_ =	sdelay $0x4  }
0x6e1: {  	v55 =	vshll.u32 v3, $0x1  }
0x6e2: {  	v3 =	vand.u32 $0x7, v3;
	v4 =	vand.u32 $0xFFFFFFF0, v55  }
0x6e3: {  	v3 =	vor.u32 v3, v4  }
0x6e4: {  	v4 =	vperm.xlane v3, v0;
	_ =	sdelay $0x1  }
0x6e5: {  	v3 =	vperm.xlane v3, v2;
	v4 =	vadd.s32 v1, v4;
	_ =	sdelay $0x1  }
0x6e6: {  	v3 =	vadd.s32 v1, v3;
	_ =	sdelay $0x1  }
0x6e7: {  	s7 =	simm.s32 $0x7C00  }
0x6e8: {  	[tilespmem:s7], [sflag:$0x1] =	stream.indirect_vreg.gather [hbm4b:s1+s3], $0x80, v4, vm0, $0xb8;
	[tilespmem:$0x18C00] =	vst v63  }
0x6e9: {  	s30 =	simm.s32 $0x8400  }
0x6ea: {  	[tilespmem:s30], [sflag:$0x1] =	stream.indirect_vreg.gather [hbm4b:s1+s3], $0x80, v3, vm0, $0xb8;
	[tilespmem:$0x18C00] =	vst v63  }
0x6eb: {  	_ =	swait.ge [sflag:s15], $0x8000  }
0x6ec: {  	[sflag:s15] =	ssyncset.done $0x0  }
0x6ed: {  	s6 =	rddreg [dreg:$0x14];
	[sflag:s15] =	ssyncadd.s32 $0xFFFF8000  }
0x6ee: {  	[hbm4b:s6+s3] =	stream.linear.scatter [tilespmem:s21], [sflag:$0x5], $0x8000, $0x38;
	[tilespmem:$0x18C00] =	vst v63  }
0x6ef: {  	_ =	swait.ge [sflag:s16], $0x8000  }
0x6f0: {  	[sflag:s16] =	ssyncset.done $0x0  }
0x6f1: {  	[sflag:s16] =	ssyncadd.s32 $0xFFFF8000  }
0x6f2: {  	v3 =	vld [tilespmem:$0x980];
	_ =	sdelay $0x4  }
0x6f3: {  	v56 =	vshll.u32 v3, $0x1  }
0x6f4: {  	v3 =	vand.u32 $0x7, v3;
	v4 =	vand.u32 $0xFFFFFFF0, v56  }
0x6f5: {  	v3 =	vor.u32 v3, v4  }
0x6f6: {  	v4 =	vperm.xlane v3, v0;
	_ =	sdelay $0x1  }
0x6f7: {  	v3 =	vperm.xlane v3, v2;
	v4 =	vadd.s32 v1, v4;
	_ =	sdelay $0x1  }
0x6f8: {  	v3 =	vadd.s32 v1, v3;
	_ =	sdelay $0x2  }
0x6f9: {  	[tilespmem:s21], [sflag:$0x2] =	stream.indirect_vreg.gather [hbm4b:s1+s3], $0x80, v4, vm0, $0xb8;
	[tilespmem:$0x18C00] =	vst v63  }
0x6fa: {  	s7 =	simm.s32 $0x9400  }
0x6fb: {  	[tilespmem:s7], [sflag:$0x2] =	stream.indirect_vreg.gather [hbm4b:s1+s3], $0x80, v3, vm0, $0xb8;
	[tilespmem:$0x18C00] =	vst v63  }
0x6fc: {  	v3 =	vld [tilespmem:$0x990];
	_ =	sdelay $0x4  }
0x6fd: {  	v57 =	vshll.u32 v3, $0x1  }
0x6fe: {  	v3 =	vand.u32 $0x7, v3;
	v4 =	vand.u32 $0xFFFFFFF0, v57  }
0x6ff: {  	v3 =	vor.u32 v3, v4  }
0x700: {  	v4 =	vperm.xlane v3, v0;
	_ =	sdelay $0x1  }
0x701: {  	v3 =	vperm.xlane v3, v2;
	v4 =	vadd.s32 v1, v4;
	_ =	sdelay $0x1  }
0x702: {  	v3 =	vadd.s32 v1, v3;
	_ =	sdelay $0x1  }
0x703: {  	s31 =	simm.s32 $0x9C00  }
0x704: {  	[tilespmem:s31], [sflag:$0x2] =	stream.indirect_vreg.gather [hbm4b:s1+s3], $0x80, v4, vm0, $0xb8;
	[tilespmem:$0x18C00] =	vst v63  }
0x705: {  	s8 =	simm.s32 $0xA400  }
0x706: {  	[tilespmem:s8], [sflag:$0x2] =	stream.indirect_vreg.gather [hbm4b:s1+s3], $0x80, v3, vm0, $0xb8;
	[tilespmem:$0x18C00] =	vst v63  }
0x707: {  	v3 =	vld [tilespmem:$0x9A0];
	_ =	sdelay $0x4  }
0x708: {  	v58 =	vshll.u32 v3, $0x1  }
0x709: {  	v3 =	vand.u32 $0x7, v3;
	v4 =	vand.u32 $0xFFFFFFF0, v58  }
0x70a: {  	v3 =	vor.u32 v3, v4  }
0x70b: {  	v4 =	vperm.xlane v3, v0;
	_ =	sdelay $0x1  }
0x70c: {  	v3 =	vperm.xlane v3, v2;
	v4 =	vadd.s32 v1, v4;
	_ =	sdelay $0x1  }
0x70d: {  	v3 =	vadd.s32 v1, v3;
	_ =	sdelay $0x1  }
0x70e: {  	s10 =	simm.s32 $0xAC00  }
0x70f: {  	[tilespmem:s10], [sflag:$0x2] =	stream.indirect_vreg.gather [hbm4b:s1+s3], $0x80, v4, vm0, $0xb8;
	[tilespmem:$0x18C00] =	vst v63  }
0x710: {  	s12 =	simm.s32 $0xB400  }
0x711: {  	[tilespmem:s12], [sflag:$0x2] =	stream.indirect_vreg.gather [hbm4b:s1+s3], $0x80, v3, vm0, $0xb8;
	[tilespmem:$0x18C00] =	vst v63  }
0x712: {  	v3 =	vld [tilespmem:$0x9B0];
	_ =	sdelay $0x4  }
0x713: {  	v59 =	vshll.u32 v3, $0x1  }
0x714: {  	v3 =	vand.u32 $0x7, v3;
	v4 =	vand.u32 $0xFFFFFFF0, v59  }
0x715: {  	v3 =	vor.u32 v3, v4  }
0x716: {  	v4 =	vperm.xlane v3, v0;
	_ =	sdelay $0x1  }
0x717: {  	v3 =	vperm.xlane v3, v2;
	v4 =	vadd.s32 v1, v4;
	_ =	sdelay $0x1  }
0x718: {  	v3 =	vadd.s32 v1, v3;
	_ =	sdelay $0x1  }
0x719: {  	s17 =	simm.s32 $0xBC00  }
0x71a: {  	[tilespmem:s17], [sflag:$0x2] =	stream.indirect_vreg.gather [hbm4b:s1+s3], $0x80, v4, vm0, $0xb8;
	[tilespmem:$0x18C00] =	vst v63  }
0x71b: {  	s19 =	simm.s32 $0xC400  }
0x71c: {  	[tilespmem:s19], [sflag:$0x2] =	stream.indirect_vreg.gather [hbm4b:s1+s3], $0x80, v3, vm0, $0xb8;
	[tilespmem:$0x18C00] =	vst v63  }
0x71d: {  	v3 =	vld [tilespmem:$0x9C0];
	_ =	sdelay $0x4  }
0x71e: {  	v60 =	vshll.u32 v3, $0x1  }
0x71f: {  	v3 =	vand.u32 $0x7, v3;
	v4 =	vand.u32 $0xFFFFFFF0, v60  }
0x720: {  	v3 =	vor.u32 v3, v4  }
0x721: {  	v4 =	vperm.xlane v3, v0;
	_ =	sdelay $0x1  }
0x722: {  	v3 =	vperm.xlane v3, v2;
	v4 =	vadd.s32 v1, v4;
	_ =	sdelay $0x1  }
0x723: {  	v3 =	vadd.s32 v1, v3;
	_ =	sdelay $0x1  }
0x724: {  	s20 =	simm.s32 $0xCC00  }
0x725: {  	[tilespmem:s20], [sflag:$0x2] =	stream.indirect_vreg.gather [hbm4b:s1+s3], $0x80, v4, vm0, $0xb8;
	[tilespmem:$0x18C00] =	vst v63  }
0x726: {  	s22 =	simm.s32 $0xD400  }
0x727: {  	[tilespmem:s22], [sflag:$0x2] =	stream.indirect_vreg.gather [hbm4b:s1+s3], $0x80, v3, vm0, $0xb8;
	[tilespmem:$0x18C00] =	vst v63  }
0x728: {  	v3 =	vld [tilespmem:$0x9D0];
	_ =	sdelay $0x4  }
0x729: {  	v61 =	vshll.u32 v3, $0x1  }
0x72a: {  	v3 =	vand.u32 $0x7, v3;
	v4 =	vand.u32 $0xFFFFFFF0, v61  }
0x72b: {  	v3 =	vor.u32 v3, v4  }
0x72c: {  	v4 =	vperm.xlane v3, v0;
	_ =	sdelay $0x1  }
0x72d: {  	v3 =	vperm.xlane v3, v2;
	v4 =	vadd.s32 v1, v4;
	_ =	sdelay $0x1  }
0x72e: {  	v3 =	vadd.s32 v1, v3;
	_ =	sdelay $0x1  }
0x72f: {  	s23 =	simm.s32 $0xDC00  }
0x730: {  	[tilespmem:s23], [sflag:$0x2] =	stream.indirect_vreg.gather [hbm4b:s1+s3], $0x80, v4, vm0, $0xb8;
	[tilespmem:$0x18C00] =	vst v63  }
0x731: {  	s9 =	simm.s32 $0xE400  }
0x732: {  	[tilespmem:s9], [sflag:$0x2] =	stream.indirect_vreg.gather [hbm4b:s1+s3], $0x80, v3, vm0, $0xb8;
	[tilespmem:$0x18C00] =	vst v63  }
0x733: {  	v3 =	vld [tilespmem:$0x9E0];
	_ =	sdelay $0x4  }
0x734: {  	v62 =	vshll.u32 v3, $0x1  }
0x735: {  	v3 =	vand.u32 $0x7, v3;
	v4 =	vand.u32 $0xFFFFFFF0, v62  }
0x736: {  	v3 =	vor.u32 v3, v4  }
0x737: {  	v4 =	vperm.xlane v3, v0;
	_ =	sdelay $0x1  }
0x738: {  	v3 =	vperm.xlane v3, v2;
	v4 =	vadd.s32 v1, v4;
	_ =	sdelay $0x1  }
0x739: {  	v3 =	vadd.s32 v1, v3;
	_ =	sdelay $0x1  }
0x73a: {  	s24 =	simm.s32 $0xEC00  }
0x73b: {  	[tilespmem:s24], [sflag:$0x2] =	stream.indirect_vreg.gather [hbm4b:s1+s3], $0x80, v4, vm0, $0xb8;
	[tilespmem:$0x18C00] =	vst v63  }
0x73c: {  	s25 =	simm.s32 $0xF400  }
0x73d: {  	[tilespmem:s25], [sflag:$0x2] =	stream.indirect_vreg.gather [hbm4b:s1+s3], $0x80, v3, vm0, $0xb8;
	[tilespmem:$0x18C00] =	vst v63  }
0x73e: {  	v3 =	vld [tilespmem:$0x9F0];
	_ =	sdelay $0x4  }
0x73f: {  	v63 =	vshll.u32 v3, $0x1  }
0x740: {  	v3 =	vand.u32 $0x7, v3;
	v4 =	vand.u32 $0xFFFFFFF0, v63  }
0x741: {  	v3 =	vor.u32 v3, v4  }
0x742: {  	v4 =	vperm.xlane v3, v0;
	_ =	sdelay $0x1  }
0x743: {  	v3 =	vperm.xlane v3, v2;
	v4 =	vadd.s32 v1, v4;
	_ =	sdelay $0x1  }
0x744: {  	v3 =	vadd.s32 v1, v3;
	_ =	sdelay $0x1  }
0x745: {  	s26 =	simm.s32 $0xFC00  }
0x746: {  	[tilespmem:s26], [sflag:$0x2] =	stream.indirect_vreg.gather [hbm4b:s1+s3], $0x80, v4, vm0, $0xb8;
	[tilespmem:$0x18C00] =	vst v63  }
0x747: {  	s28 =	simm.s32 $0x10400  }
0x748: {  	[tilespmem:s28], [sflag:$0x2] =	stream.indirect_vreg.gather [hbm4b:s1+s3], $0x80, v3, vm0, $0xb8;
	[tilespmem:$0x18C00] =	vst v63  }
0x749: {  	s11 =	rddreg [dreg:$0x19];
	_ =	swait.ge [sflag:s18], $0x8000  }
0x74a: {  	[sflag:s18] =	ssyncset.done $0x0  }
0x74b: {  	s4 =	simm.s32 $0x10C00;
	s29 =	rddreg [dreg:$0x15];
	[sflag:s18] =	ssyncadd.s32 $0xFFFF8000  }
0x74c: {  	[hbm4b:s29+s3] =	stream.linear.scatter [tilespmem:s4], [sflag:$0x6], $0x8000, $0x38;
	[tilespmem:$0x18C00] =	vst v63  }
0x74d: {  	_ =	swait.ge [sflag:s13], $0x8000  }
0x74e: {  	[sflag:s13] =	ssyncset.done $0x0  }
0x74f: {  	s5 =	simm.s32 $0xC00;
	s30 =	rddreg [dreg:$0x16];
	[sflag:s13] =	ssyncadd.s32 $0xFFFF8000  }
0x750: {  	[hbm4b:s30+s3] =	stream.linear.scatter [tilespmem:s5], [sflag:$0x4], $0x8000, $0x38;
	[tilespmem:$0x18C00] =	vst v63  }
0x751: {  	_ =	swait.ge [sflag:s15], $0x8000  }
0x752: {  	[sflag:s15] =	ssyncset.done $0x0  }
0x753: {  	s31 =	rddreg [dreg:$0x17];
	[sflag:s15] =	ssyncadd.s32 $0xFFFF8000  }
0x754: {  	[hbm4b:s31+s3] =	stream.linear.scatter [tilespmem:s21], [sflag:$0x5], $0x8000, $0x38;
	[tilespmem:$0x18C00] =	vst v63  }
0x755: {  	_ =	swait.ge [sflag:s2], $0x8000  }
0x756: {  	[sflag:s2] =	ssyncset.done $0x0  }
0x757: {  	[sflag:s2] =	ssyncadd.s32 $0xFFFF8000  }
0x758: {  	p0 =	sne.s32 s11, $0x1;
	_ =	swait.ge [sflag:s14], $0x8000  }
.Ltmp0:
0x759: {  	[sflag:s14] =	ssyncset.done $0x0;
	(pc) =	sbr.rel @p0 .LBB2_1-.Ltmp0, $4  }
0x75a: {  	[sflag:s14] =	ssyncadd.s32 $0xFFFF8000  }
0x75b: {  	_ =	swait.ge [sflag:s16], $0x8000  }
0x75c: {  	[sflag:s16] =	ssyncset.done $0x0  }
0x75d: {  	s0 =	sadd.s32 $0xFFFFFFFF, s11;
	[sflag:s16] =	ssyncadd.s32 $0xFFFF8000  }
0x75e: {  	_ =	sfence.sel $0x180000  }
0x75f: {  	[bflag:$0x0] =	sbarrier.arrive $0xFFFF  }
0x760: {  	_ =	strace $0x90000047  }
0x761: {  	s0 =	stileid.u32;
	[bflag:$0x2] =	sbarrier.arrive $0xFFFF  }
0x762: {  	p0 =	sne.s32 s0, $0x0;
	s0 =	rddreg [dreg:$0x3]  }
0x763: {  	s0 =	sadd.s32 @!p0 $0x100000, s0  }
0x764: {  	[sflag:s0] =	ssyncadd.tile.s32 @!p0 $0x1;
	_ =	shalt  }
.Lfunc_end2:
_tile_overlayer_lowered:
.L_overlay_start_2:
0x765: {  	(tag) =	ssettag $0x2  }
0x766: {  	s0 =	rddreg [dreg:$0x0];
	s2 =	stileid.u32  }
0x767: {  	s1 =	rddreg [dreg:$0x1];
	p0 =	sne.s32 s2, $0x0  }
0x768: {  	s3 =	rddreg [dreg:$0x2];
	[bflag:$0x3] =	sbarrier.arrive $0xFFFF;
	s2 =	simm.s32 @!p0 $0x1C07  }
0x769: {  	[timem:s3], [sflag:s2] =	dma.local @!p0 [hbm:s0], s1  }
0x76a: {  	s0 =	simm.s32 @!p0 $0x7  }
0x76b: {  	_ =	swait.ge @!p0 [sflag:s0], s1  }
0x76c: {  	s1 =	ssub.s32 @!p0 $0x0, s1;
	[sflag:s0] =	ssyncset.done @!p0 $0x0  }
0x76d: {  	[sflag:s0] =	ssyncadd.s32 @!p0 s1  }
0x76e: {  	[bflag:$0x3] =	sbarrier.arrive $0xFFFF  }
0x76f: {  	_ =	shalt  }

// kernel: sparse-core-data-format-call.cloned.1.call-start
scs
called_computation_lowered:
.L_overlay_start_0:
0x0: {  	s2 =	sld [smem:$0x3FD9]  }
0x1: {  	s3 =	sld [smem:$0x3FFE];
	_ =	sdelay $0x1  }
0x2: {  	s1 =	srdreg.scid  }
0x3: {  	s0 =	sand.u32 $0x1, s1  }
0x4: {  	s15 =	sshll.u32 s0, $0xA;
	s2 =	sadd.s32 s3, s2  }
0x5: {  	s2 =	sadd.s32 s2, s15  }
0x6: {  	[smem:$0x3FC6] =	sst s2  }
0x7: {  	_ = 	snop  }
0x8: {  	s2 =	sld [smem:$0x3FD0];
	_ =	sdelay $0x2  }
0x9: {  	s16 =	simm.s32 $0xA;
	s4 =	simm.s32 $0x10  }
0xa: {  	[smem:s4], [sflag:s16] =	dma.local [hbm:s2], $0x1  }
0xb: {  	_ =	swait.eq [sflag:s16], $0x1  }
0xc: {  	[sflag:s16] =	ssyncset.done $0x0  }
0xd: {  	[sflag:s16] =	ssyncadd.s32 $0xFFFFFFFF  }
0xe: {  	s17 =	sld [smem:$0x10];
	(tm) =	ssettm $0x1  }
0xf: {  	s18 =	sld [smem:$0x3FFB];
	_ =	sdelay $0x3  }
0x10: {  	_ =	strace s18  }
0x11: {  	s3 =	sld [smem:$0x3FFC];
	_ =	sdelay $0x3  }
0x12: {  	_ =	strace s3  }
0x13: {  	s3 =	sld [smem:$0x3FFD];
	_ =	sdelay $0x3  }
0x14: {  	_ =	strace s3  }
0x15: {  	_ =	strace $0x8FFFFFFF  }
0x16: {  	s19 =	sld [smem:$0x3FDB];
	_ =	sdelay $0x1  }
0x17: {  	s20 =	simm.s32 $_scs_section_size  }
0x18: {  	s5 =	simm.s32 $_size__tile_overlayer_lowered;
	s6 =	simm.s32 $_tile_overlayer_lowered  }
0x19: {  	s23 =	simm.s32 $0x1BFF;
	s22 =	sshll.u32 s6, $0x1;
	s3 =	sadd.s32 s20, s19  }
0x1a: {  	s7 =	simm.s32 $0x0;
	s21 =	sshll.u32 s5, $0x1;
	s5 =	sadd.s32 s22, s3  }
0x1b: {  	[timem:s7], [sflag:s23] =	dma.local [hbm:s5], s21  }
0x1c: {  	_ =	swait.ge [sflag:s23], s21  }
0x1d: {  	s4 =	ssub.s32 $0x0, s21;
	[sflag:s23] =	ssyncset.done $0x0  }
0x1e: {  	[sflag:s23] =	ssyncadd.s32 s4;
	_ =	sdelay $0x1  }
0x1f: {  	s24 =	simm.s32 $0x1B8B  }
0x20: {  	_ =	swait.ge [sflag:s24], $0x1  }
0x21: {  	[sflag:s24] =	ssyncset.done $0x0  }
0x22: {  	s26 =	simm.s32 $0x1B8E;
	s25 =	sld [smem:$0x3FFE];
	[sflag:s24] =	ssyncadd.s32 $0xFFFFFFFF  }
0x23: {  	s27 =	simm.s32 $execute0_lowered;
	[smem:$0x3FD2] =	sst s26  }
0x24: {  	s5 =	sshll.u32 s27, $0x1;
	_ =	strace $0x80000049;
	[dreg:$0x1] =	wrdreg $0xFFFFFFFF  }
0x25: {  	s28 =	simm.s32 $_size_execute0_lowered;
	s3 =	sadd.s32 s3, s5;
	[dreg:$0x0] =	wrdreg $0x0  }
0x26: {  	s5 =	sshll.u32 s28, $0x1;
	[dreg:$0x2] =	wrdreg s3  }
0x27: {  	[dreg:$0x3] =	wrdreg s5  }
0x28: {  	[dreg:$0x4] =	wrdreg $0xC0  }
0x29: {  	_ =	task [dreg:s7], $0x5FFFF  }
0x2a: {  	[dreg:$0x1] =	wrdreg $0xFFFFFFFF  }
0x2b: {  	[dreg:$0x0] =	wrdreg $0x60  }
0x2c: {  	[dreg:$0x2] =	wrdreg s25  }
0x2d: {  	[dreg:$0x3] =	wrdreg s17  }
0x2e: {  	[dreg:$0x4] =	wrdreg $0x9  }
0x2f: {  	_ =	task.clear_ibuf [dreg:s7], $0x5FFFF;
	_ =	strace $0x90000049  }
0x30: {  	s29 =	simm.s32 $0x9;
	_ =	strace $0x8000004B  }
0x31: {  	_ =	swait.ge [sflag:s29], $0x1  }
0x32: {  	[sflag:s29] =	ssyncadd.s32 $0xFFFFFFFF  }
0x33: {  	_ =	strace $0x9000004B  }
0x34: {  	_ =	sfence  }
0x35: {  	s30 =	sld [smem:$0x0];
	_ =	sdelay $0x2  }
0x36: {  	s31 =	sshll.u32 s1, $0xD;
	s1 =	sshrl.u32 s1, $0x2  }
0x37: {  	s3 =	sand.u32 $0x4000, s31;
	s1 =	sadd.s32 s1, s30  }
0x38: {  	s0 =	sor.u32 s3, s0;
	s1 =	sshll.u32 s1, $0x11  }
0x39: {  	s0 =	sor.u32 s1, s0  }
0x3a: {  	s0 =	sadd.s32 $0x8F2B, s0  }
0x3b: {  	[sflag:s0] =	ssyncadd.remote.s32 $0x1  }
0x3c: {  	_ =	sfence.sel $0xFFFF  }
0x3d: {  	[dreg:$0x0] =	wrdreg $0xFFFFFFFF;
	(pc) =	sbr.abs _section_cstart, $3  }
0x3e: {  	[dreg:$0x1] =	wrdreg $0xFFFFFFFF  }
0x3f: {  	_ =	task.clear_ibuf [dreg:s7], $0x2FFFF;
	_ =	strace $0x9FFFFFFF  }
0x40: {  	(tm) =	ssettm $0x7FFFFFFF  }
0x41: {  	_ =	shalt  }
tec
execute0_lowered:
.L_overlay_start_1:
0x0: {  	(tag) =	ssettag $0x1  }
0x1: {  	s0 =	srdreg.scid  }
0x2: {  	s1 =	sshll.u32 s0, $0x4  }
0x3: {  	s6 =	rddreg [dreg:$0x0];
	s0 =	stileid.u32;
	s1 =	sand.u32 $0x10, s1  }
0x4: {  	s3 =	rddreg [dreg:$0x1];
	s1 =	sor.u32 s0, s1  }
0x5: {  	s5 =	simm.s32 $0x1;
	s31 =	simm.s32 $0x2;
	s2 =	sshll.u32 s1, $0x7  }
0x6: {  	s14 =	simm.s32 $0x0;
	s8 =	simm.s32 $0x800;
	s4 =	ssub.s32 $0x4000, s2  }
0x7: {  	s9 =	simm.s32 $0x0;
	s15 =	simm.s32 $0x0;
	s30 =	sand.u32 $0xF80, s4  }
0x8: {  	s16 =	simm.s32 $0x0;
	s10 =	simm.s32 $0x0;
	p0 =	sne.s32 s30, $0x0  }
.Ltmp0:
0x9: {  	s7 =	sshrl.u32 s4, $0xC;
	s5 =	simm.s32 @!p0 $0x0;
	(pc) =	sbr.rel .LBB1_1-.Ltmp0, $4  }
0xa: {  	s11 =	simm.s32 $0x0;
	s1 =	rddreg [dreg:$0x2];
	s5 =	sadd.s32 s5, s7  }
0xb: {  	_ =	strace $0x8000004A;
	s4 =	simm.s32 $0x1;
	s5 =	smul.u32 $0xA, s5  }
0xc: {  	s13 =	simm.s32 $0x0;
	s6 =	sadd.s32 $0x1000, s6;
	[sflag:s4] =	ssyncpa.u1 $0x0  }
0xd: {  	s12 =	smov.u32 s2;
	[sflag:s31] =	ssyncpa.u1 $0x0;
	s7 =	sor.u32 $0x1, s5  }
.LBB1_4:
0xe: {  	_ =	sdelay $0x3  }
0xf: {  	[tilespmem:v0+s19+$0xFFFFFFD0 ss:$0x1] =	vst.idx.msk $0xffff, v6  }
0x10: {  	v56 =	vld.idx.msk [tilespmem:v1+s18+$0x0 ss:$0x1], $0xffff;
	[tilespmem:v0+s19+$0xFFFFFFE0 ss:$0x1] =	vst.idx.msk $0xffff, v4  }
0x11: {  	v57 =	vld.idx.msk [tilespmem:v1+s18+$0xFFFFFF90 ss:$0x1], $0xffff;
	[tilespmem:v0+s19+$0xFFFFFFF0 ss:$0x1] =	vst.idx.msk $0xffff, v2  }
0x12: {  	v58 =	vld.idx.msk [tilespmem:v1+s18+$0xFFFFFFA0 ss:$0x1], $0xffff;
	[tilespmem:v0+s19+$0x0 ss:$0x1] =	vst.idx.msk $0xffff, v3  }
0x13: {  	v59 =	vld.idx.msk [tilespmem:v1+s18+$0xFFFFFFB0 ss:$0x1], $0xffff;
	[tilespmem:v0+s19+$0x10 ss:$0x1] =	vst.idx.msk $0xffff, v5  }
0x14: {  	v60 =	vld.idx.msk [tilespmem:v1+s18+$0xFFFFFFC0 ss:$0x1], $0xffff;
	[tilespmem:v0+s19+$0x20 ss:$0x1] =	vst.idx.msk $0xffff, v7  }
0x15: {  	v61 =	vld.idx.msk [tilespmem:v1+s18+$0xFFFFFFD0 ss:$0x1], $0xffff;
	s27 =	sshll.u32 s16, $0x8;
	[tilespmem:v0+s18+$0x30 ss:$0x1] =	vst.idx.msk $0xffff, v56  }
0x16: {  	s20 =	sshll.u32 s14, $0x3;
	v62 =	vld.idx.msk [tilespmem:v1+s18+$0xFFFFFFE0 ss:$0x1], $0xffff;
	s30 =	sand.u32 $0x78, s14;
	s15 =	sshll.u32 s15, $0x13;
	[tilespmem:v0+s18+$0xFFFFFFC0 ss:$0x1] =	vst.idx.msk $0xffff, v57  }
0x17: {  	s28 =	sshll.u32 s16, $0x7;
	v63 =	vld.idx.msk [tilespmem:v1+s18+$0xFFFFFFF0 ss:$0x1], $0xffff;
	s19 =	sand.u32 $0x3FF800, s27;
	s20 =	sand.u32 $0x3FFC00, s20;
	[tilespmem:v0+s18+$0xFFFFFFD0 ss:$0x1] =	vst.idx.msk $0xffff, v58  }
0x18: {  	s29 =	sand.u32 $0x300, s28;
	s16 =	sand.u32 $0x80, s28;
	s19 =	sadd.s32 s19, s20;
	[tilespmem:v0+s18+$0xFFFFFFE0 ss:$0x1] =	vst.idx.msk $0xffff, v59  }
0x19: {  	s31 =	sand.u32 $0x7, s14;
	s16 =	sor.u32 s16, s30;
	s19 =	sor.u32 s29, s19;
	[tilespmem:v0+s18+$0xFFFFFFF0 ss:$0x1] =	vst.idx.msk $0xffff, v60  }
0x1a: {  	s15 =	sadd.s32 s3, s15;
	s16 =	sshrl.u32 s16, $0x3;
	s19 =	sshrl.u32 s19, $0x3;
	[tilespmem:v0+s18+$0x0 ss:$0x1] =	vst.idx.msk $0xffff, v61  }
0x1b: {  	s14 =	sshll.u32 s31, $0x12;
	s15 =	sadd.s32 s16, s15;
	[tilespmem:v0+s18+$0x10 ss:$0x1] =	vst.idx.msk $0xffff, v62;
	s19 =	sand.u32 $0x7FFE0, s19  }
0x1c: {  	s14 =	sor.u32 $0x400, s14;
	[tilespmem:v0+s18+$0x20 ss:$0x1] =	vst.idx.msk $0xffff, v63;
	s15 =	sadd.s32 s19, s15  }
0x1d: {  	[hbm4b:s15+s14] =	stream.strided.scatter [tilespmem:s17], [sflag:$0x2], $0x4000, s8, s14, $0x38;
	[tilespmem:$0x10000] =	vst v63  }
.LBB1_5:
0x1e: {  	s17 =	sadd.s32 $0x80, s10  }
0x1f: {  	s14 =	simm.s32 $0x1;
	p1 =	sgt.s32 s17, $0xFF  }
0x20: {  	s14 =	simm.s32 @!p1 $0x0  }
0x21: {  	s18 =	sadd.s32 s14, s11  }
0x22: {  	s20 =	smov.u32 s12;
	s14 =	sadd.s32 $0x1000, s12;
	p2 =	sgt.s32 s18, $0x4  }
0x23: {  	s20 =	smov.u32 @p2 s14  }
0x24: {  	p0 =	slt.u32 s13, $0x2;
	s17 =	simm.s32 @p1 $0x0;
	p1 =	sgt.s32 s20, $0x3FFF  }
0x25: {  	s19 =	simm.s32 @!p0 $0x2;
	s20 =	smov.u32 @p1 s2;
	p1 =	sne.s32 s13, s7  }
.Ltmp1:
0x26: {  	_ =	swait.ge @!p0 [sflag:s19], $0x4000;
	(pc) =	sbr.rel @!p1 .LBB1_6-.Ltmp1, $4  }
0x27: {  	s15 =	smov.u32 s11;
	[sflag:s19] =	ssyncset.done @!p0 $0x0  }
0x28: {  	s16 =	smov.u32 s12;
	s9 =	sadd.s32 $0x4000, s9;
	[sflag:s19] =	ssyncadd.s32 @!p0 $0xFFFFC000  }
0x29: {  	s18 =	simm.s32 @p2 $0x0;
	s14 =	smov.u32 s10;
	s10 =	smov.u32 s17  }
0x2a: {  	s11 =	smov.u32 s18;
	s13 =	sadd.s32 $0x1, s13;
	s12 =	smov.u32 s20  }
.LBB1_1:
0x2b: {  	p0 =	sge.u32 s13, s5;
	s31 =	sadd.s32 $0xFFFFFFFF, s13  }
0x2c: {  	s17 =	sxor.u32 @!p0 $0xFFFFFFFF, s13;
	s18 =	sshll.u32 @!p0 s11, $0x7;
	s19 =	sand.u32 @!p0 $0x78, s10  }
0x2d: {  	s20 =	sshll.u32 @!p0 s10, $0x3;
	s17 =	sshll.u32 @!p0 s17, $0xE;
	s18 =	sand.u32 @!p0 $0x380, s18  }
0x2e: {  	s20 =	sand.u32 @!p0 $0x400, s20;
	s17 =	sand.u32 @!p0 $0x4000, s17;
	s18 =	sor.u32 @!p0 s19, s18  }
0x2f: {  	s19 =	sshll.u32 @!p0 s12, $0x8;
	s18 =	sor.u32 @!p0 s20, s18;
	s20 =	sand.u32 @!p0 $0x7, s10  }
0x30: {  	s19 =	sadd.s32 @!p0 s6, s19;
	s18 =	sshrl.u32 @!p0 s18, $0x3;
	s20 =	sshll.u32 @!p0 s20, $0x12  }
0x31: {  	s18 =	sadd.s32 @!p0 s18, s19;
	s19 =	sor.u32 @!p0 $0x80, s20;
	s20 =	simm.s32 @!p0 $0x800  }
0x32: {  	[tilespmem:s17], [sflag:$0x1] =	stream.strided.gather @!p0 [hbm4b:s18+s19], $0x4000, s20, s19, $0x38;
	[tilespmem:$0x10000] =	vst v63  }
0x33: {  	p0 =	sge.u32 s31, s5  }
.Ltmp2:
0x34: {  	_ = 	snop;
	(pc) =	sbr.rel @p0 .LBB1_5-.Ltmp2, $1  }
0x35: {  	_ =	sdelay $0x3  }
0x36: {  	s17 =	sand.u32 $0x4000, s9  }
0x37: {  	s18 =	sor.u32 $0x70, s17  }
0x38: {  	v1 =	vmov s18;
	_ =	sdelay $0x1  }
0x39: {  	_ =	swait.ge [sflag:s4], $0x4000  }
0x3a: {  	[sflag:s4] =	ssyncset.done $0x0  }
0x3b: {  	s19 =	simm.s32 $0x0;
	[sflag:s4] =	ssyncadd.s32 $0xFFFFC000  }
0x3c: {  	s17 =	sor.u32 $0x8040, s17;
	v7 =	vld.idx.msk [tilespmem:v1+s19+$0x0 ss:$0x1], $0xffff  }
0x3d: {  	v0 =	vmov s17;
	v8 =	vld.idx.msk [tilespmem:v1+s19+$0xFFFFFF90 ss:$0x1], $0xffff  }
0x3e: {  	v6 =	vld.idx.msk [tilespmem:v1+s19+$0xFFFFFFA0 ss:$0x1], $0xffff  }
0x3f: {  	v4 =	vld.idx.msk [tilespmem:v1+s19+$0xFFFFFFB0 ss:$0x1], $0xffff  }
0x40: {  	v2 =	vld.idx.msk [tilespmem:v1+s19+$0xFFFFFFC0 ss:$0x1], $0xffff  }
0x41: {  	s31 =	sshll.u32 s13, $0xE;
	v3 =	vld.idx.msk [tilespmem:v1+s19+$0xFFFFFFD0 ss:$0x1], $0xffff  }
0x42: {  	s17 =	sand.u32 $0x4000, s31;
	v5 =	vld.idx.msk [tilespmem:v1+s19+$0xFFFFFFE0 ss:$0x1], $0xffff;
	[tilespmem:v0+s19+$0x30 ss:$0x1] =	vst.idx.msk $0xffff, v7  }
0x43: {  	s20 =	simm.s32 $0x400;
	s18 =	simm.s32 $0x80;
	s17 =	sor.u32 $0x8000, s17;
	[tilespmem:v0+s19+$0xFFFFFFC0 ss:$0x1] =	vst.idx.msk $0xffff, v8;
	v7 =	vld.idx.msk [tilespmem:v1+s19+$0xFFFFFFF0 ss:$0x1], $0xffff  }
.LBB1_3:
0x44: {  	p0 =	sne.s32 s20, $0xFE00;
	v8 =	vld.idx.msk [tilespmem:v1+s18+$0x0 ss:$0x1], $0xffff;
	[tilespmem:v0+s19+$0xFFFFFFD0 ss:$0x1] =	vst.idx.msk $0xffff, v6  }
0x45: {  	v9 =	vld.idx.msk [tilespmem:v1+s18+$0xFFFFFF90 ss:$0x1], $0xffff;
	[tilespmem:v0+s19+$0xFFFFFFE0 ss:$0x1] =	vst.idx.msk $0xffff, v4  }
0x46: {  	v6 =	vld.idx.msk [tilespmem:v1+s18+$0xFFFFFFA0 ss:$0x1], $0xffff;
	[tilespmem:v0+s19+$0xFFFFFFF0 ss:$0x1] =	vst.idx.msk $0xffff, v2  }
.Ltmp3:
0x47: {  	v4 =	vld.idx.msk [tilespmem:v1+s18+$0xFFFFFFB0 ss:$0x1], $0xffff;
	[tilespmem:v0+s19+$0x0 ss:$0x1] =	vst.idx.msk $0xffff, v3;
	(pc) =	sbr.rel @p0 .LBB1_3-.Ltmp3, $4  }
0x48: {  	v2 =	vld.idx.msk [tilespmem:v1+s18+$0xFFFFFFC0 ss:$0x1], $0xffff;
	[tilespmem:v0+s19+$0x10 ss:$0x1] =	vst.idx.msk $0xffff, v5  }
0x49: {  	v3 =	vld.idx.msk [tilespmem:v1+s18+$0xFFFFFFD0 ss:$0x1], $0xffff;
	[tilespmem:v0+s19+$0x20 ss:$0x1] =	vst.idx.msk $0xffff, v7;
	s19 =	smov.u32 s18  }
0x4a: {  	v5 =	vld.idx.msk [tilespmem:v1+s19+$0xFFFFFFE0 ss:$0x1], $0xffff;
	[tilespmem:v0+s19+$0x30 ss:$0x1] =	vst.idx.msk $0xffff, v8  }
0x4b: {  	s18 =	sshra.s32 s20, $0x2;
	s20 =	sadd.s32 $0x200, s20;
	[tilespmem:v0+s19+$0xFFFFFFC0 ss:$0x1] =	vst.idx.msk $0xffff, v9;
	v7 =	vld.idx.msk [tilespmem:v1+s19+$0xFFFFFFF0 ss:$0x1], $0xffff  }
.Ltmp4:
0x4c: {  	_ = 	snop;
	(pc) =	sbr.rel .LBB1_4-.Ltmp4, $1  }
0x4d: {  	_ =	sdelay $0x3  }
.LBB1_6:
0x4e: {  	_ =	sfence.sel $0x180000  }
0x4f: {  	s2 =	simm.s32 $0x1;
	[bflag:$0x0] =	sbarrier.arrive $0xFFFF  }
0x50: {  	s31 =	simm.s32 $0x2;
	[sflag:s2] =	ssyncpa.u1 $0x1  }
0x51: {  	[sflag:s31] =	ssyncpa.u1 $0x1  }
0x52: {  	p0 =	sne.s32 s0, $0x0;
	_ =	strace $0x9000004A  }
0x53: {  	s0 =	sadd.s32 @!p0 $0x100000, s1;
	[bflag:$0x2] =	sbarrier.arrive $0xFFFF  }
0x54: {  	[sflag:s0] =	ssyncadd.tile.s32 @!p0 $0x1;
	_ =	shalt  }
.Lfunc_end1:
_tile_overlayer_lowered:
.L_overlay_start_2:
0x55: {  	(tag) =	ssettag $0x2  }
0x56: {  	s0 =	rddreg [dreg:$0x0];
	s2 =	stileid.u32  }
0x57: {  	s1 =	rddreg [dreg:$0x1];
	p0 =	sne.s32 s2, $0x0  }
0x58: {  	s3 =	rddreg [dreg:$0x2];
	[bflag:$0x3] =	sbarrier.arrive $0xFFFF;
	s2 =	simm.s32 @!p0 $0x1C01  }
0x59: {  	[timem:s3], [sflag:s2] =	dma.local @!p0 [hbm:s0], s1  }
0x5a: {  	s0 =	simm.s32 @!p0 $0x1  }
0x5b: {  	_ =	swait.ge @!p0 [sflag:s0], s1  }
0x5c: {  	s1 =	ssub.s32 @!p0 $0x0, s1;
	[sflag:s0] =	ssyncset.done @!p0 $0x0  }
0x5d: {  	[sflag:s0] =	ssyncadd.s32 @!p0 s1  }
0x5e: {  	[bflag:$0x3] =	sbarrier.arrive $0xFFFF  }
0x5f: {  	_ =	shalt  }

</sc_bundles>
